<compile_context>
chip_gen: v7x
topology: tpu7x:2x2x1
jax: 0.10.2.dev20260603
libtpu: 0.0.44.dev20260713+nightly
codegen_flags: <defaults>
</compile_context>

<pallas_src>
import functools

import jax
import jax.numpy as jnp
from jax import lax
from jax.experimental import pallas as pl
from jax.experimental.pallas import tpu as pltpu
from jax.experimental.pallas import tpu_sc as plsc

_CHUNK = 128
_SUB = 8


def _gather_call(B, V, D):
  info = plsc.get_sparse_core_info()
  NC, NS, L = info.num_cores, info.num_subcores, info.num_lanes
  NW = NC * NS
  b_per_w = B // NW
  c_per_w = b_per_w // _CHUNK
  vecs = _CHUNK // L
  assert B % (NW * _CHUNK) == 0 and D <= _SUB

  mesh = plsc.VectorSubcoreMesh(core_axis_name="c", subcore_axis_name="s")

  @functools.partial(
      pl.kernel,
      mesh=mesh,
      compiler_params=pltpu.CompilerParams(
          use_tc_tiling_on_sc=False, needs_layout_passes=False
      ),
      out_type=jax.ShapeDtypeStruct((B // _CHUNK, _SUB, _CHUNK), jnp.float32),
      scratch_types=[
          pltpu.VMEM((b_per_w,), jnp.int32),
          pltpu.VMEM((c_per_w, D, _CHUNK), jnp.int32),
          pltpu.VMEM((c_per_w, _SUB, _CHUNK), jnp.float32),
          [pltpu.SemaphoreType.DMA] * 4,
          pltpu.SemaphoreType.DMA,
      ],
  )
  def gather_kernel(ids_hbm, data_hbm, out_hbm, ids_v, widx_v, out_v, sems,
                    out_sem):
    wid = lax.axis_index("s") * NC + lax.axis_index("c")
    pltpu.sync_copy(ids_hbm.at[pl.ds(wid * b_per_w, b_per_w)], ids_v)
    copies = []
    for c in range(c_per_w):
      for j in range(D):
        for u in range(vecs):
          idv = ids_v[pl.ds(c * _CHUNK + u * L, L)]
          widx_v[c, j, pl.ds(u * L, L)] = idv + (j * V) if j else idv
        copies.append(
            pltpu.async_copy(
                data_hbm.at[widx_v.at[c, j]],
                out_v.at[c, j],
                sems[c],
            )
        )
    outs = []
    for c in range(c_per_w):
      for k in range(D):
        copies[c * D + k].wait()
      outs.append(
          pltpu.async_copy(
              out_v.at[c],
              out_hbm.at[wid * c_per_w + c],
              out_sem,
          )
      )
    for cp in outs:
      cp.wait()

  return gather_kernel


def kernel(ids, data):
  B, = ids.shape
  V, D = data.shape
  img = _gather_call(B, V, D)(ids, data.T.reshape(V * D))
  return img.transpose(0, 2, 1).reshape(B, _SUB)[:, :D]

# --- scband reference (transcript-rebuilt; emitter-appended) ---
"""Pipeline reference for scband-pose-array-30185030156571 (READ-ONLY COPY).

The authoritative reference and input builder live on the scoring server;
editing this copy changes nothing except your own understanding.
"""

import jax, jax.numpy as jnp
import numpy as np

NUM_FRAMES = 100000
NUM_PARAMS = 6
BATCH = 16384

def setup_inputs(seed: int = 0) -> dict:
    key = jax.random.key(seed)
    k_ids, k_data = jax.random.split(key)
    ids = jax.random.randint(k_ids, (BATCH,), 0, NUM_FRAMES, dtype=jnp.int64 if jax.config.jax_enable_x64 else jnp.int32).astype(jnp.int32)
    data = jax.random.normal(k_data, (NUM_FRAMES, NUM_PARAMS), dtype=jnp.float32)
    return {"ids": ids, "data": data}

def reference(ids, data):
    # PoseArray.forward: simple row gather from the pose parameter table
    return jnp.take(data, ids, axis=0)

if __name__ == "__main__":
    import jax
    _d = setup_inputs()
    print(jax.jit(kernel)(*tuple(_d.values())))

</pallas_src>

<mosaic_0001>
#map = affine_map<(d0, d1) -> (0)>
#map1 = affine_map<(d0, d1) -> (0, 0, 0)>
module attributes {stable_mosaic.version = 14 : i64} {
  func.func @gather_kernel(%arg0: i32, %arg1: i32, %arg2: memref<16384xi32, #tpu.memory_space<hbm>>, %arg3: memref<600000xf32, #tpu.memory_space<hbm>>, %arg4: memref<128x8x128xf32, #tpu.memory_space<hbm>>, %arg5: memref<512xi32, #tpu.memory_space<vmem>>, %arg6: memref<4x6x128xi32, #tpu.memory_space<vmem>>, %arg7: memref<4x8x128xf32, #tpu.memory_space<vmem>>, %arg8: memref<!tpu.dma_semaphore, #tpu.memory_space<semaphore_mem>>, %arg9: memref<!tpu.dma_semaphore, #tpu.memory_space<semaphore_mem>>, %arg10: memref<!tpu.dma_semaphore, #tpu.memory_space<semaphore_mem>>, %arg11: memref<!tpu.dma_semaphore, #tpu.memory_space<semaphore_mem>>, %arg12: memref<!tpu.dma_semaphore, #tpu.memory_space<semaphore_mem>>) attributes {dimension_semantics = [#tpu.dimension_semantics<core_parallel>, #tpu.dimension_semantics<subcore_parallel>], iteration_bounds = array<i64: 2, 16>, scalar_prefetch = 0 : i64, scratch_operands = 8 : i64, tpu.core_type = #tpu.core_type<sc_vector_subcore>, window_params = [{transform_indices = #map}, {transform_indices = #map}, {transform_indices = #map1}]} {
    %mul3A = arith.constant 2 : i32
    %mul3A_0 = arith.muli %arg1, %mul3A : i32
    %add3A = arith.addi %mul3A_0, %arg0 : i32
    %mul3A_1 = arith.constant 512 : i32
    %mul3A_2 = arith.muli %add3A, %mul3A_1 : i32
    "tpu.region"() ({
      %run_scoped3A = tpu.sem_alloc : memref<!tpu.dma_semaphore, #tpu.memory_space<semaphore_mem>>
      %dma_start3A_2743 = tpu.memref_slice %arg2[%mul3A_2] : memref<16384xi32, #tpu.memory_space<hbm>> -> memref<512xi32, #tpu.memory_space<hbm>>
      %dma_start3A_2744 = tpu.memref_slice %arg2[%mul3A_2] : memref<16384xi32, #tpu.memory_space<hbm>> -> memref<512xi32, #tpu.memory_space<hbm>>
      tpu.enqueue_dma source(%dma_start3A_2744 : memref<512xi32, #tpu.memory_space<hbm>>) target(%arg5 : memref<512xi32, #tpu.memory_space<vmem>>) target_semaphore(%run_scoped3A : memref<!tpu.dma_semaphore, #tpu.memory_space<semaphore_mem>>)
      %dma_wait3A_2745 = tpu.memref_slice %arg2[%mul3A_2] : memref<16384xi32, #tpu.memory_space<hbm>> -> memref<512xi32, #tpu.memory_space<hbm>>
      %dma_wait3A_2746 = tpu.memref_slice %arg2[%mul3A_2] : memref<16384xi32, #tpu.memory_space<hbm>> -> memref<512xi32, #tpu.memory_space<hbm>>
      tpu.wait_dma2 semaphore(%run_scoped3A : memref<!tpu.dma_semaphore, #tpu.memory_space<semaphore_mem>>) src(%dma_wait3A_2746 : memref<512xi32, #tpu.memory_space<hbm>>) dst(%arg5 : memref<512xi32, #tpu.memory_space<vmem>>)
      tpu.yield
    }) : () -> ()
    %get3A = arith.constant 0 : index
    %get3A_3 = tpu.vector_load %arg5[%get3A] {strides = array<i32>} : memref<512xi32, #tpu.memory_space<vmem>>, vector<16xi32>,
    %swap3A = arith.constant 0 : i32
    %swap3A_4 = arith.constant 0 : i32
    %swap3A_5 = arith.index_cast %swap3A : i32 to index
    %swap3A_6 = arith.index_cast %swap3A_4 : i32 to index
    %swap3A_7 = arith.constant 0 : index
    %swap3A_8 = tpu.vector_load %arg6[%swap3A_5, %swap3A_6, %swap3A_7] {strides = array<i32>} : memref<4x6x128xi32, #tpu.memory_space<vmem>>, vector<16xi32>,
    tpu.vector_store %arg6[%swap3A_5, %swap3A_6, %swap3A_7], %get3A_3 {strides = array<i32>} : memref<4x6x128xi32, #tpu.memory_space<vmem>>, vector<16xi32>,
    %get3A_9 = arith.constant 16 : index
    %get3A_10 = tpu.vector_load %arg5[%get3A_9] {strides = array<i32>} : memref<512xi32, #tpu.memory_space<vmem>>, vector<16xi32>,
    %swap3A_11 = arith.constant 0 : i32
    %swap3A_12 = arith.constant 0 : i32
    %swap3A_13 = arith.index_cast %swap3A_11 : i32 to index
    %swap3A_14 = arith.index_cast %swap3A_12 : i32 to index
    %swap3A_15 = arith.constant 16 : index
    %swap3A_16 = tpu.vector_load %arg6[%swap3A_13, %swap3A_14, %swap3A_15] {strides = array<i32>} : memref<4x6x128xi32, #tpu.memory_space<vmem>>, vector<16xi32>,
    tpu.vector_store %arg6[%swap3A_13, %swap3A_14, %swap3A_15], %get3A_10 {strides = array<i32>} : memref<4x6x128xi32, #tpu.memory_space<vmem>>, vector<16xi32>,
    %get3A_17 = arith.constant 32 : index
    %get3A_18 = tpu.vector_load %arg5[%get3A_17] {strides = array<i32>} : memref<512xi32, #tpu.memory_space<vmem>>, vector<16xi32>,
    %swap3A_19 = arith.constant 0 : i32
    %swap3A_20 = arith.constant 0 : i32
    %swap3A_21 = arith.index_cast %swap3A_19 : i32 to index
    %swap3A_22 = arith.index_cast %swap3A_20 : i32 to index
    %swap3A_23 = arith.constant 32 : index
    %swap3A_24 = tpu.vector_load %arg6[%swap3A_21, %swap3A_22, %swap3A_23] {strides = array<i32>} : memref<4x6x128xi32, #tpu.memory_space<vmem>>, vector<16xi32>,
    tpu.vector_store %arg6[%swap3A_21, %swap3A_22, %swap3A_23], %get3A_18 {strides = array<i32>} : memref<4x6x128xi32, #tpu.memory_space<vmem>>, vector<16xi32>,
    %get3A_25 = arith.constant 48 : index
    %get3A_26 = tpu.vector_load %arg5[%get3A_25] {strides = array<i32>} : memref<512xi32, #tpu.memory_space<vmem>>, vector<16xi32>,
    %swap3A_27 = arith.constant 0 : i32
    %swap3A_28 = arith.constant 0 : i32
    %swap3A_29 = arith.index_cast %swap3A_27 : i32 to index
    %swap3A_30 = arith.index_cast %swap3A_28 : i32 to index
    %swap3A_31 = arith.constant 48 : index
    %swap3A_32 = tpu.vector_load %arg6[%swap3A_29, %swap3A_30, %swap3A_31] {strides = array<i32>} : memref<4x6x128xi32, #tpu.memory_space<vmem>>, vector<16xi32>,
    tpu.vector_store %arg6[%swap3A_29, %swap3A_30, %swap3A_31], %get3A_26 {strides = array<i32>} : memref<4x6x128xi32, #tpu.memory_space<vmem>>, vector<16xi32>,
    %get3A_33 = arith.constant 64 : index
    %get3A_34 = tpu.vector_load %arg5[%get3A_33] {strides = array<i32>} : memref<512xi32, #tpu.memory_space<vmem>>, vector<16xi32>,
    %swap3A_35 = arith.constant 0 : i32
    %swap3A_36 = arith.constant 0 : i32
    %swap3A_37 = arith.index_cast %swap3A_35 : i32 to index
    %swap3A_38 = arith.index_cast %swap3A_36 : i32 to index
    %swap3A_39 = arith.constant 64 : index
    %swap3A_40 = tpu.vector_load %arg6[%swap3A_37, %swap3A_38, %swap3A_39] {strides = array<i32>} : memref<4x6x128xi32, #tpu.memory_space<vmem>>, vector<16xi32>,
    tpu.vector_store %arg6[%swap3A_37, %swap3A_38, %swap3A_39], %get3A_34 {strides = array<i32>} : memref<4x6x128xi32, #tpu.memory_space<vmem>>, vector<16xi32>,
    %get3A_41 = arith.constant 80 : index
    %get3A_42 = tpu.vector_load %arg5[%get3A_41] {strides = array<i32>} : memref<512xi32, #tpu.memory_space<vmem>>, vector<16xi32>,
    %swap3A_43 = arith.constant 0 : i32
    %swap3A_44 = arith.constant 0 : i32
    %swap3A_45 = arith.index_cast %swap3A_43 : i32 to index
    %swap3A_46 = arith.index_cast %swap3A_44 : i32 to index
    %swap3A_47 = arith.constant 80 : index
    %swap3A_48 = tpu.vector_load %arg6[%swap3A_45, %swap3A_46, %swap3A_47] {strides = array<i32>} : memref<4x6x128xi32, #tpu.memory_space<vmem>>, vector<16xi32>,
    tpu.vector_store %arg6[%swap3A_45, %swap3A_46, %swap3A_47], %get3A_42 {strides = array<i32>} : memref<4x6x128xi32, #tpu.memory_space<vmem>>, vector<16xi32>,
    %get3A_49 = arith.constant 96 : index
    %get3A_50 = tpu.vector_load %arg5[%get3A_49] {strides = array<i32>} : memref<512xi32, #tpu.memory_space<vmem>>, vector<16xi32>,
    %swap3A_51 = arith.constant 0 : i32
    %swap3A_52 = arith.constant 0 : i32
    %swap3A_53 = arith.index_cast %swap3A_51 : i32 to index
    %swap3A_54 = arith.index_cast %swap3A_52 : i32 to index
    %swap3A_55 = arith.constant 96 : index
    %swap3A_56 = tpu.vector_load %arg6[%swap3A_53, %swap3A_54, %swap3A_55] {strides = array<i32>} : memref<4x6x128xi32, #tpu.memory_space<vmem>>, vector<16xi32>,
    tpu.vector_store %arg6[%swap3A_53, %swap3A_54, %swap3A_55], %get3A_50 {strides = array<i32>} : memref<4x6x128xi32, #tpu.memory_space<vmem>>, vector<16xi32>,
    %get3A_57 = arith.constant 112 : index
    %get3A_58 = tpu.vector_load %arg5[%get3A_57] {strides = array<i32>} : memref<512xi32, #tpu.memory_space<vmem>>, vector<16xi32>,
    %swap3A_59 = arith.constant 0 : i32
    %swap3A_60 = arith.constant 0 : i32
    %swap3A_61 = arith.index_cast %swap3A_59 : i32 to index
    %swap3A_62 = arith.index_cast %swap3A_60 : i32 to index
    %swap3A_63 = arith.constant 112 : index
    %swap3A_64 = tpu.vector_load %arg6[%swap3A_61, %swap3A_62, %swap3A_63] {strides = array<i32>} : memref<4x6x128xi32, #tpu.memory_space<vmem>>, vector<16xi32>,
    tpu.vector_store %arg6[%swap3A_61, %swap3A_62, %swap3A_63], %get3A_58 {strides = array<i32>} : memref<4x6x128xi32, #tpu.memory_space<vmem>>, vector<16xi32>,
    %dma_start3A = arith.constant 0 : i32
    %dma_start3A_65 = arith.constant 0 : i32
    %dma_start3A_66 = arith.constant 0 : i32
    %dma_start3A_67 = arith.constant 0 : i32
    %dma_start3A_68 = arith.constant 0 : i32
    %dma_start3A_69 = tpu.memref_slice %arg7[%dma_start3A_66, %dma_start3A_67, %dma_start3A_68] : memref<4x8x128xf32, #tpu.memory_space<vmem>> -> memref<1x1x128xf32, #tpu.memory_space<vmem>>
    %dma_start3A_70 = tpu.memref_squeeze %dma_start3A_69 : memref<1x1x128xf32, #tpu.memory_space<vmem>> -> memref<128xf32, #tpu.memory_space<vmem>>
    %dma_start3A_71 = arith.constant 0 : i32
    %dma_start3A_72 = tpu.memref_slice %arg6[%dma_start3A, %dma_start3A_65, %dma_start3A_71] : memref<4x6x128xi32, #tpu.memory_space<vmem>> -> memref<1x1x128xi32, #tpu.memory_space<vmem>>
    %dma_start3A_73 = tpu.memref_squeeze %dma_start3A_72 : memref<1x1x128xi32, #tpu.memory_space<vmem>> -> memref<128xi32, #tpu.memory_space<vmem>>
    %dma_start3A_74 = arith.constant 0 : i32
    %dma_start3A_75 = tpu.memref_slice %arg3[%dma_start3A_74] : memref<600000xf32, #tpu.memory_space<hbm>> -> memref<600000xf32, #tpu.memory_space<hbm>>
    tpu.enqueue_indirect_dma source(%dma_start3A_75 : memref<600000xf32, #tpu.memory_space<hbm>>) target(%dma_start3A_70 : memref<128xf32, #tpu.memory_space<vmem>>) offsets(%dma_start3A_73 : memref<128xi32, #tpu.memory_space<vmem>>) semaphore(%arg8 : memref<!tpu.dma_semaphore, #tpu.memory_space<semaphore_mem>>)
    %get3A_76 = arith.constant 0 : index
    %get3A_77 = tpu.vector_load %arg5[%get3A_76] {strides = array<i32>} : memref<512xi32, #tpu.memory_space<vmem>>, vector<16xi32>,
    %add3A_78 = arith.constant 100000 : i32
    %add3A_79 = vector.broadcast %add3A_78 : i32 to vector<16xi32>
    %add3A_80 = arith.addi %get3A_77, %add3A_79 : vector<16xi32>
    %swap3A_81 = arith.constant 0 : i32
    %swap3A_82 = arith.constant 1 : i32
    %swap3A_83 = arith.index_cast %swap3A_81 : i32 to index
    %swap3A_84 = arith.index_cast %swap3A_82 : i32 to index
    %swap3A_85 = arith.constant 0 : index
    %swap3A_86 = tpu.vector_load %arg6[%swap3A_83, %swap3A_84, %swap3A_85] {strides = array<i32>} : memref<4x6x128xi32, #tpu.memory_space<vmem>>, vector<16xi32>,
    tpu.vector_store %arg6[%swap3A_83, %swap3A_84, %swap3A_85], %add3A_80 {strides = array<i32>} : memref<4x6x128xi32, #tpu.memory_space<vmem>>, vector<16xi32>,
    %get3A_87 = arith.constant 16 : index
    %get3A_88 = tpu.vector_load %arg5[%get3A_87] {strides = array<i32>} : memref<512xi32, #tpu.memory_space<vmem>>, vector<16xi32>,
    %add3A_89 = arith.constant 100000 : i32
    %add3A_90 = vector.broadcast %add3A_89 : i32 to vector<16xi32>
    %add3A_91 = arith.addi %get3A_88, %add3A_90 : vector<16xi32>
    %swap3A_92 = arith.constant 0 : i32
    %swap3A_93 = arith.constant 1 : i32
    %swap3A_94 = arith.index_cast %swap3A_92 : i32 to index
    %swap3A_95 = arith.index_cast %swap3A_93 : i32 to index
    %swap3A_96 = arith.constant 16 : index
    %swap3A_97 = tpu.vector_load %arg6[%swap3A_94, %swap3A_95, %swap3A_96] {strides = array<i32>} : memref<4x6x128xi32, #tpu.memory_space<vmem>>, vector<16xi32>,
    tpu.vector_store %arg6[%swap3A_94, %swap3A_95, %swap3A_96], %add3A_91 {strides = array<i32>} : memref<4x6x128xi32, #tpu.memory_space<vmem>>, vector<16xi32>,
    %get3A_98 = arith.constant 32 : index
    %get3A_99 = tpu.vector_load %arg5[%get3A_98] {strides = array<i32>} : memref<512xi32, #tpu.memory_space<vmem>>, vector<16xi32>,
    %add3A_100 = arith.constant 100000 : i32
    %add3A_101 = vector.broadcast %add3A_100 : i32 to vector<16xi32>
    %add3A_102 = arith.addi %get3A_99, %add3A_101 : vector<16xi32>
    %swap3A_103 = arith.constant 0 : i32
    %swap3A_104 = arith.constant 1 : i32
    %swap3A_105 = arith.index_cast %swap3A_103 : i32 to index
    %swap3A_106 = arith.index_cast %swap3A_104 : i32 to index
    %swap3A_107 = arith.constant 32 : index
    %swap3A_108 = tpu.vector_load %arg6[%swap3A_105, %swap3A_106, %swap3A_107] {strides = array<i32>} : memref<4x6x128xi32, #tpu.memory_space<vmem>>, vector<16xi32>,
    tpu.vector_store %arg6[%swap3A_105, %swap3A_106, %swap3A_107], %add3A_102 {strides = array<i32>} : memref<4x6x128xi32, #tpu.memory_space<vmem>>, vector<16xi32>,
    %get3A_109 = arith.constant 48 : index
    %get3A_110 = tpu.vector_load %arg5[%get3A_109] {strides = array<i32>} : memref<512xi32, #tpu.memory_space<vmem>>, vector<16xi32>,
    %add3A_111 = arith.constant 100000 : i32
    %add3A_112 = vector.broadcast %add3A_111 : i32 to vector<16xi32>
    %add3A_113 = arith.addi %get3A_110, %add3A_112 : vector<16xi32>
    %swap3A_114 = arith.constant 0 : i32
    %swap3A_115 = arith.constant 1 : i32
    %swap3A_116 = arith.index_cast %swap3A_114 : i32 to index
    %swap3A_117 = arith.index_cast %swap3A_115 : i32 to index
    %swap3A_118 = arith.constant 48 : index
    %swap3A_119 = tpu.vector_load %arg6[%swap3A_116, %swap3A_117, %swap3A_118] {strides = array<i32>} : memref<4x6x128xi32, #tpu.memory_space<vmem>>, vector<16xi32>,
    tpu.vector_store %arg6[%swap3A_116, %swap3A_117, %swap3A_118], %add3A_113 {strides = array<i32>} : memref<4x6x128xi32, #tpu.memory_space<vmem>>, vector<16xi32>,
    %get3A_120 = arith.constant 64 : index
    %get3A_121 = tpu.vector_load %arg5[%get3A_120] {strides = array<i32>} : memref<512xi32, #tpu.memory_space<vmem>>, vector<16xi32>,
    %add3A_122 = arith.constant 100000 : i32
    %add3A_123 = vector.broadcast %add3A_122 : i32 to vector<16xi32>
    %add3A_124 = arith.addi %get3A_121, %add3A_123 : vector<16xi32>
    %swap3A_125 = arith.constant 0 : i32
    %swap3A_126 = arith.constant 1 : i32
    %swap3A_127 = arith.index_cast %swap3A_125 : i32 to index
    %swap3A_128 = arith.index_cast %swap3A_126 : i32 to index
    %swap3A_129 = arith.constant 64 : index
    %swap3A_130 = tpu.vector_load %arg6[%swap3A_127, %swap3A_128, %swap3A_129] {strides = array<i32>} : memref<4x6x128xi32, #tpu.memory_space<vmem>>, vector<16xi32>,
    tpu.vector_store %arg6[%swap3A_127, %swap3A_128, %swap3A_129], %add3A_124 {strides = array<i32>} : memref<4x6x128xi32, #tpu.memory_space<vmem>>, vector<16xi32>,
    %get3A_131 = arith.constant 80 : index
    %get3A_132 = tpu.vector_load %arg5[%get3A_131] {strides = array<i32>} : memref<512xi32, #tpu.memory_space<vmem>>, vector<16xi32>,
    %add3A_133 = arith.constant 100000 : i32
    %add3A_134 = vector.broadcast %add3A_133 : i32 to vector<16xi32>
    %add3A_135 = arith.addi %get3A_132, %add3A_134 : vector<16xi32>
    %swap3A_136 = arith.constant 0 : i32
    %swap3A_137 = arith.constant 1 : i32
    %swap3A_138 = arith.index_cast %swap3A_136 : i32 to index
    %swap3A_139 = arith.index_cast %swap3A_137 : i32 to index
    %swap3A_140 = arith.constant 80 : index
    %swap3A_141 = tpu.vector_load %arg6[%swap3A_138, %swap3A_139, %swap3A_140] {strides = array<i32>} : memref<4x6x128xi32, #tpu.memory_space<vmem>>, vector<16xi32>,
    tpu.vector_store %arg6[%swap3A_138, %swap3A_139, %swap3A_140], %add3A_135 {strides = array<i32>} : memref<4x6x128xi32, #tpu.memory_space<vmem>>, vector<16xi32>,
    %get3A_142 = arith.constant 96 : index
    %get3A_143 = tpu.vector_load %arg5[%get3A_142] {strides = array<i32>} : memref<512xi32, #tpu.memory_space<vmem>>, vector<16xi32>,
    %add3A_144 = arith.constant 100000 : i32
    %add3A_145 = vector.broadcast %add3A_144 : i32 to vector<16xi32>
    %add3A_146 = arith.addi %get3A_143, %add3A_145 : vector<16xi32>
    %swap3A_147 = arith.constant 0 : i32
    %swap3A_148 = arith.constant 1 : i32
    %swap3A_149 = arith.index_cast %swap3A_147 : i32 to index
    %swap3A_150 = arith.index_cast %swap3A_148 : i32 to index
    %swap3A_151 = arith.constant 96 : index
    %swap3A_152 = tpu.vector_load %arg6[%swap3A_149, %swap3A_150, %swap3A_151] {strides = array<i32>} : memref<4x6x128xi32, #tpu.memory_space<vmem>>, vector<16xi32>,
    tpu.vector_store %arg6[%swap3A_149, %swap3A_150, %swap3A_151], %add3A_146 {strides = array<i32>} : memref<4x6x128xi32, #tpu.memory_space<vmem>>, vector<16xi32>,
    %get3A_153 = arith.constant 112 : index
    %get3A_154 = tpu.vector_load %arg5[%get3A_153] {strides = array<i32>} : memref<512xi32, #tpu.memory_space<vmem>>, vector<16xi32>,
    %add3A_155 = arith.constant 100000 : i32
    %add3A_156 = vector.broadcast %add3A_155 : i32 to vector<16xi32>
    %add3A_157 = arith.addi %get3A_154, %add3A_156 : vector<16xi32>
    %swap3A_158 = arith.constant 0 : i32
    %swap3A_159 = arith.constant 1 : i32
    %swap3A_160 = arith.index_cast %swap3A_158 : i32 to index
    %swap3A_161 = arith.index_cast %swap3A_159 : i32 to index
    %swap3A_162 = arith.constant 112 : index
    %swap3A_163 = tpu.vector_load %arg6[%swap3A_160, %swap3A_161, %swap3A_162] {strides = array<i32>} : memref<4x6x128xi32, #tpu.memory_space<vmem>>, vector<16xi32>,
    tpu.vector_store %arg6[%swap3A_160, %swap3A_161, %swap3A_162], %add3A_157 {strides = array<i32>} : memref<4x6x128xi32, #tpu.memory_space<vmem>>, vector<16xi32>,
    %dma_start3A_164 = arith.constant 0 : i32
    %dma_start3A_165 = arith.constant 1 : i32
    %dma_start3A_166 = arith.constant 0 : i32
    %dma_start3A_167 = arith.constant 1 : i32
    %dma_start3A_168 = arith.constant 0 : i32
    %dma_start3A_169 = tpu.memref_slice %arg7[%dma_start3A_166, %dma_start3A_167, %dma_start3A_168] : memref<4x8x128xf32, #tpu.memory_space<vmem>> -> memref<1x1x128xf32, #tpu.memory_space<vmem>>
    %dma_start3A_170 = tpu.memref_squeeze %dma_start3A_169 : memref<1x1x128xf32, #tpu.memory_space<vmem>> -> memref<128xf32, #tpu.memory_space<vmem>>
    %dma_start3A_171 = arith.constant 0 : i32
    %dma_start3A_172 = tpu.memref_slice %arg6[%dma_start3A_164, %dma_start3A_165, %dma_start3A_171] : memref<4x6x128xi32, #tpu.memory_space<vmem>> -> memref<1x1x128xi32, #tpu.memory_space<vmem>>
    %dma_start3A_173 = tpu.memref_squeeze %dma_start3A_172 : memref<1x1x128xi32, #tpu.memory_space<vmem>> -> memref<128xi32, #tpu.memory_space<vmem>>
    %dma_start3A_174 = arith.constant 0 : i32
    %dma_start3A_175 = tpu.memref_slice %arg3[%dma_start3A_174] : memref<600000xf32, #tpu.memory_space<hbm>> -> memref<600000xf32, #tpu.memory_space<hbm>>
    tpu.enqueue_indirect_dma source(%dma_start3A_175 : memref<600000xf32, #tpu.memory_space<hbm>>) target(%dma_start3A_170 : memref<128xf32, #tpu.memory_space<vmem>>) offsets(%dma_start3A_173 : memref<128xi32, #tpu.memory_space<vmem>>) semaphore(%arg8 : memref<!tpu.dma_semaphore, #tpu.memory_space<semaphore_mem>>)
    %get3A_176 = arith.constant 0 : index
    %get3A_177 = tpu.vector_load %arg5[%get3A_176] {strides = array<i32>} : memref<512xi32, #tpu.memory_space<vmem>>, vector<16xi32>,
    %add3A_178 = arith.constant 200000 : i32
    %add3A_179 = vector.broadcast %add3A_178 : i32 to vector<16xi32>
    %add3A_180 = arith.addi %get3A_177, %add3A_179 : vector<16xi32>
    %swap3A_181 = arith.constant 0 : i32
    %swap3A_182 = arith.constant 2 : i32
    %swap3A_183 = arith.index_cast %swap3A_181 : i32 to index
    %swap3A_184 = arith.index_cast %swap3A_182 : i32 to index
    %swap3A_185 = arith.constant 0 : index
    %swap3A_186 = tpu.vector_load %arg6[%swap3A_183, %swap3A_184, %swap3A_185] {strides = array<i32>} : memref<4x6x128xi32, #tpu.memory_space<vmem>>, vector<16xi32>,
    tpu.vector_store %arg6[%swap3A_183, %swap3A_184, %swap3A_185], %add3A_180 {strides = array<i32>} : memref<4x6x128xi32, #tpu.memory_space<vmem>>, vector<16xi32>,
    %get3A_187 = arith.constant 16 : index
    %get3A_188 = tpu.vector_load %arg5[%get3A_187] {strides = array<i32>} : memref<512xi32, #tpu.memory_space<vmem>>, vector<16xi32>,
    %add3A_189 = arith.constant 200000 : i32
    %add3A_190 = vector.broadcast %add3A_189 : i32 to vector<16xi32>
    %add3A_191 = arith.addi %get3A_188, %add3A_190 : vector<16xi32>
    %swap3A_192 = arith.constant 0 : i32
    %swap3A_193 = arith.constant 2 : i32
    %swap3A_194 = arith.index_cast %swap3A_192 : i32 to index
    %swap3A_195 = arith.index_cast %swap3A_193 : i32 to index
    %swap3A_196 = arith.constant 16 : index
    %swap3A_197 = tpu.vector_load %arg6[%swap3A_194, %swap3A_195, %swap3A_196] {strides = array<i32>} : memref<4x6x128xi32, #tpu.memory_space<vmem>>, vector<16xi32>,
    tpu.vector_store %arg6[%swap3A_194, %swap3A_195, %swap3A_196], %add3A_191 {strides = array<i32>} : memref<4x6x128xi32, #tpu.memory_space<vmem>>, vector<16xi32>,
    %get3A_198 = arith.constant 32 : index
    %get3A_199 = tpu.vector_load %arg5[%get3A_198] {strides = array<i32>} : memref<512xi32, #tpu.memory_space<vmem>>, vector<16xi32>,
    %add3A_200 = arith.constant 200000 : i32
    %add3A_201 = vector.broadcast %add3A_200 : i32 to vector<16xi32>
    %add3A_202 = arith.addi %get3A_199, %add3A_201 : vector<16xi32>
    %swap3A_203 = arith.constant 0 : i32
    %swap3A_204 = arith.constant 2 : i32
    %swap3A_205 = arith.index_cast %swap3A_203 : i32 to index
    %swap3A_206 = arith.index_cast %swap3A_204 : i32 to index
    %swap3A_207 = arith.constant 32 : index
    %swap3A_208 = tpu.vector_load %arg6[%swap3A_205, %swap3A_206, %swap3A_207] {strides = array<i32>} : memref<4x6x128xi32, #tpu.memory_space<vmem>>, vector<16xi32>,
    tpu.vector_store %arg6[%swap3A_205, %swap3A_206, %swap3A_207], %add3A_202 {strides = array<i32>} : memref<4x6x128xi32, #tpu.memory_space<vmem>>, vector<16xi32>,
    %get3A_209 = arith.constant 48 : index
    %get3A_210 = tpu.vector_load %arg5[%get3A_209] {strides = array<i32>} : memref<512xi32, #tpu.memory_space<vmem>>, vector<16xi32>,
    %add3A_211 = arith.constant 200000 : i32
    %add3A_212 = vector.broadcast %add3A_211 : i32 to vector<16xi32>
    %add3A_213 = arith.addi %get3A_210, %add3A_212 : vector<16xi32>
    %swap3A_214 = arith.constant 0 : i32
    %swap3A_215 = arith.constant 2 : i32
    %swap3A_216 = arith.index_cast %swap3A_214 : i32 to index
    %swap3A_217 = arith.index_cast %swap3A_215 : i32 to index
    %swap3A_218 = arith.constant 48 : index
    %swap3A_219 = tpu.vector_load %arg6[%swap3A_216, %swap3A_217, %swap3A_218] {strides = array<i32>} : memref<4x6x128xi32, #tpu.memory_space<vmem>>, vector<16xi32>,
    tpu.vector_store %arg6[%swap3A_216, %swap3A_217, %swap3A_218], %add3A_213 {strides = array<i32>} : memref<4x6x128xi32, #tpu.memory_space<vmem>>, vector<16xi32>,
    %get3A_220 = arith.constant 64 : index
    %get3A_221 = tpu.vector_load %arg5[%get3A_220] {strides = array<i32>} : memref<512xi32, #tpu.memory_space<vmem>>, vector<16xi32>,
    %add3A_222 = arith.constant 200000 : i32
    %add3A_223 = vector.broadcast %add3A_222 : i32 to vector<16xi32>
    %add3A_224 = arith.addi %get3A_221, %add3A_223 : vector<16xi32>
    %swap3A_225 = arith.constant 0 : i32
    %swap3A_226 = arith.constant 2 : i32
    %swap3A_227 = arith.index_cast %swap3A_225 : i32 to index
    %swap3A_228 = arith.index_cast %swap3A_226 : i32 to index
    %swap3A_229 = arith.constant 64 : index
    %swap3A_230 = tpu.vector_load %arg6[%swap3A_227, %swap3A_228, %swap3A_229] {strides = array<i32>} : memref<4x6x128xi32, #tpu.memory_space<vmem>>, vector<16xi32>,
    tpu.vector_store %arg6[%swap3A_227, %swap3A_228, %swap3A_229], %add3A_224 {strides = array<i32>} : memref<4x6x128xi32, #tpu.memory_space<vmem>>, vector<16xi32>,
    %get3A_231 = arith.constant 80 : index
    %get3A_232 = tpu.vector_load %arg5[%get3A_231] {strides = array<i32>} : memref<512xi32, #tpu.memory_space<vmem>>, vector<16xi32>,
    %add3A_233 = arith.constant 200000 : i32
    %add3A_234 = vector.broadcast %add3A_233 : i32 to vector<16xi32>
    %add3A_235 = arith.addi %get3A_232, %add3A_234 : vector<16xi32>
    %swap3A_236 = arith.constant 0 : i32
    %swap3A_237 = arith.constant 2 : i32
    %swap3A_238 = arith.index_cast %swap3A_236 : i32 to index
    %swap3A_239 = arith.index_cast %swap3A_237 : i32 to index
    %swap3A_240 = arith.constant 80 : index
    %swap3A_241 = tpu.vector_load %arg6[%swap3A_238, %swap3A_239, %swap3A_240] {strides = array<i32>} : memref<4x6x128xi32, #tpu.memory_space<vmem>>, vector<16xi32>,
    tpu.vector_store %arg6[%swap3A_238, %swap3A_239, %swap3A_240], %add3A_235 {strides = array<i32>} : memref<4x6x128xi32, #tpu.memory_space<vmem>>, vector<16xi32>,
    %get3A_242 = arith.constant 96 : index
    %get3A_243 = tpu.vector_load %arg5[%get3A_242] {strides = array<i32>} : memref<512xi32, #tpu.memory_space<vmem>>, vector<16xi32>,
    %add3A_244 = arith.constant 200000 : i32
    %add3A_245 = vector.broadcast %add3A_244 : i32 to vector<16xi32>
    %add3A_246 = arith.addi %get3A_243, %add3A_245 : vector<16xi32>
    %swap3A_247 = arith.constant 0 : i32
    %swap3A_248 = arith.constant 2 : i32
    %swap3A_249 = arith.index_cast %swap3A_247 : i32 to index
    %swap3A_250 = arith.index_cast %swap3A_248 : i32 to index
    %swap3A_251 = arith.constant 96 : index
    %swap3A_252 = tpu.vector_load %arg6[%swap3A_249, %swap3A_250, %swap3A_251] {strides = array<i32>} : memref<4x6x128xi32, #tpu.memory_space<vmem>>, vector<16xi32>,
    tpu.vector_store %arg6[%swap3A_249, %swap3A_250, %swap3A_251], %add3A_246 {strides = array<i32>} : memref<4x6x128xi32, #tpu.memory_space<vmem>>, vector<16xi32>,
    %get3A_253 = arith.constant 112 : index
    %get3A_254 = tpu.vector_load %arg5[%get3A_253] {strides = array<i32>} : memref<512xi32, #tpu.memory_space<vmem>>, vector<16xi32>,
    %add3A_255 = arith.constant 200000 : i32
    %add3A_256 = vector.broadcast %add3A_255 : i32 to vector<16xi32>
    %add3A_257 = arith.addi %get3A_254, %add3A_256 : vector<16xi32>
    %swap3A_258 = arith.constant 0 : i32
    %swap3A_259 = arith.constant 2 : i32
    %swap3A_260 = arith.index_cast %swap3A_258 : i32 to index
    %swap3A_261 = arith.index_cast %swap3A_259 : i32 to index
    %swap3A_262 = arith.constant 112 : index
    %swap3A_263 = tpu.vector_load %arg6[%swap3A_260, %swap3A_261, %swap3A_262] {strides = array<i32>} : memref<4x6x128xi32, #tpu.memory_space<vmem>>, vector<16xi32>,
    tpu.vector_store %arg6[%swap3A_260, %swap3A_261, %swap3A_262], %add3A_257 {strides = array<i32>} : memref<4x6x128xi32, #tpu.memory_space<vmem>>, vector<16xi32>,
    %dma_start3A_264 = arith.constant 0 : i32
    %dma_start3A_265 = arith.constant 2 : i32
    %dma_start3A_266 = arith.constant 0 : i32
    %dma_start3A_267 = arith.constant 2 : i32
    %dma_start3A_268 = arith.constant 0 : i32
    %dma_start3A_269 = tpu.memref_slice %arg7[%dma_start3A_266, %dma_start3A_267, %dma_start3A_268] : memref<4x8x128xf32, #tpu.memory_space<vmem>> -> memref<1x1x128xf32, #tpu.memory_space<vmem>>
    %dma_start3A_270 = tpu.memref_squeeze %dma_start3A_269 : memref<1x1x128xf32, #tpu.memory_space<vmem>> -> memref<128xf32, #tpu.memory_space<vmem>>
    %dma_start3A_271 = arith.constant 0 : i32
    %dma_start3A_272 = tpu.memref_slice %arg6[%dma_start3A_264, %dma_start3A_265, %dma_start3A_271] : memref<4x6x128xi32, #tpu.memory_space<vmem>> -> memref<1x1x128xi32, #tpu.memory_space<vmem>>
    %dma_start3A_273 = tpu.memref_squeeze %dma_start3A_272 : memref<1x1x128xi32, #tpu.memory_space<vmem>> -> memref<128xi32, #tpu.memory_space<vmem>>
    %dma_start3A_274 = arith.constant 0 : i32
    %dma_start3A_275 = tpu.memref_slice %arg3[%dma_start3A_274] : memref<600000xf32, #tpu.memory_space<hbm>> -> memref<600000xf32, #tpu.memory_space<hbm>>
    tpu.enqueue_indirect_dma source(%dma_start3A_275 : memref<600000xf32, #tpu.memory_space<hbm>>) target(%dma_start3A_270 : memref<128xf32, #tpu.memory_space<vmem>>) offsets(%dma_start3A_273 : memref<128xi32, #tpu.memory_space<vmem>>) semaphore(%arg8 : memref<!tpu.dma_semaphore, #tpu.memory_space<semaphore_mem>>)
    %get3A_276 = arith.constant 0 : index
    %get3A_277 = tpu.vector_load %arg5[%get3A_276] {strides = array<i32>} : memref<512xi32, #tpu.memory_space<vmem>>, vector<16xi32>,
    %add3A_278 = arith.constant 300000 : i32
    %add3A_279 = vector.broadcast %add3A_278 : i32 to vector<16xi32>
    %add3A_280 = arith.addi %get3A_277, %add3A_279 : vector<16xi32>
    %swap3A_281 = arith.constant 0 : i32
    %swap3A_282 = arith.constant 3 : i32
    %swap3A_283 = arith.index_cast %swap3A_281 : i32 to index
    %swap3A_284 = arith.index_cast %swap3A_282 : i32 to index
    %swap3A_285 = arith.constant 0 : index
    %swap3A_286 = tpu.vector_load %arg6[%swap3A_283, %swap3A_284, %swap3A_285] {strides = array<i32>} : memref<4x6x128xi32, #tpu.memory_space<vmem>>, vector<16xi32>,
    tpu.vector_store %arg6[%swap3A_283, %swap3A_284, %swap3A_285], %add3A_280 {strides = array<i32>} : memref<4x6x128xi32, #tpu.memory_space<vmem>>, vector<16xi32>,
    %get3A_287 = arith.constant 16 : index
    %get3A_288 = tpu.vector_load %arg5[%get3A_287] {strides = array<i32>} : memref<512xi32, #tpu.memory_space<vmem>>, vector<16xi32>,
    %add3A_289 = arith.constant 300000 : i32
    %add3A_290 = vector.broadcast %add3A_289 : i32 to vector<16xi32>
    %add3A_291 = arith.addi %get3A_288, %add3A_290 : vector<16xi32>
    %swap3A_292 = arith.constant 0 : i32
    %swap3A_293 = arith.constant 3 : i32
    %swap3A_294 = arith.index_cast %swap3A_292 : i32 to index
    %swap3A_295 = arith.index_cast %swap3A_293 : i32 to index
    %swap3A_296 = arith.constant 16 : index
    %swap3A_297 = tpu.vector_load %arg6[%swap3A_294, %swap3A_295, %swap3A_296] {strides = array<i32>} : memref<4x6x128xi32, #tpu.memory_space<vmem>>, vector<16xi32>,
    tpu.vector_store %arg6[%swap3A_294, %swap3A_295, %swap3A_296], %add3A_291 {strides = array<i32>} : memref<4x6x128xi32, #tpu.memory_space<vmem>>, vector<16xi32>,
    %get3A_298 = arith.constant 32 : index
    %get3A_299 = tpu.vector_load %arg5[%get3A_298] {strides = array<i32>} : memref<512xi32, #tpu.memory_space<vmem>>, vector<16xi32>,
    %add3A_300 = arith.constant 300000 : i32
    %add3A_301 = vector.broadcast %add3A_300 : i32 to vector<16xi32>
    %add3A_302 = arith.addi %get3A_299, %add3A_301 : vector<16xi32>
    %swap3A_303 = arith.constant 0 : i32
    %swap3A_304 = arith.constant 3 : i32
    %swap3A_305 = arith.index_cast %swap3A_303 : i32 to index
    %swap3A_306 = arith.index_cast %swap3A_304 : i32 to index
    %swap3A_307 = arith.constant 32 : index
    %swap3A_308 = tpu.vector_load %arg6[%swap3A_305, %swap3A_306, %swap3A_307] {strides = array<i32>} : memref<4x6x128xi32, #tpu.memory_space<vmem>>, vector<16xi32>,
    tpu.vector_store %arg6[%swap3A_305, %swap3A_306, %swap3A_307], %add3A_302 {strides = array<i32>} : memref<4x6x128xi32, #tpu.memory_space<vmem>>, vector<16xi32>,
    %get3A_309 = arith.constant 48 : index
    %get3A_310 = tpu.vector_load %arg5[%get3A_309] {strides = array<i32>} : memref<512xi32, #tpu.memory_space<vmem>>, vector<16xi32>,
    %add3A_311 = arith.constant 300000 : i32
    %add3A_312 = vector.broadcast %add3A_311 : i32 to vector<16xi32>
    %add3A_313 = arith.addi %get3A_310, %add3A_312 : vector<16xi32>
    %swap3A_314 = arith.constant 0 : i32
    %swap3A_315 = arith.constant 3 : i32
    %swap3A_316 = arith.index_cast %swap3A_314 : i32 to index
    %swap3A_317 = arith.index_cast %swap3A_315 : i32 to index
    %swap3A_318 = arith.constant 48 : index
    %swap3A_319 = tpu.vector_load %arg6[%swap3A_316, %swap3A_317, %swap3A_318] {strides = array<i32>} : memref<4x6x128xi32, #tpu.memory_space<vmem>>, vector<16xi32>,
    tpu.vector_store %arg6[%swap3A_316, %swap3A_317, %swap3A_318], %add3A_313 {strides = array<i32>} : memref<4x6x128xi32, #tpu.memory_space<vmem>>, vector<16xi32>,
    %get3A_320 = arith.constant 64 : index
    %get3A_321 = tpu.vector_load %arg5[%get3A_320] {strides = array<i32>} : memref<512xi32, #tpu.memory_space<vmem>>, vector<16xi32>,
    %add3A_322 = arith.constant 300000 : i32
    %add3A_323 = vector.broadcast %add3A_322 : i32 to vector<16xi32>
    %add3A_324 = arith.addi %get3A_321, %add3A_323 : vector<16xi32>
    %swap3A_325 = arith.constant 0 : i32
    %swap3A_326 = arith.constant 3 : i32
    %swap3A_327 = arith.index_cast %swap3A_325 : i32 to index
    %swap3A_328 = arith.index_cast %swap3A_326 : i32 to index
    %swap3A_329 = arith.constant 64 : index
    %swap3A_330 = tpu.vector_load %arg6[%swap3A_327, %swap3A_328, %swap3A_329] {strides = array<i32>} : memref<4x6x128xi32, #tpu.memory_space<vmem>>, vector<16xi32>,
    tpu.vector_store %arg6[%swap3A_327, %swap3A_328, %swap3A_329], %add3A_324 {strides = array<i32>} : memref<4x6x128xi32, #tpu.memory_space<vmem>>, vector<16xi32>,
    %get3A_331 = arith.constant 80 : index
    %get3A_332 = tpu.vector_load %arg5[%get3A_331] {strides = array<i32>} : memref<512xi32, #tpu.memory_space<vmem>>, vector<16xi32>,
    %add3A_333 = arith.constant 300000 : i32
    %add3A_334 = vector.broadcast %add3A_333 : i32 to vector<16xi32>
    %add3A_335 = arith.addi %get3A_332, %add3A_334 : vector<16xi32>
    %swap3A_336 = arith.constant 0 : i32
    %swap3A_337 = arith.constant 3 : i32
    %swap3A_338 = arith.index_cast %swap3A_336 : i32 to index
    %swap3A_339 = arith.index_cast %swap3A_337 : i32 to index
    %swap3A_340 = arith.constant 80 : index
    %swap3A_341 = tpu.vector_load %arg6[%swap3A_338, %swap3A_339, %swap3A_340] {strides = array<i32>} : memref<4x6x128xi32, #tpu.memory_space<vmem>>, vector<16xi32>,
    tpu.vector_store %arg6[%swap3A_338, %swap3A_339, %swap3A_340], %add3A_335 {strides = array<i32>} : memref<4x6x128xi32, #tpu.memory_space<vmem>>, vector<16xi32>,
    %get3A_342 = arith.constant 96 : index
    %get3A_343 = tpu.vector_load %arg5[%get3A_342] {strides = array<i32>} : memref<512xi32, #tpu.memory_space<vmem>>, vector<16xi32>,
    %add3A_344 = arith.constant 300000 : i32
    %add3A_345 = vector.broadcast %add3A_344 : i32 to vector<16xi32>
    %add3A_346 = arith.addi %get3A_343, %add3A_345 : vector<16xi32>
    %swap3A_347 = arith.constant 0 : i32
    %swap3A_348 = arith.constant 3 : i32
    %swap3A_349 = arith.index_cast %swap3A_347 : i32 to index
    %swap3A_350 = arith.index_cast %swap3A_348 : i32 to index
    %swap3A_351 = arith.constant 96 : index
    %swap3A_352 = tpu.vector_load %arg6[%swap3A_349, %swap3A_350, %swap3A_351] {strides = array<i32>} : memref<4x6x128xi32, #tpu.memory_space<vmem>>, vector<16xi32>,
    tpu.vector_store %arg6[%swap3A_349, %swap3A_350, %swap3A_351], %add3A_346 {strides = array<i32>} : memref<4x6x128xi32, #tpu.memory_space<vmem>>, vector<16xi32>,
    %get3A_353 = arith.constant 112 : index
    %get3A_354 = tpu.vector_load %arg5[%get3A_353] {strides = array<i32>} : memref<512xi32, #tpu.memory_space<vmem>>, vector<16xi32>,
    %add3A_355 = arith.constant 300000 : i32
    %add3A_356 = vector.broadcast %add3A_355 : i32 to vector<16xi32>
    %add3A_357 = arith.addi %get3A_354, %add3A_356 : vector<16xi32>
    %swap3A_358 = arith.constant 0 : i32
    %swap3A_359 = arith.constant 3 : i32
    %swap3A_360 = arith.index_cast %swap3A_358 : i32 to index
    %swap3A_361 = arith.index_cast %swap3A_359 : i32 to index
    %swap3A_362 = arith.constant 112 : index
    %swap3A_363 = tpu.vector_load %arg6[%swap3A_360, %swap3A_361, %swap3A_362] {strides = array<i32>} : memref<4x6x128xi32, #tpu.memory_space<vmem>>, vector<16xi32>,
    tpu.vector_store %arg6[%swap3A_360, %swap3A_361, %swap3A_362], %add3A_357 {strides = array<i32>} : memref<4x6x128xi32, #tpu.memory_space<vmem>>, vector<16xi32>,
    %dma_start3A_364 = arith.constant 0 : i32
    %dma_start3A_365 = arith.constant 3 : i32
    %dma_start3A_366 = arith.constant 0 : i32
    %dma_start3A_367 = arith.constant 3 : i32
    %dma_start3A_368 = arith.constant 0 : i32
    %dma_start3A_369 = tpu.memref_slice %arg7[%dma_start3A_366, %dma_start3A_367, %dma_start3A_368] : memref<4x8x128xf32, #tpu.memory_space<vmem>> -> memref<1x1x128xf32, #tpu.memory_space<vmem>>
    %dma_start3A_370 = tpu.memref_squeeze %dma_start3A_369 : memref<1x1x128xf32, #tpu.memory_space<vmem>> -> memref<128xf32, #tpu.memory_space<vmem>>
    %dma_start3A_371 = arith.constant 0 : i32
    %dma_start3A_372 = tpu.memref_slice %arg6[%dma_start3A_364, %dma_start3A_365, %dma_start3A_371] : memref<4x6x128xi32, #tpu.memory_space<vmem>> -> memref<1x1x128xi32, #tpu.memory_space<vmem>>
    %dma_start3A_373 = tpu.memref_squeeze %dma_start3A_372 : memref<1x1x128xi32, #tpu.memory_space<vmem>> -> memref<128xi32, #tpu.memory_space<vmem>>
    %dma_start3A_374 = arith.constant 0 : i32
    %dma_start3A_375 = tpu.memref_slice %arg3[%dma_start3A_374] : memref<600000xf32, #tpu.memory_space<hbm>> -> memref<600000xf32, #tpu.memory_space<hbm>>
    tpu.enqueue_indirect_dma source(%dma_start3A_375 : memref<600000xf32, #tpu.memory_space<hbm>>) target(%dma_start3A_370 : memref<128xf32, #tpu.memory_space<vmem>>) offsets(%dma_start3A_373 : memref<128xi32, #tpu.memory_space<vmem>>) semaphore(%arg8 : memref<!tpu.dma_semaphore, #tpu.memory_space<semaphore_mem>>)
    %get3A_376 = arith.constant 0 : index
    %get3A_377 = tpu.vector_load %arg5[%get3A_376] {strides = array<i32>} : memref<512xi32, #tpu.memory_space<vmem>>, vector<16xi32>,
    %add3A_378 = arith.constant 400000 : i32
    %add3A_379 = vector.broadcast %add3A_378 : i32 to vector<16xi32>
    %add3A_380 = arith.addi %get3A_377, %add3A_379 : vector<16xi32>
    %swap3A_381 = arith.constant 0 : i32
    %swap3A_382 = arith.constant 4 : i32
    %swap3A_383 = arith.index_cast %swap3A_381 : i32 to index
    %swap3A_384 = arith.index_cast %swap3A_382 : i32 to index
    %swap3A_385 = arith.constant 0 : index
    %swap3A_386 = tpu.vector_load %arg6[%swap3A_383, %swap3A_384, %swap3A_385] {strides = array<i32>} : memref<4x6x128xi32, #tpu.memory_space<vmem>>, vector<16xi32>,
    tpu.vector_store %arg6[%swap3A_383, %swap3A_384, %swap3A_385], %add3A_380 {strides = array<i32>} : memref<4x6x128xi32, #tpu.memory_space<vmem>>, vector<16xi32>,
    %get3A_387 = arith.constant 16 : index
    %get3A_388 = tpu.vector_load %arg5[%get3A_387] {strides = array<i32>} : memref<512xi32, #tpu.memory_space<vmem>>, vector<16xi32>,
    %add3A_389 = arith.constant 400000 : i32
    %add3A_390 = vector.broadcast %add3A_389 : i32 to vector<16xi32>
    %add3A_391 = arith.addi %get3A_388, %add3A_390 : vector<16xi32>
    %swap3A_392 = arith.constant 0 : i32
    %swap3A_393 = arith.constant 4 : i32
    %swap3A_394 = arith.index_cast %swap3A_392 : i32 to index
    %swap3A_395 = arith.index_cast %swap3A_393 : i32 to index
    %swap3A_396 = arith.constant 16 : index
    %swap3A_397 = tpu.vector_load %arg6[%swap3A_394, %swap3A_395, %swap3A_396] {strides = array<i32>} : memref<4x6x128xi32, #tpu.memory_space<vmem>>, vector<16xi32>,
    tpu.vector_store %arg6[%swap3A_394, %swap3A_395, %swap3A_396], %add3A_391 {strides = array<i32>} : memref<4x6x128xi32, #tpu.memory_space<vmem>>, vector<16xi32>,
    %get3A_398 = arith.constant 32 : index
    %get3A_399 = tpu.vector_load %arg5[%get3A_398] {strides = array<i32>} : memref<512xi32, #tpu.memory_space<vmem>>, vector<16xi32>,
    %add3A_400 = arith.constant 400000 : i32
    %add3A_401 = vector.broadcast %add3A_400 : i32 to vector<16xi32>
    %add3A_402 = arith.addi %get3A_399, %add3A_401 : vector<16xi32>
    %swap3A_403 = arith.constant 0 : i32
    %swap3A_404 = arith.constant 4 : i32
    %swap3A_405 = arith.index_cast %swap3A_403 : i32 to index
    %swap3A_406 = arith.index_cast %swap3A_404 : i32 to index
    %swap3A_407 = arith.constant 32 : index
    %swap3A_408 = tpu.vector_load %arg6[%swap3A_405, %swap3A_406, %swap3A_407] {strides = array<i32>} : memref<4x6x128xi32, #tpu.memory_space<vmem>>, vector<16xi32>,
    tpu.vector_store %arg6[%swap3A_405, %swap3A_406, %swap3A_407], %add3A_402 {strides = array<i32>} : memref<4x6x128xi32, #tpu.memory_space<vmem>>, vector<16xi32>,
    %get3A_409 = arith.constant 48 : index
    %get3A_410 = tpu.vector_load %arg5[%get3A_409] {strides = array<i32>} : memref<512xi32, #tpu.memory_space<vmem>>, vector<16xi32>,
    %add3A_411 = arith.constant 400000 : i32
    %add3A_412 = vector.broadcast %add3A_411 : i32 to vector<16xi32>
    %add3A_413 = arith.addi %get3A_410, %add3A_412 : vector<16xi32>
    %swap3A_414 = arith.constant 0 : i32
    %swap3A_415 = arith.constant 4 : i32
    %swap3A_416 = arith.index_cast %swap3A_414 : i32 to index
    %swap3A_417 = arith.index_cast %swap3A_415 : i32 to index
    %swap3A_418 = arith.constant 48 : index
    %swap3A_419 = tpu.vector_load %arg6[%swap3A_416, %swap3A_417, %swap3A_418] {strides = array<i32>} : memref<4x6x128xi32, #tpu.memory_space<vmem>>, vector<16xi32>,
    tpu.vector_store %arg6[%swap3A_416, %swap3A_417, %swap3A_418], %add3A_413 {strides = array<i32>} : memref<4x6x128xi32, #tpu.memory_space<vmem>>, vector<16xi32>,
    %get3A_420 = arith.constant 64 : index
    %get3A_421 = tpu.vector_load %arg5[%get3A_420] {strides = array<i32>} : memref<512xi32, #tpu.memory_space<vmem>>, vector<16xi32>,
    %add3A_422 = arith.constant 400000 : i32
    %add3A_423 = vector.broadcast %add3A_422 : i32 to vector<16xi32>
    %add3A_424 = arith.addi %get3A_421, %add3A_423 : vector<16xi32>
    %swap3A_425 = arith.constant 0 : i32
    %swap3A_426 = arith.constant 4 : i32
    %swap3A_427 = arith.index_cast %swap3A_425 : i32 to index
    %swap3A_428 = arith.index_cast %swap3A_426 : i32 to index
    %swap3A_429 = arith.constant 64 : index
    %swap3A_430 = tpu.vector_load %arg6[%swap3A_427, %swap3A_428, %swap3A_429] {strides = array<i32>} : memref<4x6x128xi32, #tpu.memory_space<vmem>>, vector<16xi32>,
    tpu.vector_store %arg6[%swap3A_427, %swap3A_428, %swap3A_429], %add3A_424 {strides = array<i32>} : memref<4x6x128xi32, #tpu.memory_space<vmem>>, vector<16xi32>,
    %get3A_431 = arith.constant 80 : index
    %get3A_432 = tpu.vector_load %arg5[%get3A_431] {strides = array<i32>} : memref<512xi32, #tpu.memory_space<vmem>>, vector<16xi32>,
    %add3A_433 = arith.constant 400000 : i32
    %add3A_434 = vector.broadcast %add3A_433 : i32 to vector<16xi32>
    %add3A_435 = arith.addi %get3A_432, %add3A_434 : vector<16xi32>
    %swap3A_436 = arith.constant 0 : i32
    %swap3A_437 = arith.constant 4 : i32
    %swap3A_438 = arith.index_cast %swap3A_436 : i32 to index
    %swap3A_439 = arith.index_cast %swap3A_437 : i32 to index
    %swap3A_440 = arith.constant 80 : index
    %swap3A_441 = tpu.vector_load %arg6[%swap3A_438, %swap3A_439, %swap3A_440] {strides = array<i32>} : memref<4x6x128xi32, #tpu.memory_space<vmem>>, vector<16xi32>,
    tpu.vector_store %arg6[%swap3A_438, %swap3A_439, %swap3A_440], %add3A_435 {strides = array<i32>} : memref<4x6x128xi32, #tpu.memory_space<vmem>>, vector<16xi32>,
    %get3A_442 = arith.constant 96 : index
    %get3A_443 = tpu.vector_load %arg5[%get3A_442] {strides = array<i32>} : memref<512xi32, #tpu.memory_space<vmem>>, vector<16xi32>,
    %add3A_444 = arith.constant 400000 : i32
    %add3A_445 = vector.broadcast %add3A_444 : i32 to vector<16xi32>
    %add3A_446 = arith.addi %get3A_443, %add3A_445 : vector<16xi32>
    %swap3A_447 = arith.constant 0 : i32
    %swap3A_448 = arith.constant 4 : i32
    %swap3A_449 = arith.index_cast %swap3A_447 : i32 to index
    %swap3A_450 = arith.index_cast %swap3A_448 : i32 to index
    %swap3A_451 = arith.constant 96 : index
    %swap3A_452 = tpu.vector_load %arg6[%swap3A_449, %swap3A_450, %swap3A_451] {strides = array<i32>} : memref<4x6x128xi32, #tpu.memory_space<vmem>>, vector<16xi32>,
    tpu.vector_store %arg6[%swap3A_449, %swap3A_450, %swap3A_451], %add3A_446 {strides = array<i32>} : memref<4x6x128xi32, #tpu.memory_space<vmem>>, vector<16xi32>,
    %get3A_453 = arith.constant 112 : index
    %get3A_454 = tpu.vector_load %arg5[%get3A_453] {strides = array<i32>} : memref<512xi32, #tpu.memory_space<vmem>>, vector<16xi32>,
    %add3A_455 = arith.constant 400000 : i32
    %add3A_456 = vector.broadcast %add3A_455 : i32 to vector<16xi32>
    %add3A_457 = arith.addi %get3A_454, %add3A_456 : vector<16xi32>
    %swap3A_458 = arith.constant 0 : i32
    %swap3A_459 = arith.constant 4 : i32
    %swap3A_460 = arith.index_cast %swap3A_458 : i32 to index
    %swap3A_461 = arith.index_cast %swap3A_459 : i32 to index
    %swap3A_462 = arith.constant 112 : index
    %swap3A_463 = tpu.vector_load %arg6[%swap3A_460, %swap3A_461, %swap3A_462] {strides = array<i32>} : memref<4x6x128xi32, #tpu.memory_space<vmem>>, vector<16xi32>,
    tpu.vector_store %arg6[%swap3A_460, %swap3A_461, %swap3A_462], %add3A_457 {strides = array<i32>} : memref<4x6x128xi32, #tpu.memory_space<vmem>>, vector<16xi32>,
    %dma_start3A_464 = arith.constant 0 : i32
    %dma_start3A_465 = arith.constant 4 : i32
    %dma_start3A_466 = arith.constant 0 : i32
    %dma_start3A_467 = arith.constant 4 : i32
    %dma_start3A_468 = arith.constant 0 : i32
    %dma_start3A_469 = tpu.memref_slice %arg7[%dma_start3A_466, %dma_start3A_467, %dma_start3A_468] : memref<4x8x128xf32, #tpu.memory_space<vmem>> -> memref<1x1x128xf32, #tpu.memory_space<vmem>>
    %dma_start3A_470 = tpu.memref_squeeze %dma_start3A_469 : memref<1x1x128xf32, #tpu.memory_space<vmem>> -> memref<128xf32, #tpu.memory_space<vmem>>
    %dma_start3A_471 = arith.constant 0 : i32
    %dma_start3A_472 = tpu.memref_slice %arg6[%dma_start3A_464, %dma_start3A_465, %dma_start3A_471] : memref<4x6x128xi32, #tpu.memory_space<vmem>> -> memref<1x1x128xi32, #tpu.memory_space<vmem>>
    %dma_start3A_473 = tpu.memref_squeeze %dma_start3A_472 : memref<1x1x128xi32, #tpu.memory_space<vmem>> -> memref<128xi32, #tpu.memory_space<vmem>>
    %dma_start3A_474 = arith.constant 0 : i32
    %dma_start3A_475 = tpu.memref_slice %arg3[%dma_start3A_474] : memref<600000xf32, #tpu.memory_space<hbm>> -> memref<600000xf32, #tpu.memory_space<hbm>>
    tpu.enqueue_indirect_dma source(%dma_start3A_475 : memref<600000xf32, #tpu.memory_space<hbm>>) target(%dma_start3A_470 : memref<128xf32, #tpu.memory_space<vmem>>) offsets(%dma_start3A_473 : memref<128xi32, #tpu.memory_space<vmem>>) semaphore(%arg8 : memref<!tpu.dma_semaphore, #tpu.memory_space<semaphore_mem>>)
    %get3A_476 = arith.constant 0 : index
    %get3A_477 = tpu.vector_load %arg5[%get3A_476] {strides = array<i32>} : memref<512xi32, #tpu.memory_space<vmem>>, vector<16xi32>,
    %add3A_478 = arith.constant 500000 : i32
    %add3A_479 = vector.broadcast %add3A_478 : i32 to vector<16xi32>
    %add3A_480 = arith.addi %get3A_477, %add3A_479 : vector<16xi32>
    %swap3A_481 = arith.constant 0 : i32
    %swap3A_482 = arith.constant 5 : i32
    %swap3A_483 = arith.index_cast %swap3A_481 : i32 to index
    %swap3A_484 = arith.index_cast %swap3A_482 : i32 to index
    %swap3A_485 = arith.constant 0 : index
    %swap3A_486 = tpu.vector_load %arg6[%swap3A_483, %swap3A_484, %swap3A_485] {strides = array<i32>} : memref<4x6x128xi32, #tpu.memory_space<vmem>>, vector<16xi32>,
    tpu.vector_store %arg6[%swap3A_483, %swap3A_484, %swap3A_485], %add3A_480 {strides = array<i32>} : memref<4x6x128xi32, #tpu.memory_space<vmem>>, vector<16xi32>,
    %get3A_487 = arith.constant 16 : index
    %get3A_488 = tpu.vector_load %arg5[%get3A_487] {strides = array<i32>} : memref<512xi32, #tpu.memory_space<vmem>>, vector<16xi32>,
    %add3A_489 = arith.constant 500000 : i32
    %add3A_490 = vector.broadcast %add3A_489 : i32 to vector<16xi32>
    %add3A_491 = arith.addi %get3A_488, %add3A_490 : vector<16xi32>
    %swap3A_492 = arith.constant 0 : i32
    %swap3A_493 = arith.constant 5 : i32
    %swap3A_494 = arith.index_cast %swap3A_492 : i32 to index
    %swap3A_495 = arith.index_cast %swap3A_493 : i32 to index
    %swap3A_496 = arith.constant 16 : index
    %swap3A_497 = tpu.vector_load %arg6[%swap3A_494, %swap3A_495, %swap3A_496] {strides = array<i32>} : memref<4x6x128xi32, #tpu.memory_space<vmem>>, vector<16xi32>,
    tpu.vector_store %arg6[%swap3A_494, %swap3A_495, %swap3A_496], %add3A_491 {strides = array<i32>} : memref<4x6x128xi32, #tpu.memory_space<vmem>>, vector<16xi32>,
    %get3A_498 = arith.constant 32 : index
    %get3A_499 = tpu.vector_load %arg5[%get3A_498] {strides = array<i32>} : memref<512xi32, #tpu.memory_space<vmem>>, vector<16xi32>,
    %add3A_500 = arith.constant 500000 : i32
    %add3A_501 = vector.broadcast %add3A_500 : i32 to vector<16xi32>
    %add3A_502 = arith.addi %get3A_499, %add3A_501 : vector<16xi32>
    %swap3A_503 = arith.constant 0 : i32
    %swap3A_504 = arith.constant 5 : i32
    %swap3A_505 = arith.index_cast %swap3A_503 : i32 to index
    %swap3A_506 = arith.index_cast %swap3A_504 : i32 to index
    %swap3A_507 = arith.constant 32 : index
    %swap3A_508 = tpu.vector_load %arg6[%swap3A_505, %swap3A_506, %swap3A_507] {strides = array<i32>} : memref<4x6x128xi32, #tpu.memory_space<vmem>>, vector<16xi32>,
    tpu.vector_store %arg6[%swap3A_505, %swap3A_506, %swap3A_507], %add3A_502 {strides = array<i32>} : memref<4x6x128xi32, #tpu.memory_space<vmem>>, vector<16xi32>,
    %get3A_509 = arith.constant 48 : index
    %get3A_510 = tpu.vector_load %arg5[%get3A_509] {strides = array<i32>} : memref<512xi32, #tpu.memory_space<vmem>>, vector<16xi32>,
    %add3A_511 = arith.constant 500000 : i32
    %add3A_512 = vector.broadcast %add3A_511 : i32 to vector<16xi32>
    %add3A_513 = arith.addi %get3A_510, %add3A_512 : vector<16xi32>
    %swap3A_514 = arith.constant 0 : i32
    %swap3A_515 = arith.constant 5 : i32
    %swap3A_516 = arith.index_cast %swap3A_514 : i32 to index
    %swap3A_517 = arith.index_cast %swap3A_515 : i32 to index
    %swap3A_518 = arith.constant 48 : index
    %swap3A_519 = tpu.vector_load %arg6[%swap3A_516, %swap3A_517, %swap3A_518] {strides = array<i32>} : memref<4x6x128xi32, #tpu.memory_space<vmem>>, vector<16xi32>,
    tpu.vector_store %arg6[%swap3A_516, %swap3A_517, %swap3A_518], %add3A_513 {strides = array<i32>} : memref<4x6x128xi32, #tpu.memory_space<vmem>>, vector<16xi32>,
    %get3A_520 = arith.constant 64 : index
    %get3A_521 = tpu.vector_load %arg5[%get3A_520] {strides = array<i32>} : memref<512xi32, #tpu.memory_space<vmem>>, vector<16xi32>,
    %add3A_522 = arith.constant 500000 : i32
    %add3A_523 = vector.broadcast %add3A_522 : i32 to vector<16xi32>
    %add3A_524 = arith.addi %get3A_521, %add3A_523 : vector<16xi32>
    %swap3A_525 = arith.constant 0 : i32
    %swap3A_526 = arith.constant 5 : i32
    %swap3A_527 = arith.index_cast %swap3A_525 : i32 to index
    %swap3A_528 = arith.index_cast %swap3A_526 : i32 to index
    %swap3A_529 = arith.constant 64 : index
    %swap3A_530 = tpu.vector_load %arg6[%swap3A_527, %swap3A_528, %swap3A_529] {strides = array<i32>} : memref<4x6x128xi32, #tpu.memory_space<vmem>>, vector<16xi32>,
    tpu.vector_store %arg6[%swap3A_527, %swap3A_528, %swap3A_529], %add3A_524 {strides = array<i32>} : memref<4x6x128xi32, #tpu.memory_space<vmem>>, vector<16xi32>,
    %get3A_531 = arith.constant 80 : index
    %get3A_532 = tpu.vector_load %arg5[%get3A_531] {strides = array<i32>} : memref<512xi32, #tpu.memory_space<vmem>>, vector<16xi32>,
    %add3A_533 = arith.constant 500000 : i32
    %add3A_534 = vector.broadcast %add3A_533 : i32 to vector<16xi32>
    %add3A_535 = arith.addi %get3A_532, %add3A_534 : vector<16xi32>
    %swap3A_536 = arith.constant 0 : i32
    %swap3A_537 = arith.constant 5 : i32
    %swap3A_538 = arith.index_cast %swap3A_536 : i32 to index
    %swap3A_539 = arith.index_cast %swap3A_537 : i32 to index
    %swap3A_540 = arith.constant 80 : index
    %swap3A_541 = tpu.vector_load %arg6[%swap3A_538, %swap3A_539, %swap3A_540] {strides = array<i32>} : memref<4x6x128xi32, #tpu.memory_space<vmem>>, vector<16xi32>,
    tpu.vector_store %arg6[%swap3A_538, %swap3A_539, %swap3A_540], %add3A_535 {strides = array<i32>} : memref<4x6x128xi32, #tpu.memory_space<vmem>>, vector<16xi32>,
    %get3A_542 = arith.constant 96 : index
    %get3A_543 = tpu.vector_load %arg5[%get3A_542] {strides = array<i32>} : memref<512xi32, #tpu.memory_space<vmem>>, vector<16xi32>,
    %add3A_544 = arith.constant 500000 : i32
    %add3A_545 = vector.broadcast %add3A_544 : i32 to vector<16xi32>
    %add3A_546 = arith.addi %get3A_543, %add3A_545 : vector<16xi32>
    %swap3A_547 = arith.constant 0 : i32
    %swap3A_548 = arith.constant 5 : i32
    %swap3A_549 = arith.index_cast %swap3A_547 : i32 to index
    %swap3A_550 = arith.index_cast %swap3A_548 : i32 to index
    %swap3A_551 = arith.constant 96 : index
    %swap3A_552 = tpu.vector_load %arg6[%swap3A_549, %swap3A_550, %swap3A_551] {strides = array<i32>} : memref<4x6x128xi32, #tpu.memory_space<vmem>>, vector<16xi32>,
    tpu.vector_store %arg6[%swap3A_549, %swap3A_550, %swap3A_551], %add3A_546 {strides = array<i32>} : memref<4x6x128xi32, #tpu.memory_space<vmem>>, vector<16xi32>,
    %get3A_553 = arith.constant 112 : index
    %get3A_554 = tpu.vector_load %arg5[%get3A_553] {strides = array<i32>} : memref<512xi32, #tpu.memory_space<vmem>>, vector<16xi32>,
    %add3A_555 = arith.constant 500000 : i32
    %add3A_556 = vector.broadcast %add3A_555 : i32 to vector<16xi32>
    %add3A_557 = arith.addi %get3A_554, %add3A_556 : vector<16xi32>
    %swap3A_558 = arith.constant 0 : i32
    %swap3A_559 = arith.constant 5 : i32
    %swap3A_560 = arith.index_cast %swap3A_558 : i32 to index
    %swap3A_561 = arith.index_cast %swap3A_559 : i32 to index
    %swap3A_562 = arith.constant 112 : index
    %swap3A_563 = tpu.vector_load %arg6[%swap3A_560, %swap3A_561, %swap3A_562] {strides = array<i32>} : memref<4x6x128xi32, #tpu.memory_space<vmem>>, vector<16xi32>,
    tpu.vector_store %arg6[%swap3A_560, %swap3A_561, %swap3A_562], %add3A_557 {strides = array<i32>} : memref<4x6x128xi32, #tpu.memory_space<vmem>>, vector<16xi32>,
    %dma_start3A_564 = arith.constant 0 : i32
    %dma_start3A_565 = arith.constant 5 : i32
    %dma_start3A_566 = arith.constant 0 : i32
    %dma_start3A_567 = arith.constant 5 : i32
    %dma_start3A_568 = arith.constant 0 : i32
    %dma_start3A_569 = tpu.memref_slice %arg7[%dma_start3A_566, %dma_start3A_567, %dma_start3A_568] : memref<4x8x128xf32, #tpu.memory_space<vmem>> -> memref<1x1x128xf32, #tpu.memory_space<vmem>>
    %dma_start3A_570 = tpu.memref_squeeze %dma_start3A_569 : memref<1x1x128xf32, #tpu.memory_space<vmem>> -> memref<128xf32, #tpu.memory_space<vmem>>
    %dma_start3A_571 = arith.constant 0 : i32
    %dma_start3A_572 = tpu.memref_slice %arg6[%dma_start3A_564, %dma_start3A_565, %dma_start3A_571] : memref<4x6x128xi32, #tpu.memory_space<vmem>> -> memref<1x1x128xi32, #tpu.memory_space<vmem>>
    %dma_start3A_573 = tpu.memref_squeeze %dma_start3A_572 : memref<1x1x128xi32, #tpu.memory_space<vmem>> -> memref<128xi32, #tpu.memory_space<vmem>>
    %dma_start3A_574 = arith.constant 0 : i32
    %dma_start3A_575 = tpu.memref_slice %arg3[%dma_start3A_574] : memref<600000xf32, #tpu.memory_space<hbm>> -> memref<600000xf32, #tpu.memory_space<hbm>>
    tpu.enqueue_indirect_dma source(%dma_start3A_575 : memref<600000xf32, #tpu.memory_space<hbm>>) target(%dma_start3A_570 : memref<128xf32, #tpu.memory_space<vmem>>) offsets(%dma_start3A_573 : memref<128xi32, #tpu.memory_space<vmem>>) semaphore(%arg8 : memref<!tpu.dma_semaphore, #tpu.memory_space<semaphore_mem>>)
    %get3A_576 = arith.constant 128 : index
    %get3A_577 = tpu.vector_load %arg5[%get3A_576] {strides = array<i32>} : memref<512xi32, #tpu.memory_space<vmem>>, vector<16xi32>,
    %swap3A_578 = arith.constant 1 : i32
    %swap3A_579 = arith.constant 0 : i32
    %swap3A_580 = arith.index_cast %swap3A_578 : i32 to index
    %swap3A_581 = arith.index_cast %swap3A_579 : i32 to index
    %swap3A_582 = arith.constant 0 : index
    %swap3A_583 = tpu.vector_load %arg6[%swap3A_580, %swap3A_581, %swap3A_582] {strides = array<i32>} : memref<4x6x128xi32, #tpu.memory_space<vmem>>, vector<16xi32>,
    tpu.vector_store %arg6[%swap3A_580, %swap3A_581, %swap3A_582], %get3A_577 {strides = array<i32>} : memref<4x6x128xi32, #tpu.memory_space<vmem>>, vector<16xi32>,
    %get3A_584 = arith.constant 144 : index
    %get3A_585 = tpu.vector_load %arg5[%get3A_584] {strides = array<i32>} : memref<512xi32, #tpu.memory_space<vmem>>, vector<16xi32>,
    %swap3A_586 = arith.constant 1 : i32
    %swap3A_587 = arith.constant 0 : i32
    %swap3A_588 = arith.index_cast %swap3A_586 : i32 to index
    %swap3A_589 = arith.index_cast %swap3A_587 : i32 to index
    %swap3A_590 = arith.constant 16 : index
    %swap3A_591 = tpu.vector_load %arg6[%swap3A_588, %swap3A_589, %swap3A_590] {strides = array<i32>} : memref<4x6x128xi32, #tpu.memory_space<vmem>>, vector<16xi32>,
    tpu.vector_store %arg6[%swap3A_588, %swap3A_589, %swap3A_590], %get3A_585 {strides = array<i32>} : memref<4x6x128xi32, #tpu.memory_space<vmem>>, vector<16xi32>,
    %get3A_592 = arith.constant 160 : index
    %get3A_593 = tpu.vector_load %arg5[%get3A_592] {strides = array<i32>} : memref<512xi32, #tpu.memory_space<vmem>>, vector<16xi32>,
    %swap3A_594 = arith.constant 1 : i32
    %swap3A_595 = arith.constant 0 : i32
    %swap3A_596 = arith.index_cast %swap3A_594 : i32 to index
    %swap3A_597 = arith.index_cast %swap3A_595 : i32 to index
    %swap3A_598 = arith.constant 32 : index
    %swap3A_599 = tpu.vector_load %arg6[%swap3A_596, %swap3A_597, %swap3A_598] {strides = array<i32>} : memref<4x6x128xi32, #tpu.memory_space<vmem>>, vector<16xi32>,
    tpu.vector_store %arg6[%swap3A_596, %swap3A_597, %swap3A_598], %get3A_593 {strides = array<i32>} : memref<4x6x128xi32, #tpu.memory_space<vmem>>, vector<16xi32>,
    %get3A_600 = arith.constant 176 : index
    %get3A_601 = tpu.vector_load %arg5[%get3A_600] {strides = array<i32>} : memref<512xi32, #tpu.memory_space<vmem>>, vector<16xi32>,
    %swap3A_602 = arith.constant 1 : i32
    %swap3A_603 = arith.constant 0 : i32
    %swap3A_604 = arith.index_cast %swap3A_602 : i32 to index
    %swap3A_605 = arith.index_cast %swap3A_603 : i32 to index
    %swap3A_606 = arith.constant 48 : index
    %swap3A_607 = tpu.vector_load %arg6[%swap3A_604, %swap3A_605, %swap3A_606] {strides = array<i32>} : memref<4x6x128xi32, #tpu.memory_space<vmem>>, vector<16xi32>,
    tpu.vector_store %arg6[%swap3A_604, %swap3A_605, %swap3A_606], %get3A_601 {strides = array<i32>} : memref<4x6x128xi32, #tpu.memory_space<vmem>>, vector<16xi32>,
    %get3A_608 = arith.constant 192 : index
    %get3A_609 = tpu.vector_load %arg5[%get3A_608] {strides = array<i32>} : memref<512xi32, #tpu.memory_space<vmem>>, vector<16xi32>,
    %swap3A_610 = arith.constant 1 : i32
    %swap3A_611 = arith.constant 0 : i32
    %swap3A_612 = arith.index_cast %swap3A_610 : i32 to index
    %swap3A_613 = arith.index_cast %swap3A_611 : i32 to index
    %swap3A_614 = arith.constant 64 : index
    %swap3A_615 = tpu.vector_load %arg6[%swap3A_612, %swap3A_613, %swap3A_614] {strides = array<i32>} : memref<4x6x128xi32, #tpu.memory_space<vmem>>, vector<16xi32>,
    tpu.vector_store %arg6[%swap3A_612, %swap3A_613, %swap3A_614], %get3A_609 {strides = array<i32>} : memref<4x6x128xi32, #tpu.memory_space<vmem>>, vector<16xi32>,
    %get3A_616 = arith.constant 208 : index
    %get3A_617 = tpu.vector_load %arg5[%get3A_616] {strides = array<i32>} : memref<512xi32, #tpu.memory_space<vmem>>, vector<16xi32>,
    %swap3A_618 = arith.constant 1 : i32
    %swap3A_619 = arith.constant 0 : i32
    %swap3A_620 = arith.index_cast %swap3A_618 : i32 to index
    %swap3A_621 = arith.index_cast %swap3A_619 : i32 to index
    %swap3A_622 = arith.constant 80 : index
    %swap3A_623 = tpu.vector_load %arg6[%swap3A_620, %swap3A_621, %swap3A_622] {strides = array<i32>} : memref<4x6x128xi32, #tpu.memory_space<vmem>>, vector<16xi32>,
    tpu.vector_store %arg6[%swap3A_620, %swap3A_621, %swap3A_622], %get3A_617 {strides = array<i32>} : memref<4x6x128xi32, #tpu.memory_space<vmem>>, vector<16xi32>,
    %get3A_624 = arith.constant 224 : index
    %get3A_625 = tpu.vector_load %arg5[%get3A_624] {strides = array<i32>} : memref<512xi32, #tpu.memory_space<vmem>>, vector<16xi32>,
    %swap3A_626 = arith.constant 1 : i32
    %swap3A_627 = arith.constant 0 : i32
    %swap3A_628 = arith.index_cast %swap3A_626 : i32 to index
    %swap3A_629 = arith.index_cast %swap3A_627 : i32 to index
    %swap3A_630 = arith.constant 96 : index
    %swap3A_631 = tpu.vector_load %arg6[%swap3A_628, %swap3A_629, %swap3A_630] {strides = array<i32>} : memref<4x6x128xi32, #tpu.memory_space<vmem>>, vector<16xi32>,
    tpu.vector_store %arg6[%swap3A_628, %swap3A_629, %swap3A_630], %get3A_625 {strides = array<i32>} : memref<4x6x128xi32, #tpu.memory_space<vmem>>, vector<16xi32>,
    %get3A_632 = arith.constant 240 : index
    %get3A_633 = tpu.vector_load %arg5[%get3A_632] {strides = array<i32>} : memref<512xi32, #tpu.memory_space<vmem>>, vector<16xi32>,
    %swap3A_634 = arith.constant 1 : i32
    %swap3A_635 = arith.constant 0 : i32
    %swap3A_636 = arith.index_cast %swap3A_634 : i32 to index
    %swap3A_637 = arith.index_cast %swap3A_635 : i32 to index
    %swap3A_638 = arith.constant 112 : index
    %swap3A_639 = tpu.vector_load %arg6[%swap3A_636, %swap3A_637, %swap3A_638] {strides = array<i32>} : memref<4x6x128xi32, #tpu.memory_space<vmem>>, vector<16xi32>,
    tpu.vector_store %arg6[%swap3A_636, %swap3A_637, %swap3A_638], %get3A_633 {strides = array<i32>} : memref<4x6x128xi32, #tpu.memory_space<vmem>>, vector<16xi32>,
    %dma_start3A_640 = arith.constant 1 : i32
    %dma_start3A_641 = arith.constant 0 : i32
    %dma_start3A_642 = arith.constant 1 : i32
    %dma_start3A_643 = arith.constant 0 : i32
    %dma_start3A_644 = arith.constant 0 : i32
    %dma_start3A_645 = tpu.memref_slice %arg7[%dma_start3A_642, %dma_start3A_643, %dma_start3A_644] : memref<4x8x128xf32, #tpu.memory_space<vmem>> -> memref<1x1x128xf32, #tpu.memory_space<vmem>>
    %dma_start3A_646 = tpu.memref_squeeze %dma_start3A_645 : memref<1x1x128xf32, #tpu.memory_space<vmem>> -> memref<128xf32, #tpu.memory_space<vmem>>
    %dma_start3A_647 = arith.constant 0 : i32
    %dma_start3A_648 = tpu.memref_slice %arg6[%dma_start3A_640, %dma_start3A_641, %dma_start3A_647] : memref<4x6x128xi32, #tpu.memory_space<vmem>> -> memref<1x1x128xi32, #tpu.memory_space<vmem>>
    %dma_start3A_649 = tpu.memref_squeeze %dma_start3A_648 : memref<1x1x128xi32, #tpu.memory_space<vmem>> -> memref<128xi32, #tpu.memory_space<vmem>>
    %dma_start3A_650 = arith.constant 0 : i32
    %dma_start3A_651 = tpu.memref_slice %arg3[%dma_start3A_650] : memref<600000xf32, #tpu.memory_space<hbm>> -> memref<600000xf32, #tpu.memory_space<hbm>>
    tpu.enqueue_indirect_dma source(%dma_start3A_651 : memref<600000xf32, #tpu.memory_space<hbm>>) target(%dma_start3A_646 : memref<128xf32, #tpu.memory_space<vmem>>) offsets(%dma_start3A_649 : memref<128xi32, #tpu.memory_space<vmem>>) semaphore(%arg9 : memref<!tpu.dma_semaphore, #tpu.memory_space<semaphore_mem>>)
    %get3A_652 = arith.constant 128 : index
    %get3A_653 = tpu.vector_load %arg5[%get3A_652] {strides = array<i32>} : memref<512xi32, #tpu.memory_space<vmem>>, vector<16xi32>,
    %add3A_654 = arith.constant 100000 : i32
    %add3A_655 = vector.broadcast %add3A_654 : i32 to vector<16xi32>
    %add3A_656 = arith.addi %get3A_653, %add3A_655 : vector<16xi32>
    %swap3A_657 = arith.constant 1 : i32
    %swap3A_658 = arith.constant 1 : i32
    %swap3A_659 = arith.index_cast %swap3A_657 : i32 to index
    %swap3A_660 = arith.index_cast %swap3A_658 : i32 to index
    %swap3A_661 = arith.constant 0 : index
    %swap3A_662 = tpu.vector_load %arg6[%swap3A_659, %swap3A_660, %swap3A_661] {strides = array<i32>} : memref<4x6x128xi32, #tpu.memory_space<vmem>>, vector<16xi32>,
    tpu.vector_store %arg6[%swap3A_659, %swap3A_660, %swap3A_661], %add3A_656 {strides = array<i32>} : memref<4x6x128xi32, #tpu.memory_space<vmem>>, vector<16xi32>,
    %get3A_663 = arith.constant 144 : index
    %get3A_664 = tpu.vector_load %arg5[%get3A_663] {strides = array<i32>} : memref<512xi32, #tpu.memory_space<vmem>>, vector<16xi32>,
    %add3A_665 = arith.constant 100000 : i32
    %add3A_666 = vector.broadcast %add3A_665 : i32 to vector<16xi32>
    %add3A_667 = arith.addi %get3A_664, %add3A_666 : vector<16xi32>
    %swap3A_668 = arith.constant 1 : i32
    %swap3A_669 = arith.constant 1 : i32
    %swap3A_670 = arith.index_cast %swap3A_668 : i32 to index
    %swap3A_671 = arith.index_cast %swap3A_669 : i32 to index
    %swap3A_672 = arith.constant 16 : index
    %swap3A_673 = tpu.vector_load %arg6[%swap3A_670, %swap3A_671, %swap3A_672] {strides = array<i32>} : memref<4x6x128xi32, #tpu.memory_space<vmem>>, vector<16xi32>,
    tpu.vector_store %arg6[%swap3A_670, %swap3A_671, %swap3A_672], %add3A_667 {strides = array<i32>} : memref<4x6x128xi32, #tpu.memory_space<vmem>>, vector<16xi32>,
    %get3A_674 = arith.constant 160 : index
    %get3A_675 = tpu.vector_load %arg5[%get3A_674] {strides = array<i32>} : memref<512xi32, #tpu.memory_space<vmem>>, vector<16xi32>,
    %add3A_676 = arith.constant 100000 : i32
    %add3A_677 = vector.broadcast %add3A_676 : i32 to vector<16xi32>
    %add3A_678 = arith.addi %get3A_675, %add3A_677 : vector<16xi32>
    %swap3A_679 = arith.constant 1 : i32
    %swap3A_680 = arith.constant 1 : i32
    %swap3A_681 = arith.index_cast %swap3A_679 : i32 to index
    %swap3A_682 = arith.index_cast %swap3A_680 : i32 to index
    %swap3A_683 = arith.constant 32 : index
    %swap3A_684 = tpu.vector_load %arg6[%swap3A_681, %swap3A_682, %swap3A_683] {strides = array<i32>} : memref<4x6x128xi32, #tpu.memory_space<vmem>>, vector<16xi32>,
    tpu.vector_store %arg6[%swap3A_681, %swap3A_682, %swap3A_683], %add3A_678 {strides = array<i32>} : memref<4x6x128xi32, #tpu.memory_space<vmem>>, vector<16xi32>,
    %get3A_685 = arith.constant 176 : index
    %get3A_686 = tpu.vector_load %arg5[%get3A_685] {strides = array<i32>} : memref<512xi32, #tpu.memory_space<vmem>>, vector<16xi32>,
    %add3A_687 = arith.constant 100000 : i32
    %add3A_688 = vector.broadcast %add3A_687 : i32 to vector<16xi32>
    %add3A_689 = arith.addi %get3A_686, %add3A_688 : vector<16xi32>
    %swap3A_690 = arith.constant 1 : i32
    %swap3A_691 = arith.constant 1 : i32
    %swap3A_692 = arith.index_cast %swap3A_690 : i32 to index
    %swap3A_693 = arith.index_cast %swap3A_691 : i32 to index
    %swap3A_694 = arith.constant 48 : index
    %swap3A_695 = tpu.vector_load %arg6[%swap3A_692, %swap3A_693, %swap3A_694] {strides = array<i32>} : memref<4x6x128xi32, #tpu.memory_space<vmem>>, vector<16xi32>,
    tpu.vector_store %arg6[%swap3A_692, %swap3A_693, %swap3A_694], %add3A_689 {strides = array<i32>} : memref<4x6x128xi32, #tpu.memory_space<vmem>>, vector<16xi32>,
    %get3A_696 = arith.constant 192 : index
    %get3A_697 = tpu.vector_load %arg5[%get3A_696] {strides = array<i32>} : memref<512xi32, #tpu.memory_space<vmem>>, vector<16xi32>,
    %add3A_698 = arith.constant 100000 : i32
    %add3A_699 = vector.broadcast %add3A_698 : i32 to vector<16xi32>
    %add3A_700 = arith.addi %get3A_697, %add3A_699 : vector<16xi32>
    %swap3A_701 = arith.constant 1 : i32
    %swap3A_702 = arith.constant 1 : i32
    %swap3A_703 = arith.index_cast %swap3A_701 : i32 to index
    %swap3A_704 = arith.index_cast %swap3A_702 : i32 to index
    %swap3A_705 = arith.constant 64 : index
    %swap3A_706 = tpu.vector_load %arg6[%swap3A_703, %swap3A_704, %swap3A_705] {strides = array<i32>} : memref<4x6x128xi32, #tpu.memory_space<vmem>>, vector<16xi32>,
    tpu.vector_store %arg6[%swap3A_703, %swap3A_704, %swap3A_705], %add3A_700 {strides = array<i32>} : memref<4x6x128xi32, #tpu.memory_space<vmem>>, vector<16xi32>,
    %get3A_707 = arith.constant 208 : index
    %get3A_708 = tpu.vector_load %arg5[%get3A_707] {strides = array<i32>} : memref<512xi32, #tpu.memory_space<vmem>>, vector<16xi32>,
    %add3A_709 = arith.constant 100000 : i32
    %add3A_710 = vector.broadcast %add3A_709 : i32 to vector<16xi32>
    %add3A_711 = arith.addi %get3A_708, %add3A_710 : vector<16xi32>
    %swap3A_712 = arith.constant 1 : i32
    %swap3A_713 = arith.constant 1 : i32
    %swap3A_714 = arith.index_cast %swap3A_712 : i32 to index
    %swap3A_715 = arith.index_cast %swap3A_713 : i32 to index
    %swap3A_716 = arith.constant 80 : index
    %swap3A_717 = tpu.vector_load %arg6[%swap3A_714, %swap3A_715, %swap3A_716] {strides = array<i32>} : memref<4x6x128xi32, #tpu.memory_space<vmem>>, vector<16xi32>,
    tpu.vector_store %arg6[%swap3A_714, %swap3A_715, %swap3A_716], %add3A_711 {strides = array<i32>} : memref<4x6x128xi32, #tpu.memory_space<vmem>>, vector<16xi32>,
    %get3A_718 = arith.constant 224 : index
    %get3A_719 = tpu.vector_load %arg5[%get3A_718] {strides = array<i32>} : memref<512xi32, #tpu.memory_space<vmem>>, vector<16xi32>,
    %add3A_720 = arith.constant 100000 : i32
    %add3A_721 = vector.broadcast %add3A_720 : i32 to vector<16xi32>
    %add3A_722 = arith.addi %get3A_719, %add3A_721 : vector<16xi32>
    %swap3A_723 = arith.constant 1 : i32
    %swap3A_724 = arith.constant 1 : i32
    %swap3A_725 = arith.index_cast %swap3A_723 : i32 to index
    %swap3A_726 = arith.index_cast %swap3A_724 : i32 to index
    %swap3A_727 = arith.constant 96 : index
    %swap3A_728 = tpu.vector_load %arg6[%swap3A_725, %swap3A_726, %swap3A_727] {strides = array<i32>} : memref<4x6x128xi32, #tpu.memory_space<vmem>>, vector<16xi32>,
    tpu.vector_store %arg6[%swap3A_725, %swap3A_726, %swap3A_727], %add3A_722 {strides = array<i32>} : memref<4x6x128xi32, #tpu.memory_space<vmem>>, vector<16xi32>,
    %get3A_729 = arith.constant 240 : index
    %get3A_730 = tpu.vector_load %arg5[%get3A_729] {strides = array<i32>} : memref<512xi32, #tpu.memory_space<vmem>>, vector<16xi32>,
    %add3A_731 = arith.constant 100000 : i32
    %add3A_732 = vector.broadcast %add3A_731 : i32 to vector<16xi32>
    %add3A_733 = arith.addi %get3A_730, %add3A_732 : vector<16xi32>
    %swap3A_734 = arith.constant 1 : i32
    %swap3A_735 = arith.constant 1 : i32
    %swap3A_736 = arith.index_cast %swap3A_734 : i32 to index
    %swap3A_737 = arith.index_cast %swap3A_735 : i32 to index
    %swap3A_738 = arith.constant 112 : index
    %swap3A_739 = tpu.vector_load %arg6[%swap3A_736, %swap3A_737, %swap3A_738] {strides = array<i32>} : memref<4x6x128xi32, #tpu.memory_space<vmem>>, vector<16xi32>,
    tpu.vector_store %arg6[%swap3A_736, %swap3A_737, %swap3A_738], %add3A_733 {strides = array<i32>} : memref<4x6x128xi32, #tpu.memory_space<vmem>>, vector<16xi32>,
    %dma_start3A_740 = arith.constant 1 : i32
    %dma_start3A_741 = arith.constant 1 : i32
    %dma_start3A_742 = arith.constant 1 : i32
    %dma_start3A_743 = arith.constant 1 : i32
    %dma_start3A_744 = arith.constant 0 : i32
    %dma_start3A_745 = tpu.memref_slice %arg7[%dma_start3A_742, %dma_start3A_743, %dma_start3A_744] : memref<4x8x128xf32, #tpu.memory_space<vmem>> -> memref<1x1x128xf32, #tpu.memory_space<vmem>>
    %dma_start3A_746 = tpu.memref_squeeze %dma_start3A_745 : memref<1x1x128xf32, #tpu.memory_space<vmem>> -> memref<128xf32, #tpu.memory_space<vmem>>
    %dma_start3A_747 = arith.constant 0 : i32
    %dma_start3A_748 = tpu.memref_slice %arg6[%dma_start3A_740, %dma_start3A_741, %dma_start3A_747] : memref<4x6x128xi32, #tpu.memory_space<vmem>> -> memref<1x1x128xi32, #tpu.memory_space<vmem>>
    %dma_start3A_749 = tpu.memref_squeeze %dma_start3A_748 : memref<1x1x128xi32, #tpu.memory_space<vmem>> -> memref<128xi32, #tpu.memory_space<vmem>>
    %dma_start3A_750 = arith.constant 0 : i32
    %dma_start3A_751 = tpu.memref_slice %arg3[%dma_start3A_750] : memref<600000xf32, #tpu.memory_space<hbm>> -> memref<600000xf32, #tpu.memory_space<hbm>>
    tpu.enqueue_indirect_dma source(%dma_start3A_751 : memref<600000xf32, #tpu.memory_space<hbm>>) target(%dma_start3A_746 : memref<128xf32, #tpu.memory_space<vmem>>) offsets(%dma_start3A_749 : memref<128xi32, #tpu.memory_space<vmem>>) semaphore(%arg9 : memref<!tpu.dma_semaphore, #tpu.memory_space<semaphore_mem>>)
    %get3A_752 = arith.constant 128 : index
    %get3A_753 = tpu.vector_load %arg5[%get3A_752] {strides = array<i32>} : memref<512xi32, #tpu.memory_space<vmem>>, vector<16xi32>,
    %add3A_754 = arith.constant 200000 : i32
    %add3A_755 = vector.broadcast %add3A_754 : i32 to vector<16xi32>
    %add3A_756 = arith.addi %get3A_753, %add3A_755 : vector<16xi32>
    %swap3A_757 = arith.constant 1 : i32
    %swap3A_758 = arith.constant 2 : i32
    %swap3A_759 = arith.index_cast %swap3A_757 : i32 to index
    %swap3A_760 = arith.index_cast %swap3A_758 : i32 to index
    %swap3A_761 = arith.constant 0 : index
    %swap3A_762 = tpu.vector_load %arg6[%swap3A_759, %swap3A_760, %swap3A_761] {strides = array<i32>} : memref<4x6x128xi32, #tpu.memory_space<vmem>>, vector<16xi32>,
    tpu.vector_store %arg6[%swap3A_759, %swap3A_760, %swap3A_761], %add3A_756 {strides = array<i32>} : memref<4x6x128xi32, #tpu.memory_space<vmem>>, vector<16xi32>,
    %get3A_763 = arith.constant 144 : index
    %get3A_764 = tpu.vector_load %arg5[%get3A_763] {strides = array<i32>} : memref<512xi32, #tpu.memory_space<vmem>>, vector<16xi32>,
    %add3A_765 = arith.constant 200000 : i32
    %add3A_766 = vector.broadcast %add3A_765 : i32 to vector<16xi32>
    %add3A_767 = arith.addi %get3A_764, %add3A_766 : vector<16xi32>
    %swap3A_768 = arith.constant 1 : i32
    %swap3A_769 = arith.constant 2 : i32
    %swap3A_770 = arith.index_cast %swap3A_768 : i32 to index
    %swap3A_771 = arith.index_cast %swap3A_769 : i32 to index
    %swap3A_772 = arith.constant 16 : index
    %swap3A_773 = tpu.vector_load %arg6[%swap3A_770, %swap3A_771, %swap3A_772] {strides = array<i32>} : memref<4x6x128xi32, #tpu.memory_space<vmem>>, vector<16xi32>,
    tpu.vector_store %arg6[%swap3A_770, %swap3A_771, %swap3A_772], %add3A_767 {strides = array<i32>} : memref<4x6x128xi32, #tpu.memory_space<vmem>>, vector<16xi32>,
    %get3A_774 = arith.constant 160 : index
    %get3A_775 = tpu.vector_load %arg5[%get3A_774] {strides = array<i32>} : memref<512xi32, #tpu.memory_space<vmem>>, vector<16xi32>,
    %add3A_776 = arith.constant 200000 : i32
    %add3A_777 = vector.broadcast %add3A_776 : i32 to vector<16xi32>
    %add3A_778 = arith.addi %get3A_775, %add3A_777 : vector<16xi32>
    %swap3A_779 = arith.constant 1 : i32
    %swap3A_780 = arith.constant 2 : i32
    %swap3A_781 = arith.index_cast %swap3A_779 : i32 to index
    %swap3A_782 = arith.index_cast %swap3A_780 : i32 to index
    %swap3A_783 = arith.constant 32 : index
    %swap3A_784 = tpu.vector_load %arg6[%swap3A_781, %swap3A_782, %swap3A_783] {strides = array<i32>} : memref<4x6x128xi32, #tpu.memory_space<vmem>>, vector<16xi32>,
    tpu.vector_store %arg6[%swap3A_781, %swap3A_782, %swap3A_783], %add3A_778 {strides = array<i32>} : memref<4x6x128xi32, #tpu.memory_space<vmem>>, vector<16xi32>,
    %get3A_785 = arith.constant 176 : index
    %get3A_786 = tpu.vector_load %arg5[%get3A_785] {strides = array<i32>} : memref<512xi32, #tpu.memory_space<vmem>>, vector<16xi32>,
    %add3A_787 = arith.constant 200000 : i32
    %add3A_788 = vector.broadcast %add3A_787 : i32 to vector<16xi32>
    %add3A_789 = arith.addi %get3A_786, %add3A_788 : vector<16xi32>
    %swap3A_790 = arith.constant 1 : i32
    %swap3A_791 = arith.constant 2 : i32
    %swap3A_792 = arith.index_cast %swap3A_790 : i32 to index
    %swap3A_793 = arith.index_cast %swap3A_791 : i32 to index
    %swap3A_794 = arith.constant 48 : index
    %swap3A_795 = tpu.vector_load %arg6[%swap3A_792, %swap3A_793, %swap3A_794] {strides = array<i32>} : memref<4x6x128xi32, #tpu.memory_space<vmem>>, vector<16xi32>,
    tpu.vector_store %arg6[%swap3A_792, %swap3A_793, %swap3A_794], %add3A_789 {strides = array<i32>} : memref<4x6x128xi32, #tpu.memory_space<vmem>>, vector<16xi32>,
    %get3A_796 = arith.constant 192 : index
    %get3A_797 = tpu.vector_load %arg5[%get3A_796] {strides = array<i32>} : memref<512xi32, #tpu.memory_space<vmem>>, vector<16xi32>,
    %add3A_798 = arith.constant 200000 : i32
    %add3A_799 = vector.broadcast %add3A_798 : i32 to vector<16xi32>
    %add3A_800 = arith.addi %get3A_797, %add3A_799 : vector<16xi32>
    %swap3A_801 = arith.constant 1 : i32
    %swap3A_802 = arith.constant 2 : i32
    %swap3A_803 = arith.index_cast %swap3A_801 : i32 to index
    %swap3A_804 = arith.index_cast %swap3A_802 : i32 to index
    %swap3A_805 = arith.constant 64 : index
    %swap3A_806 = tpu.vector_load %arg6[%swap3A_803, %swap3A_804, %swap3A_805] {strides = array<i32>} : memref<4x6x128xi32, #tpu.memory_space<vmem>>, vector<16xi32>,
    tpu.vector_store %arg6[%swap3A_803, %swap3A_804, %swap3A_805], %add3A_800 {strides = array<i32>} : memref<4x6x128xi32, #tpu.memory_space<vmem>>, vector<16xi32>,
    %get3A_807 = arith.constant 208 : index
    %get3A_808 = tpu.vector_load %arg5[%get3A_807] {strides = array<i32>} : memref<512xi32, #tpu.memory_space<vmem>>, vector<16xi32>,
    %add3A_809 = arith.constant 200000 : i32
    %add3A_810 = vector.broadcast %add3A_809 : i32 to vector<16xi32>
    %add3A_811 = arith.addi %get3A_808, %add3A_810 : vector<16xi32>
    %swap3A_812 = arith.constant 1 : i32
    %swap3A_813 = arith.constant 2 : i32
    %swap3A_814 = arith.index_cast %swap3A_812 : i32 to index
    %swap3A_815 = arith.index_cast %swap3A_813 : i32 to index
    %swap3A_816 = arith.constant 80 : index
    %swap3A_817 = tpu.vector_load %arg6[%swap3A_814, %swap3A_815, %swap3A_816] {strides = array<i32>} : memref<4x6x128xi32, #tpu.memory_space<vmem>>, vector<16xi32>,
    tpu.vector_store %arg6[%swap3A_814, %swap3A_815, %swap3A_816], %add3A_811 {strides = array<i32>} : memref<4x6x128xi32, #tpu.memory_space<vmem>>, vector<16xi32>,
    %get3A_818 = arith.constant 224 : index
    %get3A_819 = tpu.vector_load %arg5[%get3A_818] {strides = array<i32>} : memref<512xi32, #tpu.memory_space<vmem>>, vector<16xi32>,
    %add3A_820 = arith.constant 200000 : i32
    %add3A_821 = vector.broadcast %add3A_820 : i32 to vector<16xi32>
    %add3A_822 = arith.addi %get3A_819, %add3A_821 : vector<16xi32>
    %swap3A_823 = arith.constant 1 : i32
    %swap3A_824 = arith.constant 2 : i32
    %swap3A_825 = arith.index_cast %swap3A_823 : i32 to index
    %swap3A_826 = arith.index_cast %swap3A_824 : i32 to index
    %swap3A_827 = arith.constant 96 : index
    %swap3A_828 = tpu.vector_load %arg6[%swap3A_825, %swap3A_826, %swap3A_827] {strides = array<i32>} : memref<4x6x128xi32, #tpu.memory_space<vmem>>, vector<16xi32>,
    tpu.vector_store %arg6[%swap3A_825, %swap3A_826, %swap3A_827], %add3A_822 {strides = array<i32>} : memref<4x6x128xi32, #tpu.memory_space<vmem>>, vector<16xi32>,
    %get3A_829 = arith.constant 240 : index
    %get3A_830 = tpu.vector_load %arg5[%get3A_829] {strides = array<i32>} : memref<512xi32, #tpu.memory_space<vmem>>, vector<16xi32>,
    %add3A_831 = arith.constant 200000 : i32
    %add3A_832 = vector.broadcast %add3A_831 : i32 to vector<16xi32>
    %add3A_833 = arith.addi %get3A_830, %add3A_832 : vector<16xi32>
    %swap3A_834 = arith.constant 1 : i32
    %swap3A_835 = arith.constant 2 : i32
    %swap3A_836 = arith.index_cast %swap3A_834 : i32 to index
    %swap3A_837 = arith.index_cast %swap3A_835 : i32 to index
    %swap3A_838 = arith.constant 112 : index
    %swap3A_839 = tpu.vector_load %arg6[%swap3A_836, %swap3A_837, %swap3A_838] {strides = array<i32>} : memref<4x6x128xi32, #tpu.memory_space<vmem>>, vector<16xi32>,
    tpu.vector_store %arg6[%swap3A_836, %swap3A_837, %swap3A_838], %add3A_833 {strides = array<i32>} : memref<4x6x128xi32, #tpu.memory_space<vmem>>, vector<16xi32>,
    %dma_start3A_840 = arith.constant 1 : i32
    %dma_start3A_841 = arith.constant 2 : i32
    %dma_start3A_842 = arith.constant 1 : i32
    %dma_start3A_843 = arith.constant 2 : i32
    %dma_start3A_844 = arith.constant 0 : i32
    %dma_start3A_845 = tpu.memref_slice %arg7[%dma_start3A_842, %dma_start3A_843, %dma_start3A_844] : memref<4x8x128xf32, #tpu.memory_space<vmem>> -> memref<1x1x128xf32, #tpu.memory_space<vmem>>
    %dma_start3A_846 = tpu.memref_squeeze %dma_start3A_845 : memref<1x1x128xf32, #tpu.memory_space<vmem>> -> memref<128xf32, #tpu.memory_space<vmem>>
    %dma_start3A_847 = arith.constant 0 : i32
    %dma_start3A_848 = tpu.memref_slice %arg6[%dma_start3A_840, %dma_start3A_841, %dma_start3A_847] : memref<4x6x128xi32, #tpu.memory_space<vmem>> -> memref<1x1x128xi32, #tpu.memory_space<vmem>>
    %dma_start3A_849 = tpu.memref_squeeze %dma_start3A_848 : memref<1x1x128xi32, #tpu.memory_space<vmem>> -> memref<128xi32, #tpu.memory_space<vmem>>
    %dma_start3A_850 = arith.constant 0 : i32
    %dma_start3A_851 = tpu.memref_slice %arg3[%dma_start3A_850] : memref<600000xf32, #tpu.memory_space<hbm>> -> memref<600000xf32, #tpu.memory_space<hbm>>
    tpu.enqueue_indirect_dma source(%dma_start3A_851 : memref<600000xf32, #tpu.memory_space<hbm>>) target(%dma_start3A_846 : memref<128xf32, #tpu.memory_space<vmem>>) offsets(%dma_start3A_849 : memref<128xi32, #tpu.memory_space<vmem>>) semaphore(%arg9 : memref<!tpu.dma_semaphore, #tpu.memory_space<semaphore_mem>>)
    %get3A_852 = arith.constant 128 : index
    %get3A_853 = tpu.vector_load %arg5[%get3A_852] {strides = array<i32>} : memref<512xi32, #tpu.memory_space<vmem>>, vector<16xi32>,
    %add3A_854 = arith.constant 300000 : i32
    %add3A_855 = vector.broadcast %add3A_854 : i32 to vector<16xi32>
    %add3A_856 = arith.addi %get3A_853, %add3A_855 : vector<16xi32>
    %swap3A_857 = arith.constant 1 : i32
    %swap3A_858 = arith.constant 3 : i32
    %swap3A_859 = arith.index_cast %swap3A_857 : i32 to index
    %swap3A_860 = arith.index_cast %swap3A_858 : i32 to index
    %swap3A_861 = arith.constant 0 : index
    %swap3A_862 = tpu.vector_load %arg6[%swap3A_859, %swap3A_860, %swap3A_861] {strides = array<i32>} : memref<4x6x128xi32, #tpu.memory_space<vmem>>, vector<16xi32>,
    tpu.vector_store %arg6[%swap3A_859, %swap3A_860, %swap3A_861], %add3A_856 {strides = array<i32>} : memref<4x6x128xi32, #tpu.memory_space<vmem>>, vector<16xi32>,
    %get3A_863 = arith.constant 144 : index
    %get3A_864 = tpu.vector_load %arg5[%get3A_863] {strides = array<i32>} : memref<512xi32, #tpu.memory_space<vmem>>, vector<16xi32>,
    %add3A_865 = arith.constant 300000 : i32
    %add3A_866 = vector.broadcast %add3A_865 : i32 to vector<16xi32>
    %add3A_867 = arith.addi %get3A_864, %add3A_866 : vector<16xi32>
    %swap3A_868 = arith.constant 1 : i32
    %swap3A_869 = arith.constant 3 : i32
    %swap3A_870 = arith.index_cast %swap3A_868 : i32 to index
    %swap3A_871 = arith.index_cast %swap3A_869 : i32 to index
    %swap3A_872 = arith.constant 16 : index
    %swap3A_873 = tpu.vector_load %arg6[%swap3A_870, %swap3A_871, %swap3A_872] {strides = array<i32>} : memref<4x6x128xi32, #tpu.memory_space<vmem>>, vector<16xi32>,
    tpu.vector_store %arg6[%swap3A_870, %swap3A_871, %swap3A_872], %add3A_867 {strides = array<i32>} : memref<4x6x128xi32, #tpu.memory_space<vmem>>, vector<16xi32>,
    %get3A_874 = arith.constant 160 : index
    %get3A_875 = tpu.vector_load %arg5[%get3A_874] {strides = array<i32>} : memref<512xi32, #tpu.memory_space<vmem>>, vector<16xi32>,
    %add3A_876 = arith.constant 300000 : i32
    %add3A_877 = vector.broadcast %add3A_876 : i32 to vector<16xi32>
    %add3A_878 = arith.addi %get3A_875, %add3A_877 : vector<16xi32>
    %swap3A_879 = arith.constant 1 : i32
    %swap3A_880 = arith.constant 3 : i32
    %swap3A_881 = arith.index_cast %swap3A_879 : i32 to index
    %swap3A_882 = arith.index_cast %swap3A_880 : i32 to index
    %swap3A_883 = arith.constant 32 : index
    %swap3A_884 = tpu.vector_load %arg6[%swap3A_881, %swap3A_882, %swap3A_883] {strides = array<i32>} : memref<4x6x128xi32, #tpu.memory_space<vmem>>, vector<16xi32>,
    tpu.vector_store %arg6[%swap3A_881, %swap3A_882, %swap3A_883], %add3A_878 {strides = array<i32>} : memref<4x6x128xi32, #tpu.memory_space<vmem>>, vector<16xi32>,
    %get3A_885 = arith.constant 176 : index
    %get3A_886 = tpu.vector_load %arg5[%get3A_885] {strides = array<i32>} : memref<512xi32, #tpu.memory_space<vmem>>, vector<16xi32>,
    %add3A_887 = arith.constant 300000 : i32
    %add3A_888 = vector.broadcast %add3A_887 : i32 to vector<16xi32>
    %add3A_889 = arith.addi %get3A_886, %add3A_888 : vector<16xi32>
    %swap3A_890 = arith.constant 1 : i32
    %swap3A_891 = arith.constant 3 : i32
    %swap3A_892 = arith.index_cast %swap3A_890 : i32 to index
    %swap3A_893 = arith.index_cast %swap3A_891 : i32 to index
    %swap3A_894 = arith.constant 48 : index
    %swap3A_895 = tpu.vector_load %arg6[%swap3A_892, %swap3A_893, %swap3A_894] {strides = array<i32>} : memref<4x6x128xi32, #tpu.memory_space<vmem>>, vector<16xi32>,
    tpu.vector_store %arg6[%swap3A_892, %swap3A_893, %swap3A_894], %add3A_889 {strides = array<i32>} : memref<4x6x128xi32, #tpu.memory_space<vmem>>, vector<16xi32>,
    %get3A_896 = arith.constant 192 : index
    %get3A_897 = tpu.vector_load %arg5[%get3A_896] {strides = array<i32>} : memref<512xi32, #tpu.memory_space<vmem>>, vector<16xi32>,
    %add3A_898 = arith.constant 300000 : i32
    %add3A_899 = vector.broadcast %add3A_898 : i32 to vector<16xi32>
    %add3A_900 = arith.addi %get3A_897, %add3A_899 : vector<16xi32>
    %swap3A_901 = arith.constant 1 : i32
    %swap3A_902 = arith.constant 3 : i32
    %swap3A_903 = arith.index_cast %swap3A_901 : i32 to index
    %swap3A_904 = arith.index_cast %swap3A_902 : i32 to index
    %swap3A_905 = arith.constant 64 : index
    %swap3A_906 = tpu.vector_load %arg6[%swap3A_903, %swap3A_904, %swap3A_905] {strides = array<i32>} : memref<4x6x128xi32, #tpu.memory_space<vmem>>, vector<16xi32>,
    tpu.vector_store %arg6[%swap3A_903, %swap3A_904, %swap3A_905], %add3A_900 {strides = array<i32>} : memref<4x6x128xi32, #tpu.memory_space<vmem>>, vector<16xi32>,
    %get3A_907 = arith.constant 208 : index
    %get3A_908 = tpu.vector_load %arg5[%get3A_907] {strides = array<i32>} : memref<512xi32, #tpu.memory_space<vmem>>, vector<16xi32>,
    %add3A_909 = arith.constant 300000 : i32
    %add3A_910 = vector.broadcast %add3A_909 : i32 to vector<16xi32>
    %add3A_911 = arith.addi %get3A_908, %add3A_910 : vector<16xi32>
    %swap3A_912 = arith.constant 1 : i32
    %swap3A_913 = arith.constant 3 : i32
    %swap3A_914 = arith.index_cast %swap3A_912 : i32 to index
    %swap3A_915 = arith.index_cast %swap3A_913 : i32 to index
    %swap3A_916 = arith.constant 80 : index
    %swap3A_917 = tpu.vector_load %arg6[%swap3A_914, %swap3A_915, %swap3A_916] {strides = array<i32>} : memref<4x6x128xi32, #tpu.memory_space<vmem>>, vector<16xi32>,
    tpu.vector_store %arg6[%swap3A_914, %swap3A_915, %swap3A_916], %add3A_911 {strides = array<i32>} : memref<4x6x128xi32, #tpu.memory_space<vmem>>, vector<16xi32>,
    %get3A_918 = arith.constant 224 : index
    %get3A_919 = tpu.vector_load %arg5[%get3A_918] {strides = array<i32>} : memref<512xi32, #tpu.memory_space<vmem>>, vector<16xi32>,
    %add3A_920 = arith.constant 300000 : i32
    %add3A_921 = vector.broadcast %add3A_920 : i32 to vector<16xi32>
    %add3A_922 = arith.addi %get3A_919, %add3A_921 : vector<16xi32>
    %swap3A_923 = arith.constant 1 : i32
    %swap3A_924 = arith.constant 3 : i32
    %swap3A_925 = arith.index_cast %swap3A_923 : i32 to index
    %swap3A_926 = arith.index_cast %swap3A_924 : i32 to index
    %swap3A_927 = arith.constant 96 : index
    %swap3A_928 = tpu.vector_load %arg6[%swap3A_925, %swap3A_926, %swap3A_927] {strides = array<i32>} : memref<4x6x128xi32, #tpu.memory_space<vmem>>, vector<16xi32>,
    tpu.vector_store %arg6[%swap3A_925, %swap3A_926, %swap3A_927], %add3A_922 {strides = array<i32>} : memref<4x6x128xi32, #tpu.memory_space<vmem>>, vector<16xi32>,
    %get3A_929 = arith.constant 240 : index
    %get3A_930 = tpu.vector_load %arg5[%get3A_929] {strides = array<i32>} : memref<512xi32, #tpu.memory_space<vmem>>, vector<16xi32>,
    %add3A_931 = arith.constant 300000 : i32
    %add3A_932 = vector.broadcast %add3A_931 : i32 to vector<16xi32>
    %add3A_933 = arith.addi %get3A_930, %add3A_932 : vector<16xi32>
    %swap3A_934 = arith.constant 1 : i32
    %swap3A_935 = arith.constant 3 : i32
    %swap3A_936 = arith.index_cast %swap3A_934 : i32 to index
    %swap3A_937 = arith.index_cast %swap3A_935 : i32 to index
    %swap3A_938 = arith.constant 112 : index
    %swap3A_939 = tpu.vector_load %arg6[%swap3A_936, %swap3A_937, %swap3A_938] {strides = array<i32>} : memref<4x6x128xi32, #tpu.memory_space<vmem>>, vector<16xi32>,
    tpu.vector_store %arg6[%swap3A_936, %swap3A_937, %swap3A_938], %add3A_933 {strides = array<i32>} : memref<4x6x128xi32, #tpu.memory_space<vmem>>, vector<16xi32>,
    %dma_start3A_940 = arith.constant 1 : i32
    %dma_start3A_941 = arith.constant 3 : i32
    %dma_start3A_942 = arith.constant 1 : i32
    %dma_start3A_943 = arith.constant 3 : i32
    %dma_start3A_944 = arith.constant 0 : i32
    %dma_start3A_945 = tpu.memref_slice %arg7[%dma_start3A_942, %dma_start3A_943, %dma_start3A_944] : memref<4x8x128xf32, #tpu.memory_space<vmem>> -> memref<1x1x128xf32, #tpu.memory_space<vmem>>
    %dma_start3A_946 = tpu.memref_squeeze %dma_start3A_945 : memref<1x1x128xf32, #tpu.memory_space<vmem>> -> memref<128xf32, #tpu.memory_space<vmem>>
    %dma_start3A_947 = arith.constant 0 : i32
    %dma_start3A_948 = tpu.memref_slice %arg6[%dma_start3A_940, %dma_start3A_941, %dma_start3A_947] : memref<4x6x128xi32, #tpu.memory_space<vmem>> -> memref<1x1x128xi32, #tpu.memory_space<vmem>>
    %dma_start3A_949 = tpu.memref_squeeze %dma_start3A_948 : memref<1x1x128xi32, #tpu.memory_space<vmem>> -> memref<128xi32, #tpu.memory_space<vmem>>
    %dma_start3A_950 = arith.constant 0 : i32
    %dma_start3A_951 = tpu.memref_slice %arg3[%dma_start3A_950] : memref<600000xf32, #tpu.memory_space<hbm>> -> memref<600000xf32, #tpu.memory_space<hbm>>
    tpu.enqueue_indirect_dma source(%dma_start3A_951 : memref<600000xf32, #tpu.memory_space<hbm>>) target(%dma_start3A_946 : memref<128xf32, #tpu.memory_space<vmem>>) offsets(%dma_start3A_949 : memref<128xi32, #tpu.memory_space<vmem>>) semaphore(%arg9 : memref<!tpu.dma_semaphore, #tpu.memory_space<semaphore_mem>>)
    %get3A_952 = arith.constant 128 : index
    %get3A_953 = tpu.vector_load %arg5[%get3A_952] {strides = array<i32>} : memref<512xi32, #tpu.memory_space<vmem>>, vector<16xi32>,
    %add3A_954 = arith.constant 400000 : i32
    %add3A_955 = vector.broadcast %add3A_954 : i32 to vector<16xi32>
    %add3A_956 = arith.addi %get3A_953, %add3A_955 : vector<16xi32>
    %swap3A_957 = arith.constant 1 : i32
    %swap3A_958 = arith.constant 4 : i32
    %swap3A_959 = arith.index_cast %swap3A_957 : i32 to index
    %swap3A_960 = arith.index_cast %swap3A_958 : i32 to index
    %swap3A_961 = arith.constant 0 : index
    %swap3A_962 = tpu.vector_load %arg6[%swap3A_959, %swap3A_960, %swap3A_961] {strides = array<i32>} : memref<4x6x128xi32, #tpu.memory_space<vmem>>, vector<16xi32>,
    tpu.vector_store %arg6[%swap3A_959, %swap3A_960, %swap3A_961], %add3A_956 {strides = array<i32>} : memref<4x6x128xi32, #tpu.memory_space<vmem>>, vector<16xi32>,
    %get3A_963 = arith.constant 144 : index
    %get3A_964 = tpu.vector_load %arg5[%get3A_963] {strides = array<i32>} : memref<512xi32, #tpu.memory_space<vmem>>, vector<16xi32>,
    %add3A_965 = arith.constant 400000 : i32
    %add3A_966 = vector.broadcast %add3A_965 : i32 to vector<16xi32>
    %add3A_967 = arith.addi %get3A_964, %add3A_966 : vector<16xi32>
    %swap3A_968 = arith.constant 1 : i32
    %swap3A_969 = arith.constant 4 : i32
    %swap3A_970 = arith.index_cast %swap3A_968 : i32 to index
    %swap3A_971 = arith.index_cast %swap3A_969 : i32 to index
    %swap3A_972 = arith.constant 16 : index
    %swap3A_973 = tpu.vector_load %arg6[%swap3A_970, %swap3A_971, %swap3A_972] {strides = array<i32>} : memref<4x6x128xi32, #tpu.memory_space<vmem>>, vector<16xi32>,
    tpu.vector_store %arg6[%swap3A_970, %swap3A_971, %swap3A_972], %add3A_967 {strides = array<i32>} : memref<4x6x128xi32, #tpu.memory_space<vmem>>, vector<16xi32>,
    %get3A_974 = arith.constant 160 : index
    %get3A_975 = tpu.vector_load %arg5[%get3A_974] {strides = array<i32>} : memref<512xi32, #tpu.memory_space<vmem>>, vector<16xi32>,
    %add3A_976 = arith.constant 400000 : i32
    %add3A_977 = vector.broadcast %add3A_976 : i32 to vector<16xi32>
    %add3A_978 = arith.addi %get3A_975, %add3A_977 : vector<16xi32>
    %swap3A_979 = arith.constant 1 : i32
    %swap3A_980 = arith.constant 4 : i32
    %swap3A_981 = arith.index_cast %swap3A_979 : i32 to index
    %swap3A_982 = arith.index_cast %swap3A_980 : i32 to index
    %swap3A_983 = arith.constant 32 : index
    %swap3A_984 = tpu.vector_load %arg6[%swap3A_981, %swap3A_982, %swap3A_983] {strides = array<i32>} : memref<4x6x128xi32, #tpu.memory_space<vmem>>, vector<16xi32>,
    tpu.vector_store %arg6[%swap3A_981, %swap3A_982, %swap3A_983], %add3A_978 {strides = array<i32>} : memref<4x6x128xi32, #tpu.memory_space<vmem>>, vector<16xi32>,
    %get3A_985 = arith.constant 176 : index
    %get3A_986 = tpu.vector_load %arg5[%get3A_985] {strides = array<i32>} : memref<512xi32, #tpu.memory_space<vmem>>, vector<16xi32>,
    %add3A_987 = arith.constant 400000 : i32
    %add3A_988 = vector.broadcast %add3A_987 : i32 to vector<16xi32>
    %add3A_989 = arith.addi %get3A_986, %add3A_988 : vector<16xi32>
    %swap3A_990 = arith.constant 1 : i32
    %swap3A_991 = arith.constant 4 : i32
    %swap3A_992 = arith.index_cast %swap3A_990 : i32 to index
    %swap3A_993 = arith.index_cast %swap3A_991 : i32 to index
    %swap3A_994 = arith.constant 48 : index
    %swap3A_995 = tpu.vector_load %arg6[%swap3A_992, %swap3A_993, %swap3A_994] {strides = array<i32>} : memref<4x6x128xi32, #tpu.memory_space<vmem>>, vector<16xi32>,
    tpu.vector_store %arg6[%swap3A_992, %swap3A_993, %swap3A_994], %add3A_989 {strides = array<i32>} : memref<4x6x128xi32, #tpu.memory_space<vmem>>, vector<16xi32>,
    %get3A_996 = arith.constant 192 : index
    %get3A_997 = tpu.vector_load %arg5[%get3A_996] {strides = array<i32>} : memref<512xi32, #tpu.memory_space<vmem>>, vector<16xi32>,
    %add3A_998 = arith.constant 400000 : i32
    %add3A_999 = vector.broadcast %add3A_998 : i32 to vector<16xi32>
    %add3A_1000 = arith.addi %get3A_997, %add3A_999 : vector<16xi32>
    %swap3A_1001 = arith.constant 1 : i32
    %swap3A_1002 = arith.constant 4 : i32
    %swap3A_1003 = arith.index_cast %swap3A_1001 : i32 to index
    %swap3A_1004 = arith.index_cast %swap3A_1002 : i32 to index
    %swap3A_1005 = arith.constant 64 : index
    %swap3A_1006 = tpu.vector_load %arg6[%swap3A_1003, %swap3A_1004, %swap3A_1005] {strides = array<i32>} : memref<4x6x128xi32, #tpu.memory_space<vmem>>, vector<16xi32>,
    tpu.vector_store %arg6[%swap3A_1003, %swap3A_1004, %swap3A_1005], %add3A_1000 {strides = array<i32>} : memref<4x6x128xi32, #tpu.memory_space<vmem>>, vector<16xi32>,
    %get3A_1007 = arith.constant 208 : index
    %get3A_1008 = tpu.vector_load %arg5[%get3A_1007] {strides = array<i32>} : memref<512xi32, #tpu.memory_space<vmem>>, vector<16xi32>,
    %add3A_1009 = arith.constant 400000 : i32
    %add3A_1010 = vector.broadcast %add3A_1009 : i32 to vector<16xi32>
    %add3A_1011 = arith.addi %get3A_1008, %add3A_1010 : vector<16xi32>
    %swap3A_1012 = arith.constant 1 : i32
    %swap3A_1013 = arith.constant 4 : i32
    %swap3A_1014 = arith.index_cast %swap3A_1012 : i32 to index
    %swap3A_1015 = arith.index_cast %swap3A_1013 : i32 to index
    %swap3A_1016 = arith.constant 80 : index
    %swap3A_1017 = tpu.vector_load %arg6[%swap3A_1014, %swap3A_1015, %swap3A_1016] {strides = array<i32>} : memref<4x6x128xi32, #tpu.memory_space<vmem>>, vector<16xi32>,
    tpu.vector_store %arg6[%swap3A_1014, %swap3A_1015, %swap3A_1016], %add3A_1011 {strides = array<i32>} : memref<4x6x128xi32, #tpu.memory_space<vmem>>, vector<16xi32>,
    %get3A_1018 = arith.constant 224 : index
    %get3A_1019 = tpu.vector_load %arg5[%get3A_1018] {strides = array<i32>} : memref<512xi32, #tpu.memory_space<vmem>>, vector<16xi32>,
    %add3A_1020 = arith.constant 400000 : i32
    %add3A_1021 = vector.broadcast %add3A_1020 : i32 to vector<16xi32>
    %add3A_1022 = arith.addi %get3A_1019, %add3A_1021 : vector<16xi32>
    %swap3A_1023 = arith.constant 1 : i32
    %swap3A_1024 = arith.constant 4 : i32
    %swap3A_1025 = arith.index_cast %swap3A_1023 : i32 to index
    %swap3A_1026 = arith.index_cast %swap3A_1024 : i32 to index
    %swap3A_1027 = arith.constant 96 : index
    %swap3A_1028 = tpu.vector_load %arg6[%swap3A_1025, %swap3A_1026, %swap3A_1027] {strides = array<i32>} : memref<4x6x128xi32, #tpu.memory_space<vmem>>, vector<16xi32>,
    tpu.vector_store %arg6[%swap3A_1025, %swap3A_1026, %swap3A_1027], %add3A_1022 {strides = array<i32>} : memref<4x6x128xi32, #tpu.memory_space<vmem>>, vector<16xi32>,
    %get3A_1029 = arith.constant 240 : index
    %get3A_1030 = tpu.vector_load %arg5[%get3A_1029] {strides = array<i32>} : memref<512xi32, #tpu.memory_space<vmem>>, vector<16xi32>,
    %add3A_1031 = arith.constant 400000 : i32
    %add3A_1032 = vector.broadcast %add3A_1031 : i32 to vector<16xi32>
    %add3A_1033 = arith.addi %get3A_1030, %add3A_1032 : vector<16xi32>
    %swap3A_1034 = arith.constant 1 : i32
    %swap3A_1035 = arith.constant 4 : i32
    %swap3A_1036 = arith.index_cast %swap3A_1034 : i32 to index
    %swap3A_1037 = arith.index_cast %swap3A_1035 : i32 to index
    %swap3A_1038 = arith.constant 112 : index
    %swap3A_1039 = tpu.vector_load %arg6[%swap3A_1036, %swap3A_1037, %swap3A_1038] {strides = array<i32>} : memref<4x6x128xi32, #tpu.memory_space<vmem>>, vector<16xi32>,
    tpu.vector_store %arg6[%swap3A_1036, %swap3A_1037, %swap3A_1038], %add3A_1033 {strides = array<i32>} : memref<4x6x128xi32, #tpu.memory_space<vmem>>, vector<16xi32>,
    %dma_start3A_1040 = arith.constant 1 : i32
    %dma_start3A_1041 = arith.constant 4 : i32
    %dma_start3A_1042 = arith.constant 1 : i32
    %dma_start3A_1043 = arith.constant 4 : i32
    %dma_start3A_1044 = arith.constant 0 : i32
    %dma_start3A_1045 = tpu.memref_slice %arg7[%dma_start3A_1042, %dma_start3A_1043, %dma_start3A_1044] : memref<4x8x128xf32, #tpu.memory_space<vmem>> -> memref<1x1x128xf32, #tpu.memory_space<vmem>>
    %dma_start3A_1046 = tpu.memref_squeeze %dma_start3A_1045 : memref<1x1x128xf32, #tpu.memory_space<vmem>> -> memref<128xf32, #tpu.memory_space<vmem>>
    %dma_start3A_1047 = arith.constant 0 : i32
    %dma_start3A_1048 = tpu.memref_slice %arg6[%dma_start3A_1040, %dma_start3A_1041, %dma_start3A_1047] : memref<4x6x128xi32, #tpu.memory_space<vmem>> -> memref<1x1x128xi32, #tpu.memory_space<vmem>>
    %dma_start3A_1049 = tpu.memref_squeeze %dma_start3A_1048 : memref<1x1x128xi32, #tpu.memory_space<vmem>> -> memref<128xi32, #tpu.memory_space<vmem>>
    %dma_start3A_1050 = arith.constant 0 : i32
    %dma_start3A_1051 = tpu.memref_slice %arg3[%dma_start3A_1050] : memref<600000xf32, #tpu.memory_space<hbm>> -> memref<600000xf32, #tpu.memory_space<hbm>>
    tpu.enqueue_indirect_dma source(%dma_start3A_1051 : memref<600000xf32, #tpu.memory_space<hbm>>) target(%dma_start3A_1046 : memref<128xf32, #tpu.memory_space<vmem>>) offsets(%dma_start3A_1049 : memref<128xi32, #tpu.memory_space<vmem>>) semaphore(%arg9 : memref<!tpu.dma_semaphore, #tpu.memory_space<semaphore_mem>>)
    %get3A_1052 = arith.constant 128 : index
    %get3A_1053 = tpu.vector_load %arg5[%get3A_1052] {strides = array<i32>} : memref<512xi32, #tpu.memory_space<vmem>>, vector<16xi32>,
    %add3A_1054 = arith.constant 500000 : i32
    %add3A_1055 = vector.broadcast %add3A_1054 : i32 to vector<16xi32>
    %add3A_1056 = arith.addi %get3A_1053, %add3A_1055 : vector<16xi32>
    %swap3A_1057 = arith.constant 1 : i32
    %swap3A_1058 = arith.constant 5 : i32
    %swap3A_1059 = arith.index_cast %swap3A_1057 : i32 to index
    %swap3A_1060 = arith.index_cast %swap3A_1058 : i32 to index
    %swap3A_1061 = arith.constant 0 : index
    %swap3A_1062 = tpu.vector_load %arg6[%swap3A_1059, %swap3A_1060, %swap3A_1061] {strides = array<i32>} : memref<4x6x128xi32, #tpu.memory_space<vmem>>, vector<16xi32>,
    tpu.vector_store %arg6[%swap3A_1059, %swap3A_1060, %swap3A_1061], %add3A_1056 {strides = array<i32>} : memref<4x6x128xi32, #tpu.memory_space<vmem>>, vector<16xi32>,
    %get3A_1063 = arith.constant 144 : index
    %get3A_1064 = tpu.vector_load %arg5[%get3A_1063] {strides = array<i32>} : memref<512xi32, #tpu.memory_space<vmem>>, vector<16xi32>,
    %add3A_1065 = arith.constant 500000 : i32
    %add3A_1066 = vector.broadcast %add3A_1065 : i32 to vector<16xi32>
    %add3A_1067 = arith.addi %get3A_1064, %add3A_1066 : vector<16xi32>
    %swap3A_1068 = arith.constant 1 : i32
    %swap3A_1069 = arith.constant 5 : i32
    %swap3A_1070 = arith.index_cast %swap3A_1068 : i32 to index
    %swap3A_1071 = arith.index_cast %swap3A_1069 : i32 to index
    %swap3A_1072 = arith.constant 16 : index
    %swap3A_1073 = tpu.vector_load %arg6[%swap3A_1070, %swap3A_1071, %swap3A_1072] {strides = array<i32>} : memref<4x6x128xi32, #tpu.memory_space<vmem>>, vector<16xi32>,
    tpu.vector_store %arg6[%swap3A_1070, %swap3A_1071, %swap3A_1072], %add3A_1067 {strides = array<i32>} : memref<4x6x128xi32, #tpu.memory_space<vmem>>, vector<16xi32>,
    %get3A_1074 = arith.constant 160 : index
    %get3A_1075 = tpu.vector_load %arg5[%get3A_1074] {strides = array<i32>} : memref<512xi32, #tpu.memory_space<vmem>>, vector<16xi32>,
    %add3A_1076 = arith.constant 500000 : i32
    %add3A_1077 = vector.broadcast %add3A_1076 : i32 to vector<16xi32>
    %add3A_1078 = arith.addi %get3A_1075, %add3A_1077 : vector<16xi32>
    %swap3A_1079 = arith.constant 1 : i32
    %swap3A_1080 = arith.constant 5 : i32
    %swap3A_1081 = arith.index_cast %swap3A_1079 : i32 to index
    %swap3A_1082 = arith.index_cast %swap3A_1080 : i32 to index
    %swap3A_1083 = arith.constant 32 : index
    %swap3A_1084 = tpu.vector_load %arg6[%swap3A_1081, %swap3A_1082, %swap3A_1083] {strides = array<i32>} : memref<4x6x128xi32, #tpu.memory_space<vmem>>, vector<16xi32>,
    tpu.vector_store %arg6[%swap3A_1081, %swap3A_1082, %swap3A_1083], %add3A_1078 {strides = array<i32>} : memref<4x6x128xi32, #tpu.memory_space<vmem>>, vector<16xi32>,
    %get3A_1085 = arith.constant 176 : index
    %get3A_1086 = tpu.vector_load %arg5[%get3A_1085] {strides = array<i32>} : memref<512xi32, #tpu.memory_space<vmem>>, vector<16xi32>,
    %add3A_1087 = arith.constant 500000 : i32
    %add3A_1088 = vector.broadcast %add3A_1087 : i32 to vector<16xi32>
    %add3A_1089 = arith.addi %get3A_1086, %add3A_1088 : vector<16xi32>
    %swap3A_1090 = arith.constant 1 : i32
    %swap3A_1091 = arith.constant 5 : i32
    %swap3A_1092 = arith.index_cast %swap3A_1090 : i32 to index
    %swap3A_1093 = arith.index_cast %swap3A_1091 : i32 to index
    %swap3A_1094 = arith.constant 48 : index
    %swap3A_1095 = tpu.vector_load %arg6[%swap3A_1092, %swap3A_1093, %swap3A_1094] {strides = array<i32>} : memref<4x6x128xi32, #tpu.memory_space<vmem>>, vector<16xi32>,
    tpu.vector_store %arg6[%swap3A_1092, %swap3A_1093, %swap3A_1094], %add3A_1089 {strides = array<i32>} : memref<4x6x128xi32, #tpu.memory_space<vmem>>, vector<16xi32>,
    %get3A_1096 = arith.constant 192 : index
    %get3A_1097 = tpu.vector_load %arg5[%get3A_1096] {strides = array<i32>} : memref<512xi32, #tpu.memory_space<vmem>>, vector<16xi32>,
    %add3A_1098 = arith.constant 500000 : i32
    %add3A_1099 = vector.broadcast %add3A_1098 : i32 to vector<16xi32>
    %add3A_1100 = arith.addi %get3A_1097, %add3A_1099 : vector<16xi32>
    %swap3A_1101 = arith.constant 1 : i32
    %swap3A_1102 = arith.constant 5 : i32
    %swap3A_1103 = arith.index_cast %swap3A_1101 : i32 to index
    %swap3A_1104 = arith.index_cast %swap3A_1102 : i32 to index
    %swap3A_1105 = arith.constant 64 : index
    %swap3A_1106 = tpu.vector_load %arg6[%swap3A_1103, %swap3A_1104, %swap3A_1105] {strides = array<i32>} : memref<4x6x128xi32, #tpu.memory_space<vmem>>, vector<16xi32>,
    tpu.vector_store %arg6[%swap3A_1103, %swap3A_1104, %swap3A_1105], %add3A_1100 {strides = array<i32>} : memref<4x6x128xi32, #tpu.memory_space<vmem>>, vector<16xi32>,
    %get3A_1107 = arith.constant 208 : index
    %get3A_1108 = tpu.vector_load %arg5[%get3A_1107] {strides = array<i32>} : memref<512xi32, #tpu.memory_space<vmem>>, vector<16xi32>,
    %add3A_1109 = arith.constant 500000 : i32
    %add3A_1110 = vector.broadcast %add3A_1109 : i32 to vector<16xi32>
    %add3A_1111 = arith.addi %get3A_1108, %add3A_1110 : vector<16xi32>
    %swap3A_1112 = arith.constant 1 : i32
    %swap3A_1113 = arith.constant 5 : i32
    %swap3A_1114 = arith.index_cast %swap3A_1112 : i32 to index
    %swap3A_1115 = arith.index_cast %swap3A_1113 : i32 to index
    %swap3A_1116 = arith.constant 80 : index
    %swap3A_1117 = tpu.vector_load %arg6[%swap3A_1114, %swap3A_1115, %swap3A_1116] {strides = array<i32>} : memref<4x6x128xi32, #tpu.memory_space<vmem>>, vector<16xi32>,
    tpu.vector_store %arg6[%swap3A_1114, %swap3A_1115, %swap3A_1116], %add3A_1111 {strides = array<i32>} : memref<4x6x128xi32, #tpu.memory_space<vmem>>, vector<16xi32>,
    %get3A_1118 = arith.constant 224 : index
    %get3A_1119 = tpu.vector_load %arg5[%get3A_1118] {strides = array<i32>} : memref<512xi32, #tpu.memory_space<vmem>>, vector<16xi32>,
    %add3A_1120 = arith.constant 500000 : i32
    %add3A_1121 = vector.broadcast %add3A_1120 : i32 to vector<16xi32>
    %add3A_1122 = arith.addi %get3A_1119, %add3A_1121 : vector<16xi32>
    %swap3A_1123 = arith.constant 1 : i32
    %swap3A_1124 = arith.constant 5 : i32
    %swap3A_1125 = arith.index_cast %swap3A_1123 : i32 to index
    %swap3A_1126 = arith.index_cast %swap3A_1124 : i32 to index
    %swap3A_1127 = arith.constant 96 : index
    %swap3A_1128 = tpu.vector_load %arg6[%swap3A_1125, %swap3A_1126, %swap3A_1127] {strides = array<i32>} : memref<4x6x128xi32, #tpu.memory_space<vmem>>, vector<16xi32>,
    tpu.vector_store %arg6[%swap3A_1125, %swap3A_1126, %swap3A_1127], %add3A_1122 {strides = array<i32>} : memref<4x6x128xi32, #tpu.memory_space<vmem>>, vector<16xi32>,
    %get3A_1129 = arith.constant 240 : index
    %get3A_1130 = tpu.vector_load %arg5[%get3A_1129] {strides = array<i32>} : memref<512xi32, #tpu.memory_space<vmem>>, vector<16xi32>,
    %add3A_1131 = arith.constant 500000 : i32
    %add3A_1132 = vector.broadcast %add3A_1131 : i32 to vector<16xi32>
    %add3A_1133 = arith.addi %get3A_1130, %add3A_1132 : vector<16xi32>
    %swap3A_1134 = arith.constant 1 : i32
    %swap3A_1135 = arith.constant 5 : i32
    %swap3A_1136 = arith.index_cast %swap3A_1134 : i32 to index
    %swap3A_1137 = arith.index_cast %swap3A_1135 : i32 to index
    %swap3A_1138 = arith.constant 112 : index
    %swap3A_1139 = tpu.vector_load %arg6[%swap3A_1136, %swap3A_1137, %swap3A_1138] {strides = array<i32>} : memref<4x6x128xi32, #tpu.memory_space<vmem>>, vector<16xi32>,
    tpu.vector_store %arg6[%swap3A_1136, %swap3A_1137, %swap3A_1138], %add3A_1133 {strides = array<i32>} : memref<4x6x128xi32, #tpu.memory_space<vmem>>, vector<16xi32>,
    %dma_start3A_1140 = arith.constant 1 : i32
    %dma_start3A_1141 = arith.constant 5 : i32
    %dma_start3A_1142 = arith.constant 1 : i32
    %dma_start3A_1143 = arith.constant 5 : i32
    %dma_start3A_1144 = arith.constant 0 : i32
    %dma_start3A_1145 = tpu.memref_slice %arg7[%dma_start3A_1142, %dma_start3A_1143, %dma_start3A_1144] : memref<4x8x128xf32, #tpu.memory_space<vmem>> -> memref<1x1x128xf32, #tpu.memory_space<vmem>>
    %dma_start3A_1146 = tpu.memref_squeeze %dma_start3A_1145 : memref<1x1x128xf32, #tpu.memory_space<vmem>> -> memref<128xf32, #tpu.memory_space<vmem>>
    %dma_start3A_1147 = arith.constant 0 : i32
    %dma_start3A_1148 = tpu.memref_slice %arg6[%dma_start3A_1140, %dma_start3A_1141, %dma_start3A_1147] : memref<4x6x128xi32, #tpu.memory_space<vmem>> -> memref<1x1x128xi32, #tpu.memory_space<vmem>>
    %dma_start3A_1149 = tpu.memref_squeeze %dma_start3A_1148 : memref<1x1x128xi32, #tpu.memory_space<vmem>> -> memref<128xi32, #tpu.memory_space<vmem>>
    %dma_start3A_1150 = arith.constant 0 : i32
    %dma_start3A_1151 = tpu.memref_slice %arg3[%dma_start3A_1150] : memref<600000xf32, #tpu.memory_space<hbm>> -> memref<600000xf32, #tpu.memory_space<hbm>>
    tpu.enqueue_indirect_dma source(%dma_start3A_1151 : memref<600000xf32, #tpu.memory_space<hbm>>) target(%dma_start3A_1146 : memref<128xf32, #tpu.memory_space<vmem>>) offsets(%dma_start3A_1149 : memref<128xi32, #tpu.memory_space<vmem>>) semaphore(%arg9 : memref<!tpu.dma_semaphore, #tpu.memory_space<semaphore_mem>>)
    %get3A_1152 = arith.constant 256 : index
    %get3A_1153 = tpu.vector_load %arg5[%get3A_1152] {strides = array<i32>} : memref<512xi32, #tpu.memory_space<vmem>>, vector<16xi32>,
    %swap3A_1154 = arith.constant 2 : i32
    %swap3A_1155 = arith.constant 0 : i32
    %swap3A_1156 = arith.index_cast %swap3A_1154 : i32 to index
    %swap3A_1157 = arith.index_cast %swap3A_1155 : i32 to index
    %swap3A_1158 = arith.constant 0 : index
    %swap3A_1159 = tpu.vector_load %arg6[%swap3A_1156, %swap3A_1157, %swap3A_1158] {strides = array<i32>} : memref<4x6x128xi32, #tpu.memory_space<vmem>>, vector<16xi32>,
    tpu.vector_store %arg6[%swap3A_1156, %swap3A_1157, %swap3A_1158], %get3A_1153 {strides = array<i32>} : memref<4x6x128xi32, #tpu.memory_space<vmem>>, vector<16xi32>,
    %get3A_1160 = arith.constant 272 : index
    %get3A_1161 = tpu.vector_load %arg5[%get3A_1160] {strides = array<i32>} : memref<512xi32, #tpu.memory_space<vmem>>, vector<16xi32>,
    %swap3A_1162 = arith.constant 2 : i32
    %swap3A_1163 = arith.constant 0 : i32
    %swap3A_1164 = arith.index_cast %swap3A_1162 : i32 to index
    %swap3A_1165 = arith.index_cast %swap3A_1163 : i32 to index
    %swap3A_1166 = arith.constant 16 : index
    %swap3A_1167 = tpu.vector_load %arg6[%swap3A_1164, %swap3A_1165, %swap3A_1166] {strides = array<i32>} : memref<4x6x128xi32, #tpu.memory_space<vmem>>, vector<16xi32>,
    tpu.vector_store %arg6[%swap3A_1164, %swap3A_1165, %swap3A_1166], %get3A_1161 {strides = array<i32>} : memref<4x6x128xi32, #tpu.memory_space<vmem>>, vector<16xi32>,
    %get3A_1168 = arith.constant 288 : index
    %get3A_1169 = tpu.vector_load %arg5[%get3A_1168] {strides = array<i32>} : memref<512xi32, #tpu.memory_space<vmem>>, vector<16xi32>,
    %swap3A_1170 = arith.constant 2 : i32
    %swap3A_1171 = arith.constant 0 : i32
    %swap3A_1172 = arith.index_cast %swap3A_1170 : i32 to index
    %swap3A_1173 = arith.index_cast %swap3A_1171 : i32 to index
    %swap3A_1174 = arith.constant 32 : index
    %swap3A_1175 = tpu.vector_load %arg6[%swap3A_1172, %swap3A_1173, %swap3A_1174] {strides = array<i32>} : memref<4x6x128xi32, #tpu.memory_space<vmem>>, vector<16xi32>,
    tpu.vector_store %arg6[%swap3A_1172, %swap3A_1173, %swap3A_1174], %get3A_1169 {strides = array<i32>} : memref<4x6x128xi32, #tpu.memory_space<vmem>>, vector<16xi32>,
    %get3A_1176 = arith.constant 304 : index
    %get3A_1177 = tpu.vector_load %arg5[%get3A_1176] {strides = array<i32>} : memref<512xi32, #tpu.memory_space<vmem>>, vector<16xi32>,
    %swap3A_1178 = arith.constant 2 : i32
    %swap3A_1179 = arith.constant 0 : i32
    %swap3A_1180 = arith.index_cast %swap3A_1178 : i32 to index
    %swap3A_1181 = arith.index_cast %swap3A_1179 : i32 to index
    %swap3A_1182 = arith.constant 48 : index
    %swap3A_1183 = tpu.vector_load %arg6[%swap3A_1180, %swap3A_1181, %swap3A_1182] {strides = array<i32>} : memref<4x6x128xi32, #tpu.memory_space<vmem>>, vector<16xi32>,
    tpu.vector_store %arg6[%swap3A_1180, %swap3A_1181, %swap3A_1182], %get3A_1177 {strides = array<i32>} : memref<4x6x128xi32, #tpu.memory_space<vmem>>, vector<16xi32>,
    %get3A_1184 = arith.constant 320 : index
    %get3A_1185 = tpu.vector_load %arg5[%get3A_1184] {strides = array<i32>} : memref<512xi32, #tpu.memory_space<vmem>>, vector<16xi32>,
    %swap3A_1186 = arith.constant 2 : i32
    %swap3A_1187 = arith.constant 0 : i32
    %swap3A_1188 = arith.index_cast %swap3A_1186 : i32 to index
    %swap3A_1189 = arith.index_cast %swap3A_1187 : i32 to index
    %swap3A_1190 = arith.constant 64 : index
    %swap3A_1191 = tpu.vector_load %arg6[%swap3A_1188, %swap3A_1189, %swap3A_1190] {strides = array<i32>} : memref<4x6x128xi32, #tpu.memory_space<vmem>>, vector<16xi32>,
    tpu.vector_store %arg6[%swap3A_1188, %swap3A_1189, %swap3A_1190], %get3A_1185 {strides = array<i32>} : memref<4x6x128xi32, #tpu.memory_space<vmem>>, vector<16xi32>,
    %get3A_1192 = arith.constant 336 : index
    %get3A_1193 = tpu.vector_load %arg5[%get3A_1192] {strides = array<i32>} : memref<512xi32, #tpu.memory_space<vmem>>, vector<16xi32>,
    %swap3A_1194 = arith.constant 2 : i32
    %swap3A_1195 = arith.constant 0 : i32
    %swap3A_1196 = arith.index_cast %swap3A_1194 : i32 to index
    %swap3A_1197 = arith.index_cast %swap3A_1195 : i32 to index
    %swap3A_1198 = arith.constant 80 : index
    %swap3A_1199 = tpu.vector_load %arg6[%swap3A_1196, %swap3A_1197, %swap3A_1198] {strides = array<i32>} : memref<4x6x128xi32, #tpu.memory_space<vmem>>, vector<16xi32>,
    tpu.vector_store %arg6[%swap3A_1196, %swap3A_1197, %swap3A_1198], %get3A_1193 {strides = array<i32>} : memref<4x6x128xi32, #tpu.memory_space<vmem>>, vector<16xi32>,
    %get3A_1200 = arith.constant 352 : index
    %get3A_1201 = tpu.vector_load %arg5[%get3A_1200] {strides = array<i32>} : memref<512xi32, #tpu.memory_space<vmem>>, vector<16xi32>,
    %swap3A_1202 = arith.constant 2 : i32
    %swap3A_1203 = arith.constant 0 : i32
    %swap3A_1204 = arith.index_cast %swap3A_1202 : i32 to index
    %swap3A_1205 = arith.index_cast %swap3A_1203 : i32 to index
    %swap3A_1206 = arith.constant 96 : index
    %swap3A_1207 = tpu.vector_load %arg6[%swap3A_1204, %swap3A_1205, %swap3A_1206] {strides = array<i32>} : memref<4x6x128xi32, #tpu.memory_space<vmem>>, vector<16xi32>,
    tpu.vector_store %arg6[%swap3A_1204, %swap3A_1205, %swap3A_1206], %get3A_1201 {strides = array<i32>} : memref<4x6x128xi32, #tpu.memory_space<vmem>>, vector<16xi32>,
    %get3A_1208 = arith.constant 368 : index
    %get3A_1209 = tpu.vector_load %arg5[%get3A_1208] {strides = array<i32>} : memref<512xi32, #tpu.memory_space<vmem>>, vector<16xi32>,
    %swap3A_1210 = arith.constant 2 : i32
    %swap3A_1211 = arith.constant 0 : i32
    %swap3A_1212 = arith.index_cast %swap3A_1210 : i32 to index
    %swap3A_1213 = arith.index_cast %swap3A_1211 : i32 to index
    %swap3A_1214 = arith.constant 112 : index
    %swap3A_1215 = tpu.vector_load %arg6[%swap3A_1212, %swap3A_1213, %swap3A_1214] {strides = array<i32>} : memref<4x6x128xi32, #tpu.memory_space<vmem>>, vector<16xi32>,
    tpu.vector_store %arg6[%swap3A_1212, %swap3A_1213, %swap3A_1214], %get3A_1209 {strides = array<i32>} : memref<4x6x128xi32, #tpu.memory_space<vmem>>, vector<16xi32>,
    %dma_start3A_1216 = arith.constant 2 : i32
    %dma_start3A_1217 = arith.constant 0 : i32
    %dma_start3A_1218 = arith.constant 2 : i32
    %dma_start3A_1219 = arith.constant 0 : i32
    %dma_start3A_1220 = arith.constant 0 : i32
    %dma_start3A_1221 = tpu.memref_slice %arg7[%dma_start3A_1218, %dma_start3A_1219, %dma_start3A_1220] : memref<4x8x128xf32, #tpu.memory_space<vmem>> -> memref<1x1x128xf32, #tpu.memory_space<vmem>>
    %dma_start3A_1222 = tpu.memref_squeeze %dma_start3A_1221 : memref<1x1x128xf32, #tpu.memory_space<vmem>> -> memref<128xf32, #tpu.memory_space<vmem>>
    %dma_start3A_1223 = arith.constant 0 : i32
    %dma_start3A_1224 = tpu.memref_slice %arg6[%dma_start3A_1216, %dma_start3A_1217, %dma_start3A_1223] : memref<4x6x128xi32, #tpu.memory_space<vmem>> -> memref<1x1x128xi32, #tpu.memory_space<vmem>>
    %dma_start3A_1225 = tpu.memref_squeeze %dma_start3A_1224 : memref<1x1x128xi32, #tpu.memory_space<vmem>> -> memref<128xi32, #tpu.memory_space<vmem>>
    %dma_start3A_1226 = arith.constant 0 : i32
    %dma_start3A_1227 = tpu.memref_slice %arg3[%dma_start3A_1226] : memref<600000xf32, #tpu.memory_space<hbm>> -> memref<600000xf32, #tpu.memory_space<hbm>>
    tpu.enqueue_indirect_dma source(%dma_start3A_1227 : memref<600000xf32, #tpu.memory_space<hbm>>) target(%dma_start3A_1222 : memref<128xf32, #tpu.memory_space<vmem>>) offsets(%dma_start3A_1225 : memref<128xi32, #tpu.memory_space<vmem>>) semaphore(%arg10 : memref<!tpu.dma_semaphore, #tpu.memory_space<semaphore_mem>>)
    %get3A_1228 = arith.constant 256 : index
    %get3A_1229 = tpu.vector_load %arg5[%get3A_1228] {strides = array<i32>} : memref<512xi32, #tpu.memory_space<vmem>>, vector<16xi32>,
    %add3A_1230 = arith.constant 100000 : i32
    %add3A_1231 = vector.broadcast %add3A_1230 : i32 to vector<16xi32>
    %add3A_1232 = arith.addi %get3A_1229, %add3A_1231 : vector<16xi32>
    %swap3A_1233 = arith.constant 2 : i32
    %swap3A_1234 = arith.constant 1 : i32
    %swap3A_1235 = arith.index_cast %swap3A_1233 : i32 to index
    %swap3A_1236 = arith.index_cast %swap3A_1234 : i32 to index
    %swap3A_1237 = arith.constant 0 : index
    %swap3A_1238 = tpu.vector_load %arg6[%swap3A_1235, %swap3A_1236, %swap3A_1237] {strides = array<i32>} : memref<4x6x128xi32, #tpu.memory_space<vmem>>, vector<16xi32>,
    tpu.vector_store %arg6[%swap3A_1235, %swap3A_1236, %swap3A_1237], %add3A_1232 {strides = array<i32>} : memref<4x6x128xi32, #tpu.memory_space<vmem>>, vector<16xi32>,
    %get3A_1239 = arith.constant 272 : index
    %get3A_1240 = tpu.vector_load %arg5[%get3A_1239] {strides = array<i32>} : memref<512xi32, #tpu.memory_space<vmem>>, vector<16xi32>,
    %add3A_1241 = arith.constant 100000 : i32
    %add3A_1242 = vector.broadcast %add3A_1241 : i32 to vector<16xi32>
    %add3A_1243 = arith.addi %get3A_1240, %add3A_1242 : vector<16xi32>
    %swap3A_1244 = arith.constant 2 : i32
    %swap3A_1245 = arith.constant 1 : i32
    %swap3A_1246 = arith.index_cast %swap3A_1244 : i32 to index
    %swap3A_1247 = arith.index_cast %swap3A_1245 : i32 to index
    %swap3A_1248 = arith.constant 16 : index
    %swap3A_1249 = tpu.vector_load %arg6[%swap3A_1246, %swap3A_1247, %swap3A_1248] {strides = array<i32>} : memref<4x6x128xi32, #tpu.memory_space<vmem>>, vector<16xi32>,
    tpu.vector_store %arg6[%swap3A_1246, %swap3A_1247, %swap3A_1248], %add3A_1243 {strides = array<i32>} : memref<4x6x128xi32, #tpu.memory_space<vmem>>, vector<16xi32>,
    %get3A_1250 = arith.constant 288 : index
    %get3A_1251 = tpu.vector_load %arg5[%get3A_1250] {strides = array<i32>} : memref<512xi32, #tpu.memory_space<vmem>>, vector<16xi32>,
    %add3A_1252 = arith.constant 100000 : i32
    %add3A_1253 = vector.broadcast %add3A_1252 : i32 to vector<16xi32>
    %add3A_1254 = arith.addi %get3A_1251, %add3A_1253 : vector<16xi32>
    %swap3A_1255 = arith.constant 2 : i32
    %swap3A_1256 = arith.constant 1 : i32
    %swap3A_1257 = arith.index_cast %swap3A_1255 : i32 to index
    %swap3A_1258 = arith.index_cast %swap3A_1256 : i32 to index
    %swap3A_1259 = arith.constant 32 : index
    %swap3A_1260 = tpu.vector_load %arg6[%swap3A_1257, %swap3A_1258, %swap3A_1259] {strides = array<i32>} : memref<4x6x128xi32, #tpu.memory_space<vmem>>, vector<16xi32>,
    tpu.vector_store %arg6[%swap3A_1257, %swap3A_1258, %swap3A_1259], %add3A_1254 {strides = array<i32>} : memref<4x6x128xi32, #tpu.memory_space<vmem>>, vector<16xi32>,
    %get3A_1261 = arith.constant 304 : index
    %get3A_1262 = tpu.vector_load %arg5[%get3A_1261] {strides = array<i32>} : memref<512xi32, #tpu.memory_space<vmem>>, vector<16xi32>,
    %add3A_1263 = arith.constant 100000 : i32
    %add3A_1264 = vector.broadcast %add3A_1263 : i32 to vector<16xi32>
    %add3A_1265 = arith.addi %get3A_1262, %add3A_1264 : vector<16xi32>
    %swap3A_1266 = arith.constant 2 : i32
    %swap3A_1267 = arith.constant 1 : i32
    %swap3A_1268 = arith.index_cast %swap3A_1266 : i32 to index
    %swap3A_1269 = arith.index_cast %swap3A_1267 : i32 to index
    %swap3A_1270 = arith.constant 48 : index
    %swap3A_1271 = tpu.vector_load %arg6[%swap3A_1268, %swap3A_1269, %swap3A_1270] {strides = array<i32>} : memref<4x6x128xi32, #tpu.memory_space<vmem>>, vector<16xi32>,
    tpu.vector_store %arg6[%swap3A_1268, %swap3A_1269, %swap3A_1270], %add3A_1265 {strides = array<i32>} : memref<4x6x128xi32, #tpu.memory_space<vmem>>, vector<16xi32>,
    %get3A_1272 = arith.constant 320 : index
    %get3A_1273 = tpu.vector_load %arg5[%get3A_1272] {strides = array<i32>} : memref<512xi32, #tpu.memory_space<vmem>>, vector<16xi32>,
    %add3A_1274 = arith.constant 100000 : i32
    %add3A_1275 = vector.broadcast %add3A_1274 : i32 to vector<16xi32>
    %add3A_1276 = arith.addi %get3A_1273, %add3A_1275 : vector<16xi32>
    %swap3A_1277 = arith.constant 2 : i32
    %swap3A_1278 = arith.constant 1 : i32
    %swap3A_1279 = arith.index_cast %swap3A_1277 : i32 to index
    %swap3A_1280 = arith.index_cast %swap3A_1278 : i32 to index
    %swap3A_1281 = arith.constant 64 : index
    %swap3A_1282 = tpu.vector_load %arg6[%swap3A_1279, %swap3A_1280, %swap3A_1281] {strides = array<i32>} : memref<4x6x128xi32, #tpu.memory_space<vmem>>, vector<16xi32>,
    tpu.vector_store %arg6[%swap3A_1279, %swap3A_1280, %swap3A_1281], %add3A_1276 {strides = array<i32>} : memref<4x6x128xi32, #tpu.memory_space<vmem>>, vector<16xi32>,
    %get3A_1283 = arith.constant 336 : index
    %get3A_1284 = tpu.vector_load %arg5[%get3A_1283] {strides = array<i32>} : memref<512xi32, #tpu.memory_space<vmem>>, vector<16xi32>,
    %add3A_1285 = arith.constant 100000 : i32
    %add3A_1286 = vector.broadcast %add3A_1285 : i32 to vector<16xi32>
    %add3A_1287 = arith.addi %get3A_1284, %add3A_1286 : vector<16xi32>
    %swap3A_1288 = arith.constant 2 : i32
    %swap3A_1289 = arith.constant 1 : i32
    %swap3A_1290 = arith.index_cast %swap3A_1288 : i32 to index
    %swap3A_1291 = arith.index_cast %swap3A_1289 : i32 to index
    %swap3A_1292 = arith.constant 80 : index
    %swap3A_1293 = tpu.vector_load %arg6[%swap3A_1290, %swap3A_1291, %swap3A_1292] {strides = array<i32>} : memref<4x6x128xi32, #tpu.memory_space<vmem>>, vector<16xi32>,
    tpu.vector_store %arg6[%swap3A_1290, %swap3A_1291, %swap3A_1292], %add3A_1287 {strides = array<i32>} : memref<4x6x128xi32, #tpu.memory_space<vmem>>, vector<16xi32>,
    %get3A_1294 = arith.constant 352 : index
    %get3A_1295 = tpu.vector_load %arg5[%get3A_1294] {strides = array<i32>} : memref<512xi32, #tpu.memory_space<vmem>>, vector<16xi32>,
    %add3A_1296 = arith.constant 100000 : i32
    %add3A_1297 = vector.broadcast %add3A_1296 : i32 to vector<16xi32>
    %add3A_1298 = arith.addi %get3A_1295, %add3A_1297 : vector<16xi32>
    %swap3A_1299 = arith.constant 2 : i32
    %swap3A_1300 = arith.constant 1 : i32
    %swap3A_1301 = arith.index_cast %swap3A_1299 : i32 to index
    %swap3A_1302 = arith.index_cast %swap3A_1300 : i32 to index
    %swap3A_1303 = arith.constant 96 : index
    %swap3A_1304 = tpu.vector_load %arg6[%swap3A_1301, %swap3A_1302, %swap3A_1303] {strides = array<i32>} : memref<4x6x128xi32, #tpu.memory_space<vmem>>, vector<16xi32>,
    tpu.vector_store %arg6[%swap3A_1301, %swap3A_1302, %swap3A_1303], %add3A_1298 {strides = array<i32>} : memref<4x6x128xi32, #tpu.memory_space<vmem>>, vector<16xi32>,
    %get3A_1305 = arith.constant 368 : index
    %get3A_1306 = tpu.vector_load %arg5[%get3A_1305] {strides = array<i32>} : memref<512xi32, #tpu.memory_space<vmem>>, vector<16xi32>,
    %add3A_1307 = arith.constant 100000 : i32
    %add3A_1308 = vector.broadcast %add3A_1307 : i32 to vector<16xi32>
    %add3A_1309 = arith.addi %get3A_1306, %add3A_1308 : vector<16xi32>
    %swap3A_1310 = arith.constant 2 : i32
    %swap3A_1311 = arith.constant 1 : i32
    %swap3A_1312 = arith.index_cast %swap3A_1310 : i32 to index
    %swap3A_1313 = arith.index_cast %swap3A_1311 : i32 to index
    %swap3A_1314 = arith.constant 112 : index
    %swap3A_1315 = tpu.vector_load %arg6[%swap3A_1312, %swap3A_1313, %swap3A_1314] {strides = array<i32>} : memref<4x6x128xi32, #tpu.memory_space<vmem>>, vector<16xi32>,
    tpu.vector_store %arg6[%swap3A_1312, %swap3A_1313, %swap3A_1314], %add3A_1309 {strides = array<i32>} : memref<4x6x128xi32, #tpu.memory_space<vmem>>, vector<16xi32>,
    %dma_start3A_1316 = arith.constant 2 : i32
    %dma_start3A_1317 = arith.constant 1 : i32
    %dma_start3A_1318 = arith.constant 2 : i32
    %dma_start3A_1319 = arith.constant 1 : i32
    %dma_start3A_1320 = arith.constant 0 : i32
    %dma_start3A_1321 = tpu.memref_slice %arg7[%dma_start3A_1318, %dma_start3A_1319, %dma_start3A_1320] : memref<4x8x128xf32, #tpu.memory_space<vmem>> -> memref<1x1x128xf32, #tpu.memory_space<vmem>>
    %dma_start3A_1322 = tpu.memref_squeeze %dma_start3A_1321 : memref<1x1x128xf32, #tpu.memory_space<vmem>> -> memref<128xf32, #tpu.memory_space<vmem>>
    %dma_start3A_1323 = arith.constant 0 : i32
    %dma_start3A_1324 = tpu.memref_slice %arg6[%dma_start3A_1316, %dma_start3A_1317, %dma_start3A_1323] : memref<4x6x128xi32, #tpu.memory_space<vmem>> -> memref<1x1x128xi32, #tpu.memory_space<vmem>>
    %dma_start3A_1325 = tpu.memref_squeeze %dma_start3A_1324 : memref<1x1x128xi32, #tpu.memory_space<vmem>> -> memref<128xi32, #tpu.memory_space<vmem>>
    %dma_start3A_1326 = arith.constant 0 : i32
    %dma_start3A_1327 = tpu.memref_slice %arg3[%dma_start3A_1326] : memref<600000xf32, #tpu.memory_space<hbm>> -> memref<600000xf32, #tpu.memory_space<hbm>>
    tpu.enqueue_indirect_dma source(%dma_start3A_1327 : memref<600000xf32, #tpu.memory_space<hbm>>) target(%dma_start3A_1322 : memref<128xf32, #tpu.memory_space<vmem>>) offsets(%dma_start3A_1325 : memref<128xi32, #tpu.memory_space<vmem>>) semaphore(%arg10 : memref<!tpu.dma_semaphore, #tpu.memory_space<semaphore_mem>>)
    %get3A_1328 = arith.constant 256 : index
    %get3A_1329 = tpu.vector_load %arg5[%get3A_1328] {strides = array<i32>} : memref<512xi32, #tpu.memory_space<vmem>>, vector<16xi32>,
    %add3A_1330 = arith.constant 200000 : i32
    %add3A_1331 = vector.broadcast %add3A_1330 : i32 to vector<16xi32>
    %add3A_1332 = arith.addi %get3A_1329, %add3A_1331 : vector<16xi32>
    %swap3A_1333 = arith.constant 2 : i32
    %swap3A_1334 = arith.constant 2 : i32
    %swap3A_1335 = arith.index_cast %swap3A_1333 : i32 to index
    %swap3A_1336 = arith.index_cast %swap3A_1334 : i32 to index
    %swap3A_1337 = arith.constant 0 : index
    %swap3A_1338 = tpu.vector_load %arg6[%swap3A_1335, %swap3A_1336, %swap3A_1337] {strides = array<i32>} : memref<4x6x128xi32, #tpu.memory_space<vmem>>, vector<16xi32>,
    tpu.vector_store %arg6[%swap3A_1335, %swap3A_1336, %swap3A_1337], %add3A_1332 {strides = array<i32>} : memref<4x6x128xi32, #tpu.memory_space<vmem>>, vector<16xi32>,
    %get3A_1339 = arith.constant 272 : index
    %get3A_1340 = tpu.vector_load %arg5[%get3A_1339] {strides = array<i32>} : memref<512xi32, #tpu.memory_space<vmem>>, vector<16xi32>,
    %add3A_1341 = arith.constant 200000 : i32
    %add3A_1342 = vector.broadcast %add3A_1341 : i32 to vector<16xi32>
    %add3A_1343 = arith.addi %get3A_1340, %add3A_1342 : vector<16xi32>
    %swap3A_1344 = arith.constant 2 : i32
    %swap3A_1345 = arith.constant 2 : i32
    %swap3A_1346 = arith.index_cast %swap3A_1344 : i32 to index
    %swap3A_1347 = arith.index_cast %swap3A_1345 : i32 to index
    %swap3A_1348 = arith.constant 16 : index
    %swap3A_1349 = tpu.vector_load %arg6[%swap3A_1346, %swap3A_1347, %swap3A_1348] {strides = array<i32>} : memref<4x6x128xi32, #tpu.memory_space<vmem>>, vector<16xi32>,
    tpu.vector_store %arg6[%swap3A_1346, %swap3A_1347, %swap3A_1348], %add3A_1343 {strides = array<i32>} : memref<4x6x128xi32, #tpu.memory_space<vmem>>, vector<16xi32>,
    %get3A_1350 = arith.constant 288 : index
    %get3A_1351 = tpu.vector_load %arg5[%get3A_1350] {strides = array<i32>} : memref<512xi32, #tpu.memory_space<vmem>>, vector<16xi32>,
    %add3A_1352 = arith.constant 200000 : i32
    %add3A_1353 = vector.broadcast %add3A_1352 : i32 to vector<16xi32>
    %add3A_1354 = arith.addi %get3A_1351, %add3A_1353 : vector<16xi32>
    %swap3A_1355 = arith.constant 2 : i32
    %swap3A_1356 = arith.constant 2 : i32
    %swap3A_1357 = arith.index_cast %swap3A_1355 : i32 to index
    %swap3A_1358 = arith.index_cast %swap3A_1356 : i32 to index
    %swap3A_1359 = arith.constant 32 : index
    %swap3A_1360 = tpu.vector_load %arg6[%swap3A_1357, %swap3A_1358, %swap3A_1359] {strides = array<i32>} : memref<4x6x128xi32, #tpu.memory_space<vmem>>, vector<16xi32>,
    tpu.vector_store %arg6[%swap3A_1357, %swap3A_1358, %swap3A_1359], %add3A_1354 {strides = array<i32>} : memref<4x6x128xi32, #tpu.memory_space<vmem>>, vector<16xi32>,
    %get3A_1361 = arith.constant 304 : index
    %get3A_1362 = tpu.vector_load %arg5[%get3A_1361] {strides = array<i32>} : memref<512xi32, #tpu.memory_space<vmem>>, vector<16xi32>,
    %add3A_1363 = arith.constant 200000 : i32
    %add3A_1364 = vector.broadcast %add3A_1363 : i32 to vector<16xi32>
    %add3A_1365 = arith.addi %get3A_1362, %add3A_1364 : vector<16xi32>
    %swap3A_1366 = arith.constant 2 : i32
    %swap3A_1367 = arith.constant 2 : i32
    %swap3A_1368 = arith.index_cast %swap3A_1366 : i32 to index
    %swap3A_1369 = arith.index_cast %swap3A_1367 : i32 to index
    %swap3A_1370 = arith.constant 48 : index
    %swap3A_1371 = tpu.vector_load %arg6[%swap3A_1368, %swap3A_1369, %swap3A_1370] {strides = array<i32>} : memref<4x6x128xi32, #tpu.memory_space<vmem>>, vector<16xi32>,
    tpu.vector_store %arg6[%swap3A_1368, %swap3A_1369, %swap3A_1370], %add3A_1365 {strides = array<i32>} : memref<4x6x128xi32, #tpu.memory_space<vmem>>, vector<16xi32>,
    %get3A_1372 = arith.constant 320 : index
    %get3A_1373 = tpu.vector_load %arg5[%get3A_1372] {strides = array<i32>} : memref<512xi32, #tpu.memory_space<vmem>>, vector<16xi32>,
    %add3A_1374 = arith.constant 200000 : i32
    %add3A_1375 = vector.broadcast %add3A_1374 : i32 to vector<16xi32>
    %add3A_1376 = arith.addi %get3A_1373, %add3A_1375 : vector<16xi32>
    %swap3A_1377 = arith.constant 2 : i32
    %swap3A_1378 = arith.constant 2 : i32
    %swap3A_1379 = arith.index_cast %swap3A_1377 : i32 to index
    %swap3A_1380 = arith.index_cast %swap3A_1378 : i32 to index
    %swap3A_1381 = arith.constant 64 : index
    %swap3A_1382 = tpu.vector_load %arg6[%swap3A_1379, %swap3A_1380, %swap3A_1381] {strides = array<i32>} : memref<4x6x128xi32, #tpu.memory_space<vmem>>, vector<16xi32>,
    tpu.vector_store %arg6[%swap3A_1379, %swap3A_1380, %swap3A_1381], %add3A_1376 {strides = array<i32>} : memref<4x6x128xi32, #tpu.memory_space<vmem>>, vector<16xi32>,
    %get3A_1383 = arith.constant 336 : index
    %get3A_1384 = tpu.vector_load %arg5[%get3A_1383] {strides = array<i32>} : memref<512xi32, #tpu.memory_space<vmem>>, vector<16xi32>,
    %add3A_1385 = arith.constant 200000 : i32
    %add3A_1386 = vector.broadcast %add3A_1385 : i32 to vector<16xi32>
    %add3A_1387 = arith.addi %get3A_1384, %add3A_1386 : vector<16xi32>
    %swap3A_1388 = arith.constant 2 : i32
    %swap3A_1389 = arith.constant 2 : i32
    %swap3A_1390 = arith.index_cast %swap3A_1388 : i32 to index
    %swap3A_1391 = arith.index_cast %swap3A_1389 : i32 to index
    %swap3A_1392 = arith.constant 80 : index
    %swap3A_1393 = tpu.vector_load %arg6[%swap3A_1390, %swap3A_1391, %swap3A_1392] {strides = array<i32>} : memref<4x6x128xi32, #tpu.memory_space<vmem>>, vector<16xi32>,
    tpu.vector_store %arg6[%swap3A_1390, %swap3A_1391, %swap3A_1392], %add3A_1387 {strides = array<i32>} : memref<4x6x128xi32, #tpu.memory_space<vmem>>, vector<16xi32>,
    %get3A_1394 = arith.constant 352 : index
    %get3A_1395 = tpu.vector_load %arg5[%get3A_1394] {strides = array<i32>} : memref<512xi32, #tpu.memory_space<vmem>>, vector<16xi32>,
    %add3A_1396 = arith.constant 200000 : i32
    %add3A_1397 = vector.broadcast %add3A_1396 : i32 to vector<16xi32>
    %add3A_1398 = arith.addi %get3A_1395, %add3A_1397 : vector<16xi32>
    %swap3A_1399 = arith.constant 2 : i32
    %swap3A_1400 = arith.constant 2 : i32
    %swap3A_1401 = arith.index_cast %swap3A_1399 : i32 to index
    %swap3A_1402 = arith.index_cast %swap3A_1400 : i32 to index
    %swap3A_1403 = arith.constant 96 : index
    %swap3A_1404 = tpu.vector_load %arg6[%swap3A_1401, %swap3A_1402, %swap3A_1403] {strides = array<i32>} : memref<4x6x128xi32, #tpu.memory_space<vmem>>, vector<16xi32>,
    tpu.vector_store %arg6[%swap3A_1401, %swap3A_1402, %swap3A_1403], %add3A_1398 {strides = array<i32>} : memref<4x6x128xi32, #tpu.memory_space<vmem>>, vector<16xi32>,
    %get3A_1405 = arith.constant 368 : index
    %get3A_1406 = tpu.vector_load %arg5[%get3A_1405] {strides = array<i32>} : memref<512xi32, #tpu.memory_space<vmem>>, vector<16xi32>,
    %add3A_1407 = arith.constant 200000 : i32
    %add3A_1408 = vector.broadcast %add3A_1407 : i32 to vector<16xi32>
    %add3A_1409 = arith.addi %get3A_1406, %add3A_1408 : vector<16xi32>
    %swap3A_1410 = arith.constant 2 : i32
    %swap3A_1411 = arith.constant 2 : i32
    %swap3A_1412 = arith.index_cast %swap3A_1410 : i32 to index
    %swap3A_1413 = arith.index_cast %swap3A_1411 : i32 to index
    %swap3A_1414 = arith.constant 112 : index
    %swap3A_1415 = tpu.vector_load %arg6[%swap3A_1412, %swap3A_1413, %swap3A_1414] {strides = array<i32>} : memref<4x6x128xi32, #tpu.memory_space<vmem>>, vector<16xi32>,
    tpu.vector_store %arg6[%swap3A_1412, %swap3A_1413, %swap3A_1414], %add3A_1409 {strides = array<i32>} : memref<4x6x128xi32, #tpu.memory_space<vmem>>, vector<16xi32>,
    %dma_start3A_1416 = arith.constant 2 : i32
    %dma_start3A_1417 = arith.constant 2 : i32
    %dma_start3A_1418 = arith.constant 2 : i32
    %dma_start3A_1419 = arith.constant 2 : i32
    %dma_start3A_1420 = arith.constant 0 : i32
    %dma_start3A_1421 = tpu.memref_slice %arg7[%dma_start3A_1418, %dma_start3A_1419, %dma_start3A_1420] : memref<4x8x128xf32, #tpu.memory_space<vmem>> -> memref<1x1x128xf32, #tpu.memory_space<vmem>>
    %dma_start3A_1422 = tpu.memref_squeeze %dma_start3A_1421 : memref<1x1x128xf32, #tpu.memory_space<vmem>> -> memref<128xf32, #tpu.memory_space<vmem>>
    %dma_start3A_1423 = arith.constant 0 : i32
    %dma_start3A_1424 = tpu.memref_slice %arg6[%dma_start3A_1416, %dma_start3A_1417, %dma_start3A_1423] : memref<4x6x128xi32, #tpu.memory_space<vmem>> -> memref<1x1x128xi32, #tpu.memory_space<vmem>>
    %dma_start3A_1425 = tpu.memref_squeeze %dma_start3A_1424 : memref<1x1x128xi32, #tpu.memory_space<vmem>> -> memref<128xi32, #tpu.memory_space<vmem>>
    %dma_start3A_1426 = arith.constant 0 : i32
    %dma_start3A_1427 = tpu.memref_slice %arg3[%dma_start3A_1426] : memref<600000xf32, #tpu.memory_space<hbm>> -> memref<600000xf32, #tpu.memory_space<hbm>>
    tpu.enqueue_indirect_dma source(%dma_start3A_1427 : memref<600000xf32, #tpu.memory_space<hbm>>) target(%dma_start3A_1422 : memref<128xf32, #tpu.memory_space<vmem>>) offsets(%dma_start3A_1425 : memref<128xi32, #tpu.memory_space<vmem>>) semaphore(%arg10 : memref<!tpu.dma_semaphore, #tpu.memory_space<semaphore_mem>>)
    %get3A_1428 = arith.constant 256 : index
    %get3A_1429 = tpu.vector_load %arg5[%get3A_1428] {strides = array<i32>} : memref<512xi32, #tpu.memory_space<vmem>>, vector<16xi32>,
    %add3A_1430 = arith.constant 300000 : i32
    %add3A_1431 = vector.broadcast %add3A_1430 : i32 to vector<16xi32>
    %add3A_1432 = arith.addi %get3A_1429, %add3A_1431 : vector<16xi32>
    %swap3A_1433 = arith.constant 2 : i32
    %swap3A_1434 = arith.constant 3 : i32
    %swap3A_1435 = arith.index_cast %swap3A_1433 : i32 to index
    %swap3A_1436 = arith.index_cast %swap3A_1434 : i32 to index
    %swap3A_1437 = arith.constant 0 : index
    %swap3A_1438 = tpu.vector_load %arg6[%swap3A_1435, %swap3A_1436, %swap3A_1437] {strides = array<i32>} : memref<4x6x128xi32, #tpu.memory_space<vmem>>, vector<16xi32>,
    tpu.vector_store %arg6[%swap3A_1435, %swap3A_1436, %swap3A_1437], %add3A_1432 {strides = array<i32>} : memref<4x6x128xi32, #tpu.memory_space<vmem>>, vector<16xi32>,
    %get3A_1439 = arith.constant 272 : index
    %get3A_1440 = tpu.vector_load %arg5[%get3A_1439] {strides = array<i32>} : memref<512xi32, #tpu.memory_space<vmem>>, vector<16xi32>,
    %add3A_1441 = arith.constant 300000 : i32
    %add3A_1442 = vector.broadcast %add3A_1441 : i32 to vector<16xi32>
    %add3A_1443 = arith.addi %get3A_1440, %add3A_1442 : vector<16xi32>
    %swap3A_1444 = arith.constant 2 : i32
    %swap3A_1445 = arith.constant 3 : i32
    %swap3A_1446 = arith.index_cast %swap3A_1444 : i32 to index
    %swap3A_1447 = arith.index_cast %swap3A_1445 : i32 to index
    %swap3A_1448 = arith.constant 16 : index
    %swap3A_1449 = tpu.vector_load %arg6[%swap3A_1446, %swap3A_1447, %swap3A_1448] {strides = array<i32>} : memref<4x6x128xi32, #tpu.memory_space<vmem>>, vector<16xi32>,
    tpu.vector_store %arg6[%swap3A_1446, %swap3A_1447, %swap3A_1448], %add3A_1443 {strides = array<i32>} : memref<4x6x128xi32, #tpu.memory_space<vmem>>, vector<16xi32>,
    %get3A_1450 = arith.constant 288 : index
    %get3A_1451 = tpu.vector_load %arg5[%get3A_1450] {strides = array<i32>} : memref<512xi32, #tpu.memory_space<vmem>>, vector<16xi32>,
    %add3A_1452 = arith.constant 300000 : i32
    %add3A_1453 = vector.broadcast %add3A_1452 : i32 to vector<16xi32>
    %add3A_1454 = arith.addi %get3A_1451, %add3A_1453 : vector<16xi32>
    %swap3A_1455 = arith.constant 2 : i32
    %swap3A_1456 = arith.constant 3 : i32
    %swap3A_1457 = arith.index_cast %swap3A_1455 : i32 to index
    %swap3A_1458 = arith.index_cast %swap3A_1456 : i32 to index
    %swap3A_1459 = arith.constant 32 : index
    %swap3A_1460 = tpu.vector_load %arg6[%swap3A_1457, %swap3A_1458, %swap3A_1459] {strides = array<i32>} : memref<4x6x128xi32, #tpu.memory_space<vmem>>, vector<16xi32>,
    tpu.vector_store %arg6[%swap3A_1457, %swap3A_1458, %swap3A_1459], %add3A_1454 {strides = array<i32>} : memref<4x6x128xi32, #tpu.memory_space<vmem>>, vector<16xi32>,
    %get3A_1461 = arith.constant 304 : index
    %get3A_1462 = tpu.vector_load %arg5[%get3A_1461] {strides = array<i32>} : memref<512xi32, #tpu.memory_space<vmem>>, vector<16xi32>,
    %add3A_1463 = arith.constant 300000 : i32
    %add3A_1464 = vector.broadcast %add3A_1463 : i32 to vector<16xi32>
    %add3A_1465 = arith.addi %get3A_1462, %add3A_1464 : vector<16xi32>
    %swap3A_1466 = arith.constant 2 : i32
    %swap3A_1467 = arith.constant 3 : i32
    %swap3A_1468 = arith.index_cast %swap3A_1466 : i32 to index
    %swap3A_1469 = arith.index_cast %swap3A_1467 : i32 to index
    %swap3A_1470 = arith.constant 48 : index
    %swap3A_1471 = tpu.vector_load %arg6[%swap3A_1468, %swap3A_1469, %swap3A_1470] {strides = array<i32>} : memref<4x6x128xi32, #tpu.memory_space<vmem>>, vector<16xi32>,
    tpu.vector_store %arg6[%swap3A_1468, %swap3A_1469, %swap3A_1470], %add3A_1465 {strides = array<i32>} : memref<4x6x128xi32, #tpu.memory_space<vmem>>, vector<16xi32>,
    %get3A_1472 = arith.constant 320 : index
    %get3A_1473 = tpu.vector_load %arg5[%get3A_1472] {strides = array<i32>} : memref<512xi32, #tpu.memory_space<vmem>>, vector<16xi32>,
    %add3A_1474 = arith.constant 300000 : i32
    %add3A_1475 = vector.broadcast %add3A_1474 : i32 to vector<16xi32>
    %add3A_1476 = arith.addi %get3A_1473, %add3A_1475 : vector<16xi32>
    %swap3A_1477 = arith.constant 2 : i32
    %swap3A_1478 = arith.constant 3 : i32
    %swap3A_1479 = arith.index_cast %swap3A_1477 : i32 to index
    %swap3A_1480 = arith.index_cast %swap3A_1478 : i32 to index
    %swap3A_1481 = arith.constant 64 : index
    %swap3A_1482 = tpu.vector_load %arg6[%swap3A_1479, %swap3A_1480, %swap3A_1481] {strides = array<i32>} : memref<4x6x128xi32, #tpu.memory_space<vmem>>, vector<16xi32>,
    tpu.vector_store %arg6[%swap3A_1479, %swap3A_1480, %swap3A_1481], %add3A_1476 {strides = array<i32>} : memref<4x6x128xi32, #tpu.memory_space<vmem>>, vector<16xi32>,
    %get3A_1483 = arith.constant 336 : index
    %get3A_1484 = tpu.vector_load %arg5[%get3A_1483] {strides = array<i32>} : memref<512xi32, #tpu.memory_space<vmem>>, vector<16xi32>,
    %add3A_1485 = arith.constant 300000 : i32
    %add3A_1486 = vector.broadcast %add3A_1485 : i32 to vector<16xi32>
    %add3A_1487 = arith.addi %get3A_1484, %add3A_1486 : vector<16xi32>
    %swap3A_1488 = arith.constant 2 : i32
    %swap3A_1489 = arith.constant 3 : i32
    %swap3A_1490 = arith.index_cast %swap3A_1488 : i32 to index
    %swap3A_1491 = arith.index_cast %swap3A_1489 : i32 to index
    %swap3A_1492 = arith.constant 80 : index
    %swap3A_1493 = tpu.vector_load %arg6[%swap3A_1490, %swap3A_1491, %swap3A_1492] {strides = array<i32>} : memref<4x6x128xi32, #tpu.memory_space<vmem>>, vector<16xi32>,
    tpu.vector_store %arg6[%swap3A_1490, %swap3A_1491, %swap3A_1492], %add3A_1487 {strides = array<i32>} : memref<4x6x128xi32, #tpu.memory_space<vmem>>, vector<16xi32>,
    %get3A_1494 = arith.constant 352 : index
    %get3A_1495 = tpu.vector_load %arg5[%get3A_1494] {strides = array<i32>} : memref<512xi32, #tpu.memory_space<vmem>>, vector<16xi32>,
    %add3A_1496 = arith.constant 300000 : i32
    %add3A_1497 = vector.broadcast %add3A_1496 : i32 to vector<16xi32>
    %add3A_1498 = arith.addi %get3A_1495, %add3A_1497 : vector<16xi32>
    %swap3A_1499 = arith.constant 2 : i32
    %swap3A_1500 = arith.constant 3 : i32
    %swap3A_1501 = arith.index_cast %swap3A_1499 : i32 to index
    %swap3A_1502 = arith.index_cast %swap3A_1500 : i32 to index
    %swap3A_1503 = arith.constant 96 : index
    %swap3A_1504 = tpu.vector_load %arg6[%swap3A_1501, %swap3A_1502, %swap3A_1503] {strides = array<i32>} : memref<4x6x128xi32, #tpu.memory_space<vmem>>, vector<16xi32>,
    tpu.vector_store %arg6[%swap3A_1501, %swap3A_1502, %swap3A_1503], %add3A_1498 {strides = array<i32>} : memref<4x6x128xi32, #tpu.memory_space<vmem>>, vector<16xi32>,
    %get3A_1505 = arith.constant 368 : index
    %get3A_1506 = tpu.vector_load %arg5[%get3A_1505] {strides = array<i32>} : memref<512xi32, #tpu.memory_space<vmem>>, vector<16xi32>,
    %add3A_1507 = arith.constant 300000 : i32
    %add3A_1508 = vector.broadcast %add3A_1507 : i32 to vector<16xi32>
    %add3A_1509 = arith.addi %get3A_1506, %add3A_1508 : vector<16xi32>
    %swap3A_1510 = arith.constant 2 : i32
    %swap3A_1511 = arith.constant 3 : i32
    %swap3A_1512 = arith.index_cast %swap3A_1510 : i32 to index
    %swap3A_1513 = arith.index_cast %swap3A_1511 : i32 to index
    %swap3A_1514 = arith.constant 112 : index
    %swap3A_1515 = tpu.vector_load %arg6[%swap3A_1512, %swap3A_1513, %swap3A_1514] {strides = array<i32>} : memref<4x6x128xi32, #tpu.memory_space<vmem>>, vector<16xi32>,
    tpu.vector_store %arg6[%swap3A_1512, %swap3A_1513, %swap3A_1514], %add3A_1509 {strides = array<i32>} : memref<4x6x128xi32, #tpu.memory_space<vmem>>, vector<16xi32>,
    %dma_start3A_1516 = arith.constant 2 : i32
    %dma_start3A_1517 = arith.constant 3 : i32
    %dma_start3A_1518 = arith.constant 2 : i32
    %dma_start3A_1519 = arith.constant 3 : i32
    %dma_start3A_1520 = arith.constant 0 : i32
    %dma_start3A_1521 = tpu.memref_slice %arg7[%dma_start3A_1518, %dma_start3A_1519, %dma_start3A_1520] : memref<4x8x128xf32, #tpu.memory_space<vmem>> -> memref<1x1x128xf32, #tpu.memory_space<vmem>>
    %dma_start3A_1522 = tpu.memref_squeeze %dma_start3A_1521 : memref<1x1x128xf32, #tpu.memory_space<vmem>> -> memref<128xf32, #tpu.memory_space<vmem>>
    %dma_start3A_1523 = arith.constant 0 : i32
    %dma_start3A_1524 = tpu.memref_slice %arg6[%dma_start3A_1516, %dma_start3A_1517, %dma_start3A_1523] : memref<4x6x128xi32, #tpu.memory_space<vmem>> -> memref<1x1x128xi32, #tpu.memory_space<vmem>>
    %dma_start3A_1525 = tpu.memref_squeeze %dma_start3A_1524 : memref<1x1x128xi32, #tpu.memory_space<vmem>> -> memref<128xi32, #tpu.memory_space<vmem>>
    %dma_start3A_1526 = arith.constant 0 : i32
    %dma_start3A_1527 = tpu.memref_slice %arg3[%dma_start3A_1526] : memref<600000xf32, #tpu.memory_space<hbm>> -> memref<600000xf32, #tpu.memory_space<hbm>>
    tpu.enqueue_indirect_dma source(%dma_start3A_1527 : memref<600000xf32, #tpu.memory_space<hbm>>) target(%dma_start3A_1522 : memref<128xf32, #tpu.memory_space<vmem>>) offsets(%dma_start3A_1525 : memref<128xi32, #tpu.memory_space<vmem>>) semaphore(%arg10 : memref<!tpu.dma_semaphore, #tpu.memory_space<semaphore_mem>>)
    %get3A_1528 = arith.constant 256 : index
    %get3A_1529 = tpu.vector_load %arg5[%get3A_1528] {strides = array<i32>} : memref<512xi32, #tpu.memory_space<vmem>>, vector<16xi32>,
    %add3A_1530 = arith.constant 400000 : i32
    %add3A_1531 = vector.broadcast %add3A_1530 : i32 to vector<16xi32>
    %add3A_1532 = arith.addi %get3A_1529, %add3A_1531 : vector<16xi32>
    %swap3A_1533 = arith.constant 2 : i32
    %swap3A_1534 = arith.constant 4 : i32
    %swap3A_1535 = arith.index_cast %swap3A_1533 : i32 to index
    %swap3A_1536 = arith.index_cast %swap3A_1534 : i32 to index
    %swap3A_1537 = arith.constant 0 : index
    %swap3A_1538 = tpu.vector_load %arg6[%swap3A_1535, %swap3A_1536, %swap3A_1537] {strides = array<i32>} : memref<4x6x128xi32, #tpu.memory_space<vmem>>, vector<16xi32>,
    tpu.vector_store %arg6[%swap3A_1535, %swap3A_1536, %swap3A_1537], %add3A_1532 {strides = array<i32>} : memref<4x6x128xi32, #tpu.memory_space<vmem>>, vector<16xi32>,
    %get3A_1539 = arith.constant 272 : index
    %get3A_1540 = tpu.vector_load %arg5[%get3A_1539] {strides = array<i32>} : memref<512xi32, #tpu.memory_space<vmem>>, vector<16xi32>,
    %add3A_1541 = arith.constant 400000 : i32
    %add3A_1542 = vector.broadcast %add3A_1541 : i32 to vector<16xi32>
    %add3A_1543 = arith.addi %get3A_1540, %add3A_1542 : vector<16xi32>
    %swap3A_1544 = arith.constant 2 : i32
    %swap3A_1545 = arith.constant 4 : i32
    %swap3A_1546 = arith.index_cast %swap3A_1544 : i32 to index
    %swap3A_1547 = arith.index_cast %swap3A_1545 : i32 to index
    %swap3A_1548 = arith.constant 16 : index
    %swap3A_1549 = tpu.vector_load %arg6[%swap3A_1546, %swap3A_1547, %swap3A_1548] {strides = array<i32>} : memref<4x6x128xi32, #tpu.memory_space<vmem>>, vector<16xi32>,
    tpu.vector_store %arg6[%swap3A_1546, %swap3A_1547, %swap3A_1548], %add3A_1543 {strides = array<i32>} : memref<4x6x128xi32, #tpu.memory_space<vmem>>, vector<16xi32>,
    %get3A_1550 = arith.constant 288 : index
    %get3A_1551 = tpu.vector_load %arg5[%get3A_1550] {strides = array<i32>} : memref<512xi32, #tpu.memory_space<vmem>>, vector<16xi32>,
    %add3A_1552 = arith.constant 400000 : i32
    %add3A_1553 = vector.broadcast %add3A_1552 : i32 to vector<16xi32>
    %add3A_1554 = arith.addi %get3A_1551, %add3A_1553 : vector<16xi32>
    %swap3A_1555 = arith.constant 2 : i32
    %swap3A_1556 = arith.constant 4 : i32
    %swap3A_1557 = arith.index_cast %swap3A_1555 : i32 to index
    %swap3A_1558 = arith.index_cast %swap3A_1556 : i32 to index
    %swap3A_1559 = arith.constant 32 : index
    %swap3A_1560 = tpu.vector_load %arg6[%swap3A_1557, %swap3A_1558, %swap3A_1559] {strides = array<i32>} : memref<4x6x128xi32, #tpu.memory_space<vmem>>, vector<16xi32>,
    tpu.vector_store %arg6[%swap3A_1557, %swap3A_1558, %swap3A_1559], %add3A_1554 {strides = array<i32>} : memref<4x6x128xi32, #tpu.memory_space<vmem>>, vector<16xi32>,
    %get3A_1561 = arith.constant 304 : index
    %get3A_1562 = tpu.vector_load %arg5[%get3A_1561] {strides = array<i32>} : memref<512xi32, #tpu.memory_space<vmem>>, vector<16xi32>,
    %add3A_1563 = arith.constant 400000 : i32
    %add3A_1564 = vector.broadcast %add3A_1563 : i32 to vector<16xi32>
    %add3A_1565 = arith.addi %get3A_1562, %add3A_1564 : vector<16xi32>
    %swap3A_1566 = arith.constant 2 : i32
    %swap3A_1567 = arith.constant 4 : i32
    %swap3A_1568 = arith.index_cast %swap3A_1566 : i32 to index
    %swap3A_1569 = arith.index_cast %swap3A_1567 : i32 to index
    %swap3A_1570 = arith.constant 48 : index
    %swap3A_1571 = tpu.vector_load %arg6[%swap3A_1568, %swap3A_1569, %swap3A_1570] {strides = array<i32>} : memref<4x6x128xi32, #tpu.memory_space<vmem>>, vector<16xi32>,
    tpu.vector_store %arg6[%swap3A_1568, %swap3A_1569, %swap3A_1570], %add3A_1565 {strides = array<i32>} : memref<4x6x128xi32, #tpu.memory_space<vmem>>, vector<16xi32>,
    %get3A_1572 = arith.constant 320 : index
    %get3A_1573 = tpu.vector_load %arg5[%get3A_1572] {strides = array<i32>} : memref<512xi32, #tpu.memory_space<vmem>>, vector<16xi32>,
    %add3A_1574 = arith.constant 400000 : i32
    %add3A_1575 = vector.broadcast %add3A_1574 : i32 to vector<16xi32>
    %add3A_1576 = arith.addi %get3A_1573, %add3A_1575 : vector<16xi32>
    %swap3A_1577 = arith.constant 2 : i32
    %swap3A_1578 = arith.constant 4 : i32
    %swap3A_1579 = arith.index_cast %swap3A_1577 : i32 to index
    %swap3A_1580 = arith.index_cast %swap3A_1578 : i32 to index
    %swap3A_1581 = arith.constant 64 : index
    %swap3A_1582 = tpu.vector_load %arg6[%swap3A_1579, %swap3A_1580, %swap3A_1581] {strides = array<i32>} : memref<4x6x128xi32, #tpu.memory_space<vmem>>, vector<16xi32>,
    tpu.vector_store %arg6[%swap3A_1579, %swap3A_1580, %swap3A_1581], %add3A_1576 {strides = array<i32>} : memref<4x6x128xi32, #tpu.memory_space<vmem>>, vector<16xi32>,
    %get3A_1583 = arith.constant 336 : index
    %get3A_1584 = tpu.vector_load %arg5[%get3A_1583] {strides = array<i32>} : memref<512xi32, #tpu.memory_space<vmem>>, vector<16xi32>,
    %add3A_1585 = arith.constant 400000 : i32
    %add3A_1586 = vector.broadcast %add3A_1585 : i32 to vector<16xi32>
    %add3A_1587 = arith.addi %get3A_1584, %add3A_1586 : vector<16xi32>
    %swap3A_1588 = arith.constant 2 : i32
    %swap3A_1589 = arith.constant 4 : i32
    %swap3A_1590 = arith.index_cast %swap3A_1588 : i32 to index
    %swap3A_1591 = arith.index_cast %swap3A_1589 : i32 to index
    %swap3A_1592 = arith.constant 80 : index
    %swap3A_1593 = tpu.vector_load %arg6[%swap3A_1590, %swap3A_1591, %swap3A_1592] {strides = array<i32>} : memref<4x6x128xi32, #tpu.memory_space<vmem>>, vector<16xi32>,
    tpu.vector_store %arg6[%swap3A_1590, %swap3A_1591, %swap3A_1592], %add3A_1587 {strides = array<i32>} : memref<4x6x128xi32, #tpu.memory_space<vmem>>, vector<16xi32>,
    %get3A_1594 = arith.constant 352 : index
    %get3A_1595 = tpu.vector_load %arg5[%get3A_1594] {strides = array<i32>} : memref<512xi32, #tpu.memory_space<vmem>>, vector<16xi32>,
    %add3A_1596 = arith.constant 400000 : i32
    %add3A_1597 = vector.broadcast %add3A_1596 : i32 to vector<16xi32>
    %add3A_1598 = arith.addi %get3A_1595, %add3A_1597 : vector<16xi32>
    %swap3A_1599 = arith.constant 2 : i32
    %swap3A_1600 = arith.constant 4 : i32
    %swap3A_1601 = arith.index_cast %swap3A_1599 : i32 to index
    %swap3A_1602 = arith.index_cast %swap3A_1600 : i32 to index
    %swap3A_1603 = arith.constant 96 : index
    %swap3A_1604 = tpu.vector_load %arg6[%swap3A_1601, %swap3A_1602, %swap3A_1603] {strides = array<i32>} : memref<4x6x128xi32, #tpu.memory_space<vmem>>, vector<16xi32>,
    tpu.vector_store %arg6[%swap3A_1601, %swap3A_1602, %swap3A_1603], %add3A_1598 {strides = array<i32>} : memref<4x6x128xi32, #tpu.memory_space<vmem>>, vector<16xi32>,
    %get3A_1605 = arith.constant 368 : index
    %get3A_1606 = tpu.vector_load %arg5[%get3A_1605] {strides = array<i32>} : memref<512xi32, #tpu.memory_space<vmem>>, vector<16xi32>,
    %add3A_1607 = arith.constant 400000 : i32
    %add3A_1608 = vector.broadcast %add3A_1607 : i32 to vector<16xi32>
    %add3A_1609 = arith.addi %get3A_1606, %add3A_1608 : vector<16xi32>
    %swap3A_1610 = arith.constant 2 : i32
    %swap3A_1611 = arith.constant 4 : i32
    %swap3A_1612 = arith.index_cast %swap3A_1610 : i32 to index
    %swap3A_1613 = arith.index_cast %swap3A_1611 : i32 to index
    %swap3A_1614 = arith.constant 112 : index
    %swap3A_1615 = tpu.vector_load %arg6[%swap3A_1612, %swap3A_1613, %swap3A_1614] {strides = array<i32>} : memref<4x6x128xi32, #tpu.memory_space<vmem>>, vector<16xi32>,
    tpu.vector_store %arg6[%swap3A_1612, %swap3A_1613, %swap3A_1614], %add3A_1609 {strides = array<i32>} : memref<4x6x128xi32, #tpu.memory_space<vmem>>, vector<16xi32>,
    %dma_start3A_1616 = arith.constant 2 : i32
    %dma_start3A_1617 = arith.constant 4 : i32
    %dma_start3A_1618 = arith.constant 2 : i32
    %dma_start3A_1619 = arith.constant 4 : i32
    %dma_start3A_1620 = arith.constant 0 : i32
    %dma_start3A_1621 = tpu.memref_slice %arg7[%dma_start3A_1618, %dma_start3A_1619, %dma_start3A_1620] : memref<4x8x128xf32, #tpu.memory_space<vmem>> -> memref<1x1x128xf32, #tpu.memory_space<vmem>>
    %dma_start3A_1622 = tpu.memref_squeeze %dma_start3A_1621 : memref<1x1x128xf32, #tpu.memory_space<vmem>> -> memref<128xf32, #tpu.memory_space<vmem>>
    %dma_start3A_1623 = arith.constant 0 : i32
    %dma_start3A_1624 = tpu.memref_slice %arg6[%dma_start3A_1616, %dma_start3A_1617, %dma_start3A_1623] : memref<4x6x128xi32, #tpu.memory_space<vmem>> -> memref<1x1x128xi32, #tpu.memory_space<vmem>>
    %dma_start3A_1625 = tpu.memref_squeeze %dma_start3A_1624 : memref<1x1x128xi32, #tpu.memory_space<vmem>> -> memref<128xi32, #tpu.memory_space<vmem>>
    %dma_start3A_1626 = arith.constant 0 : i32
    %dma_start3A_1627 = tpu.memref_slice %arg3[%dma_start3A_1626] : memref<600000xf32, #tpu.memory_space<hbm>> -> memref<600000xf32, #tpu.memory_space<hbm>>
    tpu.enqueue_indirect_dma source(%dma_start3A_1627 : memref<600000xf32, #tpu.memory_space<hbm>>) target(%dma_start3A_1622 : memref<128xf32, #tpu.memory_space<vmem>>) offsets(%dma_start3A_1625 : memref<128xi32, #tpu.memory_space<vmem>>) semaphore(%arg10 : memref<!tpu.dma_semaphore, #tpu.memory_space<semaphore_mem>>)
    %get3A_1628 = arith.constant 256 : index
    %get3A_1629 = tpu.vector_load %arg5[%get3A_1628] {strides = array<i32>} : memref<512xi32, #tpu.memory_space<vmem>>, vector<16xi32>,
    %add3A_1630 = arith.constant 500000 : i32
    %add3A_1631 = vector.broadcast %add3A_1630 : i32 to vector<16xi32>
    %add3A_1632 = arith.addi %get3A_1629, %add3A_1631 : vector<16xi32>
    %swap3A_1633 = arith.constant 2 : i32
    %swap3A_1634 = arith.constant 5 : i32
    %swap3A_1635 = arith.index_cast %swap3A_1633 : i32 to index
    %swap3A_1636 = arith.index_cast %swap3A_1634 : i32 to index
    %swap3A_1637 = arith.constant 0 : index
    %swap3A_1638 = tpu.vector_load %arg6[%swap3A_1635, %swap3A_1636, %swap3A_1637] {strides = array<i32>} : memref<4x6x128xi32, #tpu.memory_space<vmem>>, vector<16xi32>,
    tpu.vector_store %arg6[%swap3A_1635, %swap3A_1636, %swap3A_1637], %add3A_1632 {strides = array<i32>} : memref<4x6x128xi32, #tpu.memory_space<vmem>>, vector<16xi32>,
    %get3A_1639 = arith.constant 272 : index
    %get3A_1640 = tpu.vector_load %arg5[%get3A_1639] {strides = array<i32>} : memref<512xi32, #tpu.memory_space<vmem>>, vector<16xi32>,
    %add3A_1641 = arith.constant 500000 : i32
    %add3A_1642 = vector.broadcast %add3A_1641 : i32 to vector<16xi32>
    %add3A_1643 = arith.addi %get3A_1640, %add3A_1642 : vector<16xi32>
    %swap3A_1644 = arith.constant 2 : i32
    %swap3A_1645 = arith.constant 5 : i32
    %swap3A_1646 = arith.index_cast %swap3A_1644 : i32 to index
    %swap3A_1647 = arith.index_cast %swap3A_1645 : i32 to index
    %swap3A_1648 = arith.constant 16 : index
    %swap3A_1649 = tpu.vector_load %arg6[%swap3A_1646, %swap3A_1647, %swap3A_1648] {strides = array<i32>} : memref<4x6x128xi32, #tpu.memory_space<vmem>>, vector<16xi32>,
    tpu.vector_store %arg6[%swap3A_1646, %swap3A_1647, %swap3A_1648], %add3A_1643 {strides = array<i32>} : memref<4x6x128xi32, #tpu.memory_space<vmem>>, vector<16xi32>,
    %get3A_1650 = arith.constant 288 : index
    %get3A_1651 = tpu.vector_load %arg5[%get3A_1650] {strides = array<i32>} : memref<512xi32, #tpu.memory_space<vmem>>, vector<16xi32>,
    %add3A_1652 = arith.constant 500000 : i32
    %add3A_1653 = vector.broadcast %add3A_1652 : i32 to vector<16xi32>
    %add3A_1654 = arith.addi %get3A_1651, %add3A_1653 : vector<16xi32>
    %swap3A_1655 = arith.constant 2 : i32
    %swap3A_1656 = arith.constant 5 : i32
    %swap3A_1657 = arith.index_cast %swap3A_1655 : i32 to index
    %swap3A_1658 = arith.index_cast %swap3A_1656 : i32 to index
    %swap3A_1659 = arith.constant 32 : index
    %swap3A_1660 = tpu.vector_load %arg6[%swap3A_1657, %swap3A_1658, %swap3A_1659] {strides = array<i32>} : memref<4x6x128xi32, #tpu.memory_space<vmem>>, vector<16xi32>,
    tpu.vector_store %arg6[%swap3A_1657, %swap3A_1658, %swap3A_1659], %add3A_1654 {strides = array<i32>} : memref<4x6x128xi32, #tpu.memory_space<vmem>>, vector<16xi32>,
    %get3A_1661 = arith.constant 304 : index
    %get3A_1662 = tpu.vector_load %arg5[%get3A_1661] {strides = array<i32>} : memref<512xi32, #tpu.memory_space<vmem>>, vector<16xi32>,
    %add3A_1663 = arith.constant 500000 : i32
    %add3A_1664 = vector.broadcast %add3A_1663 : i32 to vector<16xi32>
    %add3A_1665 = arith.addi %get3A_1662, %add3A_1664 : vector<16xi32>
    %swap3A_1666 = arith.constant 2 : i32
    %swap3A_1667 = arith.constant 5 : i32
    %swap3A_1668 = arith.index_cast %swap3A_1666 : i32 to index
    %swap3A_1669 = arith.index_cast %swap3A_1667 : i32 to index
    %swap3A_1670 = arith.constant 48 : index
    %swap3A_1671 = tpu.vector_load %arg6[%swap3A_1668, %swap3A_1669, %swap3A_1670] {strides = array<i32>} : memref<4x6x128xi32, #tpu.memory_space<vmem>>, vector<16xi32>,
    tpu.vector_store %arg6[%swap3A_1668, %swap3A_1669, %swap3A_1670], %add3A_1665 {strides = array<i32>} : memref<4x6x128xi32, #tpu.memory_space<vmem>>, vector<16xi32>,
    %get3A_1672 = arith.constant 320 : index
    %get3A_1673 = tpu.vector_load %arg5[%get3A_1672] {strides = array<i32>} : memref<512xi32, #tpu.memory_space<vmem>>, vector<16xi32>,
    %add3A_1674 = arith.constant 500000 : i32
    %add3A_1675 = vector.broadcast %add3A_1674 : i32 to vector<16xi32>
    %add3A_1676 = arith.addi %get3A_1673, %add3A_1675 : vector<16xi32>
    %swap3A_1677 = arith.constant 2 : i32
    %swap3A_1678 = arith.constant 5 : i32
    %swap3A_1679 = arith.index_cast %swap3A_1677 : i32 to index
    %swap3A_1680 = arith.index_cast %swap3A_1678 : i32 to index
    %swap3A_1681 = arith.constant 64 : index
    %swap3A_1682 = tpu.vector_load %arg6[%swap3A_1679, %swap3A_1680, %swap3A_1681] {strides = array<i32>} : memref<4x6x128xi32, #tpu.memory_space<vmem>>, vector<16xi32>,
    tpu.vector_store %arg6[%swap3A_1679, %swap3A_1680, %swap3A_1681], %add3A_1676 {strides = array<i32>} : memref<4x6x128xi32, #tpu.memory_space<vmem>>, vector<16xi32>,
    %get3A_1683 = arith.constant 336 : index
    %get3A_1684 = tpu.vector_load %arg5[%get3A_1683] {strides = array<i32>} : memref<512xi32, #tpu.memory_space<vmem>>, vector<16xi32>,
    %add3A_1685 = arith.constant 500000 : i32
    %add3A_1686 = vector.broadcast %add3A_1685 : i32 to vector<16xi32>
    %add3A_1687 = arith.addi %get3A_1684, %add3A_1686 : vector<16xi32>
    %swap3A_1688 = arith.constant 2 : i32
    %swap3A_1689 = arith.constant 5 : i32
    %swap3A_1690 = arith.index_cast %swap3A_1688 : i32 to index
    %swap3A_1691 = arith.index_cast %swap3A_1689 : i32 to index
    %swap3A_1692 = arith.constant 80 : index
    %swap3A_1693 = tpu.vector_load %arg6[%swap3A_1690, %swap3A_1691, %swap3A_1692] {strides = array<i32>} : memref<4x6x128xi32, #tpu.memory_space<vmem>>, vector<16xi32>,
    tpu.vector_store %arg6[%swap3A_1690, %swap3A_1691, %swap3A_1692], %add3A_1687 {strides = array<i32>} : memref<4x6x128xi32, #tpu.memory_space<vmem>>, vector<16xi32>,
    %get3A_1694 = arith.constant 352 : index
    %get3A_1695 = tpu.vector_load %arg5[%get3A_1694] {strides = array<i32>} : memref<512xi32, #tpu.memory_space<vmem>>, vector<16xi32>,
    %add3A_1696 = arith.constant 500000 : i32
    %add3A_1697 = vector.broadcast %add3A_1696 : i32 to vector<16xi32>
    %add3A_1698 = arith.addi %get3A_1695, %add3A_1697 : vector<16xi32>
    %swap3A_1699 = arith.constant 2 : i32
    %swap3A_1700 = arith.constant 5 : i32
    %swap3A_1701 = arith.index_cast %swap3A_1699 : i32 to index
    %swap3A_1702 = arith.index_cast %swap3A_1700 : i32 to index
    %swap3A_1703 = arith.constant 96 : index
    %swap3A_1704 = tpu.vector_load %arg6[%swap3A_1701, %swap3A_1702, %swap3A_1703] {strides = array<i32>} : memref<4x6x128xi32, #tpu.memory_space<vmem>>, vector<16xi32>,
    tpu.vector_store %arg6[%swap3A_1701, %swap3A_1702, %swap3A_1703], %add3A_1698 {strides = array<i32>} : memref<4x6x128xi32, #tpu.memory_space<vmem>>, vector<16xi32>,
    %get3A_1705 = arith.constant 368 : index
    %get3A_1706 = tpu.vector_load %arg5[%get3A_1705] {strides = array<i32>} : memref<512xi32, #tpu.memory_space<vmem>>, vector<16xi32>,
    %add3A_1707 = arith.constant 500000 : i32
    %add3A_1708 = vector.broadcast %add3A_1707 : i32 to vector<16xi32>
    %add3A_1709 = arith.addi %get3A_1706, %add3A_1708 : vector<16xi32>
    %swap3A_1710 = arith.constant 2 : i32
    %swap3A_1711 = arith.constant 5 : i32
    %swap3A_1712 = arith.index_cast %swap3A_1710 : i32 to index
    %swap3A_1713 = arith.index_cast %swap3A_1711 : i32 to index
    %swap3A_1714 = arith.constant 112 : index
    %swap3A_1715 = tpu.vector_load %arg6[%swap3A_1712, %swap3A_1713, %swap3A_1714] {strides = array<i32>} : memref<4x6x128xi32, #tpu.memory_space<vmem>>, vector<16xi32>,
    tpu.vector_store %arg6[%swap3A_1712, %swap3A_1713, %swap3A_1714], %add3A_1709 {strides = array<i32>} : memref<4x6x128xi32, #tpu.memory_space<vmem>>, vector<16xi32>,
    %dma_start3A_1716 = arith.constant 2 : i32
    %dma_start3A_1717 = arith.constant 5 : i32
    %dma_start3A_1718 = arith.constant 2 : i32
    %dma_start3A_1719 = arith.constant 5 : i32
    %dma_start3A_1720 = arith.constant 0 : i32
    %dma_start3A_1721 = tpu.memref_slice %arg7[%dma_start3A_1718, %dma_start3A_1719, %dma_start3A_1720] : memref<4x8x128xf32, #tpu.memory_space<vmem>> -> memref<1x1x128xf32, #tpu.memory_space<vmem>>
    %dma_start3A_1722 = tpu.memref_squeeze %dma_start3A_1721 : memref<1x1x128xf32, #tpu.memory_space<vmem>> -> memref<128xf32, #tpu.memory_space<vmem>>
    %dma_start3A_1723 = arith.constant 0 : i32
    %dma_start3A_1724 = tpu.memref_slice %arg6[%dma_start3A_1716, %dma_start3A_1717, %dma_start3A_1723] : memref<4x6x128xi32, #tpu.memory_space<vmem>> -> memref<1x1x128xi32, #tpu.memory_space<vmem>>
    %dma_start3A_1725 = tpu.memref_squeeze %dma_start3A_1724 : memref<1x1x128xi32, #tpu.memory_space<vmem>> -> memref<128xi32, #tpu.memory_space<vmem>>
    %dma_start3A_1726 = arith.constant 0 : i32
    %dma_start3A_1727 = tpu.memref_slice %arg3[%dma_start3A_1726] : memref<600000xf32, #tpu.memory_space<hbm>> -> memref<600000xf32, #tpu.memory_space<hbm>>
    tpu.enqueue_indirect_dma source(%dma_start3A_1727 : memref<600000xf32, #tpu.memory_space<hbm>>) target(%dma_start3A_1722 : memref<128xf32, #tpu.memory_space<vmem>>) offsets(%dma_start3A_1725 : memref<128xi32, #tpu.memory_space<vmem>>) semaphore(%arg10 : memref<!tpu.dma_semaphore, #tpu.memory_space<semaphore_mem>>)
    %get3A_1728 = arith.constant 384 : index
    %get3A_1729 = tpu.vector_load %arg5[%get3A_1728] {strides = array<i32>} : memref<512xi32, #tpu.memory_space<vmem>>, vector<16xi32>,
    %swap3A_1730 = arith.constant 3 : i32
    %swap3A_1731 = arith.constant 0 : i32
    %swap3A_1732 = arith.index_cast %swap3A_1730 : i32 to index
    %swap3A_1733 = arith.index_cast %swap3A_1731 : i32 to index
    %swap3A_1734 = arith.constant 0 : index
    %swap3A_1735 = tpu.vector_load %arg6[%swap3A_1732, %swap3A_1733, %swap3A_1734] {strides = array<i32>} : memref<4x6x128xi32, #tpu.memory_space<vmem>>, vector<16xi32>,
    tpu.vector_store %arg6[%swap3A_1732, %swap3A_1733, %swap3A_1734], %get3A_1729 {strides = array<i32>} : memref<4x6x128xi32, #tpu.memory_space<vmem>>, vector<16xi32>,
    %get3A_1736 = arith.constant 400 : index
    %get3A_1737 = tpu.vector_load %arg5[%get3A_1736] {strides = array<i32>} : memref<512xi32, #tpu.memory_space<vmem>>, vector<16xi32>,
    %swap3A_1738 = arith.constant 3 : i32
    %swap3A_1739 = arith.constant 0 : i32
    %swap3A_1740 = arith.index_cast %swap3A_1738 : i32 to index
    %swap3A_1741 = arith.index_cast %swap3A_1739 : i32 to index
    %swap3A_1742 = arith.constant 16 : index
    %swap3A_1743 = tpu.vector_load %arg6[%swap3A_1740, %swap3A_1741, %swap3A_1742] {strides = array<i32>} : memref<4x6x128xi32, #tpu.memory_space<vmem>>, vector<16xi32>,
    tpu.vector_store %arg6[%swap3A_1740, %swap3A_1741, %swap3A_1742], %get3A_1737 {strides = array<i32>} : memref<4x6x128xi32, #tpu.memory_space<vmem>>, vector<16xi32>,
    %get3A_1744 = arith.constant 416 : index
    %get3A_1745 = tpu.vector_load %arg5[%get3A_1744] {strides = array<i32>} : memref<512xi32, #tpu.memory_space<vmem>>, vector<16xi32>,
    %swap3A_1746 = arith.constant 3 : i32
    %swap3A_1747 = arith.constant 0 : i32
    %swap3A_1748 = arith.index_cast %swap3A_1746 : i32 to index
    %swap3A_1749 = arith.index_cast %swap3A_1747 : i32 to index
    %swap3A_1750 = arith.constant 32 : index
    %swap3A_1751 = tpu.vector_load %arg6[%swap3A_1748, %swap3A_1749, %swap3A_1750] {strides = array<i32>} : memref<4x6x128xi32, #tpu.memory_space<vmem>>, vector<16xi32>,
    tpu.vector_store %arg6[%swap3A_1748, %swap3A_1749, %swap3A_1750], %get3A_1745 {strides = array<i32>} : memref<4x6x128xi32, #tpu.memory_space<vmem>>, vector<16xi32>,
    %get3A_1752 = arith.constant 432 : index
    %get3A_1753 = tpu.vector_load %arg5[%get3A_1752] {strides = array<i32>} : memref<512xi32, #tpu.memory_space<vmem>>, vector<16xi32>,
    %swap3A_1754 = arith.constant 3 : i32
    %swap3A_1755 = arith.constant 0 : i32
    %swap3A_1756 = arith.index_cast %swap3A_1754 : i32 to index
    %swap3A_1757 = arith.index_cast %swap3A_1755 : i32 to index
    %swap3A_1758 = arith.constant 48 : index
    %swap3A_1759 = tpu.vector_load %arg6[%swap3A_1756, %swap3A_1757, %swap3A_1758] {strides = array<i32>} : memref<4x6x128xi32, #tpu.memory_space<vmem>>, vector<16xi32>,
    tpu.vector_store %arg6[%swap3A_1756, %swap3A_1757, %swap3A_1758], %get3A_1753 {strides = array<i32>} : memref<4x6x128xi32, #tpu.memory_space<vmem>>, vector<16xi32>,
    %get3A_1760 = arith.constant 448 : index
    %get3A_1761 = tpu.vector_load %arg5[%get3A_1760] {strides = array<i32>} : memref<512xi32, #tpu.memory_space<vmem>>, vector<16xi32>,
    %swap3A_1762 = arith.constant 3 : i32
    %swap3A_1763 = arith.constant 0 : i32
    %swap3A_1764 = arith.index_cast %swap3A_1762 : i32 to index
    %swap3A_1765 = arith.index_cast %swap3A_1763 : i32 to index
    %swap3A_1766 = arith.constant 64 : index
    %swap3A_1767 = tpu.vector_load %arg6[%swap3A_1764, %swap3A_1765, %swap3A_1766] {strides = array<i32>} : memref<4x6x128xi32, #tpu.memory_space<vmem>>, vector<16xi32>,
    tpu.vector_store %arg6[%swap3A_1764, %swap3A_1765, %swap3A_1766], %get3A_1761 {strides = array<i32>} : memref<4x6x128xi32, #tpu.memory_space<vmem>>, vector<16xi32>,
    %get3A_1768 = arith.constant 464 : index
    %get3A_1769 = tpu.vector_load %arg5[%get3A_1768] {strides = array<i32>} : memref<512xi32, #tpu.memory_space<vmem>>, vector<16xi32>,
    %swap3A_1770 = arith.constant 3 : i32
    %swap3A_1771 = arith.constant 0 : i32
    %swap3A_1772 = arith.index_cast %swap3A_1770 : i32 to index
    %swap3A_1773 = arith.index_cast %swap3A_1771 : i32 to index
    %swap3A_1774 = arith.constant 80 : index
    %swap3A_1775 = tpu.vector_load %arg6[%swap3A_1772, %swap3A_1773, %swap3A_1774] {strides = array<i32>} : memref<4x6x128xi32, #tpu.memory_space<vmem>>, vector<16xi32>,
    tpu.vector_store %arg6[%swap3A_1772, %swap3A_1773, %swap3A_1774], %get3A_1769 {strides = array<i32>} : memref<4x6x128xi32, #tpu.memory_space<vmem>>, vector<16xi32>,
    %get3A_1776 = arith.constant 480 : index
    %get3A_1777 = tpu.vector_load %arg5[%get3A_1776] {strides = array<i32>} : memref<512xi32, #tpu.memory_space<vmem>>, vector<16xi32>,
    %swap3A_1778 = arith.constant 3 : i32
    %swap3A_1779 = arith.constant 0 : i32
    %swap3A_1780 = arith.index_cast %swap3A_1778 : i32 to index
    %swap3A_1781 = arith.index_cast %swap3A_1779 : i32 to index
    %swap3A_1782 = arith.constant 96 : index
    %swap3A_1783 = tpu.vector_load %arg6[%swap3A_1780, %swap3A_1781, %swap3A_1782] {strides = array<i32>} : memref<4x6x128xi32, #tpu.memory_space<vmem>>, vector<16xi32>,
    tpu.vector_store %arg6[%swap3A_1780, %swap3A_1781, %swap3A_1782], %get3A_1777 {strides = array<i32>} : memref<4x6x128xi32, #tpu.memory_space<vmem>>, vector<16xi32>,
    %get3A_1784 = arith.constant 496 : index
    %get3A_1785 = tpu.vector_load %arg5[%get3A_1784] {strides = array<i32>} : memref<512xi32, #tpu.memory_space<vmem>>, vector<16xi32>,
    %swap3A_1786 = arith.constant 3 : i32
    %swap3A_1787 = arith.constant 0 : i32
    %swap3A_1788 = arith.index_cast %swap3A_1786 : i32 to index
    %swap3A_1789 = arith.index_cast %swap3A_1787 : i32 to index
    %swap3A_1790 = arith.constant 112 : index
    %swap3A_1791 = tpu.vector_load %arg6[%swap3A_1788, %swap3A_1789, %swap3A_1790] {strides = array<i32>} : memref<4x6x128xi32, #tpu.memory_space<vmem>>, vector<16xi32>,
    tpu.vector_store %arg6[%swap3A_1788, %swap3A_1789, %swap3A_1790], %get3A_1785 {strides = array<i32>} : memref<4x6x128xi32, #tpu.memory_space<vmem>>, vector<16xi32>,
    %dma_start3A_1792 = arith.constant 3 : i32
    %dma_start3A_1793 = arith.constant 0 : i32
    %dma_start3A_1794 = arith.constant 3 : i32
    %dma_start3A_1795 = arith.constant 0 : i32
    %dma_start3A_1796 = arith.constant 0 : i32
    %dma_start3A_1797 = tpu.memref_slice %arg7[%dma_start3A_1794, %dma_start3A_1795, %dma_start3A_1796] : memref<4x8x128xf32, #tpu.memory_space<vmem>> -> memref<1x1x128xf32, #tpu.memory_space<vmem>>
    %dma_start3A_1798 = tpu.memref_squeeze %dma_start3A_1797 : memref<1x1x128xf32, #tpu.memory_space<vmem>> -> memref<128xf32, #tpu.memory_space<vmem>>
    %dma_start3A_1799 = arith.constant 0 : i32
    %dma_start3A_1800 = tpu.memref_slice %arg6[%dma_start3A_1792, %dma_start3A_1793, %dma_start3A_1799] : memref<4x6x128xi32, #tpu.memory_space<vmem>> -> memref<1x1x128xi32, #tpu.memory_space<vmem>>
    %dma_start3A_1801 = tpu.memref_squeeze %dma_start3A_1800 : memref<1x1x128xi32, #tpu.memory_space<vmem>> -> memref<128xi32, #tpu.memory_space<vmem>>
    %dma_start3A_1802 = arith.constant 0 : i32
    %dma_start3A_1803 = tpu.memref_slice %arg3[%dma_start3A_1802] : memref<600000xf32, #tpu.memory_space<hbm>> -> memref<600000xf32, #tpu.memory_space<hbm>>
    tpu.enqueue_indirect_dma source(%dma_start3A_1803 : memref<600000xf32, #tpu.memory_space<hbm>>) target(%dma_start3A_1798 : memref<128xf32, #tpu.memory_space<vmem>>) offsets(%dma_start3A_1801 : memref<128xi32, #tpu.memory_space<vmem>>) semaphore(%arg11 : memref<!tpu.dma_semaphore, #tpu.memory_space<semaphore_mem>>)
    %get3A_1804 = arith.constant 384 : index
    %get3A_1805 = tpu.vector_load %arg5[%get3A_1804] {strides = array<i32>} : memref<512xi32, #tpu.memory_space<vmem>>, vector<16xi32>,
    %add3A_1806 = arith.constant 100000 : i32
    %add3A_1807 = vector.broadcast %add3A_1806 : i32 to vector<16xi32>
    %add3A_1808 = arith.addi %get3A_1805, %add3A_1807 : vector<16xi32>
    %swap3A_1809 = arith.constant 3 : i32
    %swap3A_1810 = arith.constant 1 : i32
    %swap3A_1811 = arith.index_cast %swap3A_1809 : i32 to index
    %swap3A_1812 = arith.index_cast %swap3A_1810 : i32 to index
    %swap3A_1813 = arith.constant 0 : index
    %swap3A_1814 = tpu.vector_load %arg6[%swap3A_1811, %swap3A_1812, %swap3A_1813] {strides = array<i32>} : memref<4x6x128xi32, #tpu.memory_space<vmem>>, vector<16xi32>,
    tpu.vector_store %arg6[%swap3A_1811, %swap3A_1812, %swap3A_1813], %add3A_1808 {strides = array<i32>} : memref<4x6x128xi32, #tpu.memory_space<vmem>>, vector<16xi32>,
    %get3A_1815 = arith.constant 400 : index
    %get3A_1816 = tpu.vector_load %arg5[%get3A_1815] {strides = array<i32>} : memref<512xi32, #tpu.memory_space<vmem>>, vector<16xi32>,
    %add3A_1817 = arith.constant 100000 : i32
    %add3A_1818 = vector.broadcast %add3A_1817 : i32 to vector<16xi32>
    %add3A_1819 = arith.addi %get3A_1816, %add3A_1818 : vector<16xi32>
    %swap3A_1820 = arith.constant 3 : i32
    %swap3A_1821 = arith.constant 1 : i32
    %swap3A_1822 = arith.index_cast %swap3A_1820 : i32 to index
    %swap3A_1823 = arith.index_cast %swap3A_1821 : i32 to index
    %swap3A_1824 = arith.constant 16 : index
    %swap3A_1825 = tpu.vector_load %arg6[%swap3A_1822, %swap3A_1823, %swap3A_1824] {strides = array<i32>} : memref<4x6x128xi32, #tpu.memory_space<vmem>>, vector<16xi32>,
    tpu.vector_store %arg6[%swap3A_1822, %swap3A_1823, %swap3A_1824], %add3A_1819 {strides = array<i32>} : memref<4x6x128xi32, #tpu.memory_space<vmem>>, vector<16xi32>,
    %get3A_1826 = arith.constant 416 : index
    %get3A_1827 = tpu.vector_load %arg5[%get3A_1826] {strides = array<i32>} : memref<512xi32, #tpu.memory_space<vmem>>, vector<16xi32>,
    %add3A_1828 = arith.constant 100000 : i32
    %add3A_1829 = vector.broadcast %add3A_1828 : i32 to vector<16xi32>
    %add3A_1830 = arith.addi %get3A_1827, %add3A_1829 : vector<16xi32>
    %swap3A_1831 = arith.constant 3 : i32
    %swap3A_1832 = arith.constant 1 : i32
    %swap3A_1833 = arith.index_cast %swap3A_1831 : i32 to index
    %swap3A_1834 = arith.index_cast %swap3A_1832 : i32 to index
    %swap3A_1835 = arith.constant 32 : index
    %swap3A_1836 = tpu.vector_load %arg6[%swap3A_1833, %swap3A_1834, %swap3A_1835] {strides = array<i32>} : memref<4x6x128xi32, #tpu.memory_space<vmem>>, vector<16xi32>,
    tpu.vector_store %arg6[%swap3A_1833, %swap3A_1834, %swap3A_1835], %add3A_1830 {strides = array<i32>} : memref<4x6x128xi32, #tpu.memory_space<vmem>>, vector<16xi32>,
    %get3A_1837 = arith.constant 432 : index
    %get3A_1838 = tpu.vector_load %arg5[%get3A_1837] {strides = array<i32>} : memref<512xi32, #tpu.memory_space<vmem>>, vector<16xi32>,
    %add3A_1839 = arith.constant 100000 : i32
    %add3A_1840 = vector.broadcast %add3A_1839 : i32 to vector<16xi32>
    %add3A_1841 = arith.addi %get3A_1838, %add3A_1840 : vector<16xi32>
    %swap3A_1842 = arith.constant 3 : i32
    %swap3A_1843 = arith.constant 1 : i32
    %swap3A_1844 = arith.index_cast %swap3A_1842 : i32 to index
    %swap3A_1845 = arith.index_cast %swap3A_1843 : i32 to index
    %swap3A_1846 = arith.constant 48 : index
    %swap3A_1847 = tpu.vector_load %arg6[%swap3A_1844, %swap3A_1845, %swap3A_1846] {strides = array<i32>} : memref<4x6x128xi32, #tpu.memory_space<vmem>>, vector<16xi32>,
    tpu.vector_store %arg6[%swap3A_1844, %swap3A_1845, %swap3A_1846], %add3A_1841 {strides = array<i32>} : memref<4x6x128xi32, #tpu.memory_space<vmem>>, vector<16xi32>,
    %get3A_1848 = arith.constant 448 : index
    %get3A_1849 = tpu.vector_load %arg5[%get3A_1848] {strides = array<i32>} : memref<512xi32, #tpu.memory_space<vmem>>, vector<16xi32>,
    %add3A_1850 = arith.constant 100000 : i32
    %add3A_1851 = vector.broadcast %add3A_1850 : i32 to vector<16xi32>
    %add3A_1852 = arith.addi %get3A_1849, %add3A_1851 : vector<16xi32>
    %swap3A_1853 = arith.constant 3 : i32
    %swap3A_1854 = arith.constant 1 : i32
    %swap3A_1855 = arith.index_cast %swap3A_1853 : i32 to index
    %swap3A_1856 = arith.index_cast %swap3A_1854 : i32 to index
    %swap3A_1857 = arith.constant 64 : index
    %swap3A_1858 = tpu.vector_load %arg6[%swap3A_1855, %swap3A_1856, %swap3A_1857] {strides = array<i32>} : memref<4x6x128xi32, #tpu.memory_space<vmem>>, vector<16xi32>,
    tpu.vector_store %arg6[%swap3A_1855, %swap3A_1856, %swap3A_1857], %add3A_1852 {strides = array<i32>} : memref<4x6x128xi32, #tpu.memory_space<vmem>>, vector<16xi32>,
    %get3A_1859 = arith.constant 464 : index
    %get3A_1860 = tpu.vector_load %arg5[%get3A_1859] {strides = array<i32>} : memref<512xi32, #tpu.memory_space<vmem>>, vector<16xi32>,
    %add3A_1861 = arith.constant 100000 : i32
    %add3A_1862 = vector.broadcast %add3A_1861 : i32 to vector<16xi32>
    %add3A_1863 = arith.addi %get3A_1860, %add3A_1862 : vector<16xi32>
    %swap3A_1864 = arith.constant 3 : i32
    %swap3A_1865 = arith.constant 1 : i32
    %swap3A_1866 = arith.index_cast %swap3A_1864 : i32 to index
    %swap3A_1867 = arith.index_cast %swap3A_1865 : i32 to index
    %swap3A_1868 = arith.constant 80 : index
    %swap3A_1869 = tpu.vector_load %arg6[%swap3A_1866, %swap3A_1867, %swap3A_1868] {strides = array<i32>} : memref<4x6x128xi32, #tpu.memory_space<vmem>>, vector<16xi32>,
    tpu.vector_store %arg6[%swap3A_1866, %swap3A_1867, %swap3A_1868], %add3A_1863 {strides = array<i32>} : memref<4x6x128xi32, #tpu.memory_space<vmem>>, vector<16xi32>,
    %get3A_1870 = arith.constant 480 : index
    %get3A_1871 = tpu.vector_load %arg5[%get3A_1870] {strides = array<i32>} : memref<512xi32, #tpu.memory_space<vmem>>, vector<16xi32>,
    %add3A_1872 = arith.constant 100000 : i32
    %add3A_1873 = vector.broadcast %add3A_1872 : i32 to vector<16xi32>
    %add3A_1874 = arith.addi %get3A_1871, %add3A_1873 : vector<16xi32>
    %swap3A_1875 = arith.constant 3 : i32
    %swap3A_1876 = arith.constant 1 : i32
    %swap3A_1877 = arith.index_cast %swap3A_1875 : i32 to index
    %swap3A_1878 = arith.index_cast %swap3A_1876 : i32 to index
    %swap3A_1879 = arith.constant 96 : index
    %swap3A_1880 = tpu.vector_load %arg6[%swap3A_1877, %swap3A_1878, %swap3A_1879] {strides = array<i32>} : memref<4x6x128xi32, #tpu.memory_space<vmem>>, vector<16xi32>,
    tpu.vector_store %arg6[%swap3A_1877, %swap3A_1878, %swap3A_1879], %add3A_1874 {strides = array<i32>} : memref<4x6x128xi32, #tpu.memory_space<vmem>>, vector<16xi32>,
    %get3A_1881 = arith.constant 496 : index
    %get3A_1882 = tpu.vector_load %arg5[%get3A_1881] {strides = array<i32>} : memref<512xi32, #tpu.memory_space<vmem>>, vector<16xi32>,
    %add3A_1883 = arith.constant 100000 : i32
    %add3A_1884 = vector.broadcast %add3A_1883 : i32 to vector<16xi32>
    %add3A_1885 = arith.addi %get3A_1882, %add3A_1884 : vector<16xi32>
    %swap3A_1886 = arith.constant 3 : i32
    %swap3A_1887 = arith.constant 1 : i32
    %swap3A_1888 = arith.index_cast %swap3A_1886 : i32 to index
    %swap3A_1889 = arith.index_cast %swap3A_1887 : i32 to index
    %swap3A_1890 = arith.constant 112 : index
    %swap3A_1891 = tpu.vector_load %arg6[%swap3A_1888, %swap3A_1889, %swap3A_1890] {strides = array<i32>} : memref<4x6x128xi32, #tpu.memory_space<vmem>>, vector<16xi32>,
    tpu.vector_store %arg6[%swap3A_1888, %swap3A_1889, %swap3A_1890], %add3A_1885 {strides = array<i32>} : memref<4x6x128xi32, #tpu.memory_space<vmem>>, vector<16xi32>,
    %dma_start3A_1892 = arith.constant 3 : i32
    %dma_start3A_1893 = arith.constant 1 : i32
    %dma_start3A_1894 = arith.constant 3 : i32
    %dma_start3A_1895 = arith.constant 1 : i32
    %dma_start3A_1896 = arith.constant 0 : i32
    %dma_start3A_1897 = tpu.memref_slice %arg7[%dma_start3A_1894, %dma_start3A_1895, %dma_start3A_1896] : memref<4x8x128xf32, #tpu.memory_space<vmem>> -> memref<1x1x128xf32, #tpu.memory_space<vmem>>
    %dma_start3A_1898 = tpu.memref_squeeze %dma_start3A_1897 : memref<1x1x128xf32, #tpu.memory_space<vmem>> -> memref<128xf32, #tpu.memory_space<vmem>>
    %dma_start3A_1899 = arith.constant 0 : i32
    %dma_start3A_1900 = tpu.memref_slice %arg6[%dma_start3A_1892, %dma_start3A_1893, %dma_start3A_1899] : memref<4x6x128xi32, #tpu.memory_space<vmem>> -> memref<1x1x128xi32, #tpu.memory_space<vmem>>
    %dma_start3A_1901 = tpu.memref_squeeze %dma_start3A_1900 : memref<1x1x128xi32, #tpu.memory_space<vmem>> -> memref<128xi32, #tpu.memory_space<vmem>>
    %dma_start3A_1902 = arith.constant 0 : i32
    %dma_start3A_1903 = tpu.memref_slice %arg3[%dma_start3A_1902] : memref<600000xf32, #tpu.memory_space<hbm>> -> memref<600000xf32, #tpu.memory_space<hbm>>
    tpu.enqueue_indirect_dma source(%dma_start3A_1903 : memref<600000xf32, #tpu.memory_space<hbm>>) target(%dma_start3A_1898 : memref<128xf32, #tpu.memory_space<vmem>>) offsets(%dma_start3A_1901 : memref<128xi32, #tpu.memory_space<vmem>>) semaphore(%arg11 : memref<!tpu.dma_semaphore, #tpu.memory_space<semaphore_mem>>)
    %get3A_1904 = arith.constant 384 : index
    %get3A_1905 = tpu.vector_load %arg5[%get3A_1904] {strides = array<i32>} : memref<512xi32, #tpu.memory_space<vmem>>, vector<16xi32>,
    %add3A_1906 = arith.constant 200000 : i32
    %add3A_1907 = vector.broadcast %add3A_1906 : i32 to vector<16xi32>
    %add3A_1908 = arith.addi %get3A_1905, %add3A_1907 : vector<16xi32>
    %swap3A_1909 = arith.constant 3 : i32
    %swap3A_1910 = arith.constant 2 : i32
    %swap3A_1911 = arith.index_cast %swap3A_1909 : i32 to index
    %swap3A_1912 = arith.index_cast %swap3A_1910 : i32 to index
    %swap3A_1913 = arith.constant 0 : index
    %swap3A_1914 = tpu.vector_load %arg6[%swap3A_1911, %swap3A_1912, %swap3A_1913] {strides = array<i32>} : memref<4x6x128xi32, #tpu.memory_space<vmem>>, vector<16xi32>,
    tpu.vector_store %arg6[%swap3A_1911, %swap3A_1912, %swap3A_1913], %add3A_1908 {strides = array<i32>} : memref<4x6x128xi32, #tpu.memory_space<vmem>>, vector<16xi32>,
    %get3A_1915 = arith.constant 400 : index
    %get3A_1916 = tpu.vector_load %arg5[%get3A_1915] {strides = array<i32>} : memref<512xi32, #tpu.memory_space<vmem>>, vector<16xi32>,
    %add3A_1917 = arith.constant 200000 : i32
    %add3A_1918 = vector.broadcast %add3A_1917 : i32 to vector<16xi32>
    %add3A_1919 = arith.addi %get3A_1916, %add3A_1918 : vector<16xi32>
    %swap3A_1920 = arith.constant 3 : i32
    %swap3A_1921 = arith.constant 2 : i32
    %swap3A_1922 = arith.index_cast %swap3A_1920 : i32 to index
    %swap3A_1923 = arith.index_cast %swap3A_1921 : i32 to index
    %swap3A_1924 = arith.constant 16 : index
    %swap3A_1925 = tpu.vector_load %arg6[%swap3A_1922, %swap3A_1923, %swap3A_1924] {strides = array<i32>} : memref<4x6x128xi32, #tpu.memory_space<vmem>>, vector<16xi32>,
    tpu.vector_store %arg6[%swap3A_1922, %swap3A_1923, %swap3A_1924], %add3A_1919 {strides = array<i32>} : memref<4x6x128xi32, #tpu.memory_space<vmem>>, vector<16xi32>,
    %get3A_1926 = arith.constant 416 : index
    %get3A_1927 = tpu.vector_load %arg5[%get3A_1926] {strides = array<i32>} : memref<512xi32, #tpu.memory_space<vmem>>, vector<16xi32>,
    %add3A_1928 = arith.constant 200000 : i32
    %add3A_1929 = vector.broadcast %add3A_1928 : i32 to vector<16xi32>
    %add3A_1930 = arith.addi %get3A_1927, %add3A_1929 : vector<16xi32>
    %swap3A_1931 = arith.constant 3 : i32
    %swap3A_1932 = arith.constant 2 : i32
    %swap3A_1933 = arith.index_cast %swap3A_1931 : i32 to index
    %swap3A_1934 = arith.index_cast %swap3A_1932 : i32 to index
    %swap3A_1935 = arith.constant 32 : index
    %swap3A_1936 = tpu.vector_load %arg6[%swap3A_1933, %swap3A_1934, %swap3A_1935] {strides = array<i32>} : memref<4x6x128xi32, #tpu.memory_space<vmem>>, vector<16xi32>,
    tpu.vector_store %arg6[%swap3A_1933, %swap3A_1934, %swap3A_1935], %add3A_1930 {strides = array<i32>} : memref<4x6x128xi32, #tpu.memory_space<vmem>>, vector<16xi32>,
    %get3A_1937 = arith.constant 432 : index
    %get3A_1938 = tpu.vector_load %arg5[%get3A_1937] {strides = array<i32>} : memref<512xi32, #tpu.memory_space<vmem>>, vector<16xi32>,
    %add3A_1939 = arith.constant 200000 : i32
    %add3A_1940 = vector.broadcast %add3A_1939 : i32 to vector<16xi32>
    %add3A_1941 = arith.addi %get3A_1938, %add3A_1940 : vector<16xi32>
    %swap3A_1942 = arith.constant 3 : i32
    %swap3A_1943 = arith.constant 2 : i32
    %swap3A_1944 = arith.index_cast %swap3A_1942 : i32 to index
    %swap3A_1945 = arith.index_cast %swap3A_1943 : i32 to index
    %swap3A_1946 = arith.constant 48 : index
    %swap3A_1947 = tpu.vector_load %arg6[%swap3A_1944, %swap3A_1945, %swap3A_1946] {strides = array<i32>} : memref<4x6x128xi32, #tpu.memory_space<vmem>>, vector<16xi32>,
    tpu.vector_store %arg6[%swap3A_1944, %swap3A_1945, %swap3A_1946], %add3A_1941 {strides = array<i32>} : memref<4x6x128xi32, #tpu.memory_space<vmem>>, vector<16xi32>,
    %get3A_1948 = arith.constant 448 : index
    %get3A_1949 = tpu.vector_load %arg5[%get3A_1948] {strides = array<i32>} : memref<512xi32, #tpu.memory_space<vmem>>, vector<16xi32>,
    %add3A_1950 = arith.constant 200000 : i32
    %add3A_1951 = vector.broadcast %add3A_1950 : i32 to vector<16xi32>
    %add3A_1952 = arith.addi %get3A_1949, %add3A_1951 : vector<16xi32>
    %swap3A_1953 = arith.constant 3 : i32
    %swap3A_1954 = arith.constant 2 : i32
    %swap3A_1955 = arith.index_cast %swap3A_1953 : i32 to index
    %swap3A_1956 = arith.index_cast %swap3A_1954 : i32 to index
    %swap3A_1957 = arith.constant 64 : index
    %swap3A_1958 = tpu.vector_load %arg6[%swap3A_1955, %swap3A_1956, %swap3A_1957] {strides = array<i32>} : memref<4x6x128xi32, #tpu.memory_space<vmem>>, vector<16xi32>,
    tpu.vector_store %arg6[%swap3A_1955, %swap3A_1956, %swap3A_1957], %add3A_1952 {strides = array<i32>} : memref<4x6x128xi32, #tpu.memory_space<vmem>>, vector<16xi32>,
    %get3A_1959 = arith.constant 464 : index
    %get3A_1960 = tpu.vector_load %arg5[%get3A_1959] {strides = array<i32>} : memref<512xi32, #tpu.memory_space<vmem>>, vector<16xi32>,
    %add3A_1961 = arith.constant 200000 : i32
    %add3A_1962 = vector.broadcast %add3A_1961 : i32 to vector<16xi32>
    %add3A_1963 = arith.addi %get3A_1960, %add3A_1962 : vector<16xi32>
    %swap3A_1964 = arith.constant 3 : i32
    %swap3A_1965 = arith.constant 2 : i32
    %swap3A_1966 = arith.index_cast %swap3A_1964 : i32 to index
    %swap3A_1967 = arith.index_cast %swap3A_1965 : i32 to index
    %swap3A_1968 = arith.constant 80 : index
    %swap3A_1969 = tpu.vector_load %arg6[%swap3A_1966, %swap3A_1967, %swap3A_1968] {strides = array<i32>} : memref<4x6x128xi32, #tpu.memory_space<vmem>>, vector<16xi32>,
    tpu.vector_store %arg6[%swap3A_1966, %swap3A_1967, %swap3A_1968], %add3A_1963 {strides = array<i32>} : memref<4x6x128xi32, #tpu.memory_space<vmem>>, vector<16xi32>,
    %get3A_1970 = arith.constant 480 : index
    %get3A_1971 = tpu.vector_load %arg5[%get3A_1970] {strides = array<i32>} : memref<512xi32, #tpu.memory_space<vmem>>, vector<16xi32>,
    %add3A_1972 = arith.constant 200000 : i32
    %add3A_1973 = vector.broadcast %add3A_1972 : i32 to vector<16xi32>
    %add3A_1974 = arith.addi %get3A_1971, %add3A_1973 : vector<16xi32>
    %swap3A_1975 = arith.constant 3 : i32
    %swap3A_1976 = arith.constant 2 : i32
    %swap3A_1977 = arith.index_cast %swap3A_1975 : i32 to index
    %swap3A_1978 = arith.index_cast %swap3A_1976 : i32 to index
    %swap3A_1979 = arith.constant 96 : index
    %swap3A_1980 = tpu.vector_load %arg6[%swap3A_1977, %swap3A_1978, %swap3A_1979] {strides = array<i32>} : memref<4x6x128xi32, #tpu.memory_space<vmem>>, vector<16xi32>,
    tpu.vector_store %arg6[%swap3A_1977, %swap3A_1978, %swap3A_1979], %add3A_1974 {strides = array<i32>} : memref<4x6x128xi32, #tpu.memory_space<vmem>>, vector<16xi32>,
    %get3A_1981 = arith.constant 496 : index
    %get3A_1982 = tpu.vector_load %arg5[%get3A_1981] {strides = array<i32>} : memref<512xi32, #tpu.memory_space<vmem>>, vector<16xi32>,
    %add3A_1983 = arith.constant 200000 : i32
    %add3A_1984 = vector.broadcast %add3A_1983 : i32 to vector<16xi32>
    %add3A_1985 = arith.addi %get3A_1982, %add3A_1984 : vector<16xi32>
    %swap3A_1986 = arith.constant 3 : i32
    %swap3A_1987 = arith.constant 2 : i32
    %swap3A_1988 = arith.index_cast %swap3A_1986 : i32 to index
    %swap3A_1989 = arith.index_cast %swap3A_1987 : i32 to index
    %swap3A_1990 = arith.constant 112 : index
    %swap3A_1991 = tpu.vector_load %arg6[%swap3A_1988, %swap3A_1989, %swap3A_1990] {strides = array<i32>} : memref<4x6x128xi32, #tpu.memory_space<vmem>>, vector<16xi32>,
    tpu.vector_store %arg6[%swap3A_1988, %swap3A_1989, %swap3A_1990], %add3A_1985 {strides = array<i32>} : memref<4x6x128xi32, #tpu.memory_space<vmem>>, vector<16xi32>,
    %dma_start3A_1992 = arith.constant 3 : i32
    %dma_start3A_1993 = arith.constant 2 : i32
    %dma_start3A_1994 = arith.constant 3 : i32
    %dma_start3A_1995 = arith.constant 2 : i32
    %dma_start3A_1996 = arith.constant 0 : i32
    %dma_start3A_1997 = tpu.memref_slice %arg7[%dma_start3A_1994, %dma_start3A_1995, %dma_start3A_1996] : memref<4x8x128xf32, #tpu.memory_space<vmem>> -> memref<1x1x128xf32, #tpu.memory_space<vmem>>
    %dma_start3A_1998 = tpu.memref_squeeze %dma_start3A_1997 : memref<1x1x128xf32, #tpu.memory_space<vmem>> -> memref<128xf32, #tpu.memory_space<vmem>>
    %dma_start3A_1999 = arith.constant 0 : i32
    %dma_start3A_2000 = tpu.memref_slice %arg6[%dma_start3A_1992, %dma_start3A_1993, %dma_start3A_1999] : memref<4x6x128xi32, #tpu.memory_space<vmem>> -> memref<1x1x128xi32, #tpu.memory_space<vmem>>
    %dma_start3A_2001 = tpu.memref_squeeze %dma_start3A_2000 : memref<1x1x128xi32, #tpu.memory_space<vmem>> -> memref<128xi32, #tpu.memory_space<vmem>>
    %dma_start3A_2002 = arith.constant 0 : i32
    %dma_start3A_2003 = tpu.memref_slice %arg3[%dma_start3A_2002] : memref<600000xf32, #tpu.memory_space<hbm>> -> memref<600000xf32, #tpu.memory_space<hbm>>
    tpu.enqueue_indirect_dma source(%dma_start3A_2003 : memref<600000xf32, #tpu.memory_space<hbm>>) target(%dma_start3A_1998 : memref<128xf32, #tpu.memory_space<vmem>>) offsets(%dma_start3A_2001 : memref<128xi32, #tpu.memory_space<vmem>>) semaphore(%arg11 : memref<!tpu.dma_semaphore, #tpu.memory_space<semaphore_mem>>)
    %get3A_2004 = arith.constant 384 : index
    %get3A_2005 = tpu.vector_load %arg5[%get3A_2004] {strides = array<i32>} : memref<512xi32, #tpu.memory_space<vmem>>, vector<16xi32>,
    %add3A_2006 = arith.constant 300000 : i32
    %add3A_2007 = vector.broadcast %add3A_2006 : i32 to vector<16xi32>
    %add3A_2008 = arith.addi %get3A_2005, %add3A_2007 : vector<16xi32>
    %swap3A_2009 = arith.constant 3 : i32
    %swap3A_2010 = arith.constant 3 : i32
    %swap3A_2011 = arith.index_cast %swap3A_2009 : i32 to index
    %swap3A_2012 = arith.index_cast %swap3A_2010 : i32 to index
    %swap3A_2013 = arith.constant 0 : index
    %swap3A_2014 = tpu.vector_load %arg6[%swap3A_2011, %swap3A_2012, %swap3A_2013] {strides = array<i32>} : memref<4x6x128xi32, #tpu.memory_space<vmem>>, vector<16xi32>,
    tpu.vector_store %arg6[%swap3A_2011, %swap3A_2012, %swap3A_2013], %add3A_2008 {strides = array<i32>} : memref<4x6x128xi32, #tpu.memory_space<vmem>>, vector<16xi32>,
    %get3A_2015 = arith.constant 400 : index
    %get3A_2016 = tpu.vector_load %arg5[%get3A_2015] {strides = array<i32>} : memref<512xi32, #tpu.memory_space<vmem>>, vector<16xi32>,
    %add3A_2017 = arith.constant 300000 : i32
    %add3A_2018 = vector.broadcast %add3A_2017 : i32 to vector<16xi32>
    %add3A_2019 = arith.addi %get3A_2016, %add3A_2018 : vector<16xi32>
    %swap3A_2020 = arith.constant 3 : i32
    %swap3A_2021 = arith.constant 3 : i32
    %swap3A_2022 = arith.index_cast %swap3A_2020 : i32 to index
    %swap3A_2023 = arith.index_cast %swap3A_2021 : i32 to index
    %swap3A_2024 = arith.constant 16 : index
    %swap3A_2025 = tpu.vector_load %arg6[%swap3A_2022, %swap3A_2023, %swap3A_2024] {strides = array<i32>} : memref<4x6x128xi32, #tpu.memory_space<vmem>>, vector<16xi32>,
    tpu.vector_store %arg6[%swap3A_2022, %swap3A_2023, %swap3A_2024], %add3A_2019 {strides = array<i32>} : memref<4x6x128xi32, #tpu.memory_space<vmem>>, vector<16xi32>,
    %get3A_2026 = arith.constant 416 : index
    %get3A_2027 = tpu.vector_load %arg5[%get3A_2026] {strides = array<i32>} : memref<512xi32, #tpu.memory_space<vmem>>, vector<16xi32>,
    %add3A_2028 = arith.constant 300000 : i32
    %add3A_2029 = vector.broadcast %add3A_2028 : i32 to vector<16xi32>
    %add3A_2030 = arith.addi %get3A_2027, %add3A_2029 : vector<16xi32>
    %swap3A_2031 = arith.constant 3 : i32
    %swap3A_2032 = arith.constant 3 : i32
    %swap3A_2033 = arith.index_cast %swap3A_2031 : i32 to index
    %swap3A_2034 = arith.index_cast %swap3A_2032 : i32 to index
    %swap3A_2035 = arith.constant 32 : index
    %swap3A_2036 = tpu.vector_load %arg6[%swap3A_2033, %swap3A_2034, %swap3A_2035] {strides = array<i32>} : memref<4x6x128xi32, #tpu.memory_space<vmem>>, vector<16xi32>,
    tpu.vector_store %arg6[%swap3A_2033, %swap3A_2034, %swap3A_2035], %add3A_2030 {strides = array<i32>} : memref<4x6x128xi32, #tpu.memory_space<vmem>>, vector<16xi32>,
    %get3A_2037 = arith.constant 432 : index
    %get3A_2038 = tpu.vector_load %arg5[%get3A_2037] {strides = array<i32>} : memref<512xi32, #tpu.memory_space<vmem>>, vector<16xi32>,
    %add3A_2039 = arith.constant 300000 : i32
    %add3A_2040 = vector.broadcast %add3A_2039 : i32 to vector<16xi32>
    %add3A_2041 = arith.addi %get3A_2038, %add3A_2040 : vector<16xi32>
    %swap3A_2042 = arith.constant 3 : i32
    %swap3A_2043 = arith.constant 3 : i32
    %swap3A_2044 = arith.index_cast %swap3A_2042 : i32 to index
    %swap3A_2045 = arith.index_cast %swap3A_2043 : i32 to index
    %swap3A_2046 = arith.constant 48 : index
    %swap3A_2047 = tpu.vector_load %arg6[%swap3A_2044, %swap3A_2045, %swap3A_2046] {strides = array<i32>} : memref<4x6x128xi32, #tpu.memory_space<vmem>>, vector<16xi32>,
    tpu.vector_store %arg6[%swap3A_2044, %swap3A_2045, %swap3A_2046], %add3A_2041 {strides = array<i32>} : memref<4x6x128xi32, #tpu.memory_space<vmem>>, vector<16xi32>,
    %get3A_2048 = arith.constant 448 : index
    %get3A_2049 = tpu.vector_load %arg5[%get3A_2048] {strides = array<i32>} : memref<512xi32, #tpu.memory_space<vmem>>, vector<16xi32>,
    %add3A_2050 = arith.constant 300000 : i32
    %add3A_2051 = vector.broadcast %add3A_2050 : i32 to vector<16xi32>
    %add3A_2052 = arith.addi %get3A_2049, %add3A_2051 : vector<16xi32>
    %swap3A_2053 = arith.constant 3 : i32
    %swap3A_2054 = arith.constant 3 : i32
    %swap3A_2055 = arith.index_cast %swap3A_2053 : i32 to index
    %swap3A_2056 = arith.index_cast %swap3A_2054 : i32 to index
    %swap3A_2057 = arith.constant 64 : index
    %swap3A_2058 = tpu.vector_load %arg6[%swap3A_2055, %swap3A_2056, %swap3A_2057] {strides = array<i32>} : memref<4x6x128xi32, #tpu.memory_space<vmem>>, vector<16xi32>,
    tpu.vector_store %arg6[%swap3A_2055, %swap3A_2056, %swap3A_2057], %add3A_2052 {strides = array<i32>} : memref<4x6x128xi32, #tpu.memory_space<vmem>>, vector<16xi32>,
    %get3A_2059 = arith.constant 464 : index
    %get3A_2060 = tpu.vector_load %arg5[%get3A_2059] {strides = array<i32>} : memref<512xi32, #tpu.memory_space<vmem>>, vector<16xi32>,
    %add3A_2061 = arith.constant 300000 : i32
    %add3A_2062 = vector.broadcast %add3A_2061 : i32 to vector<16xi32>
    %add3A_2063 = arith.addi %get3A_2060, %add3A_2062 : vector<16xi32>
    %swap3A_2064 = arith.constant 3 : i32
    %swap3A_2065 = arith.constant 3 : i32
    %swap3A_2066 = arith.index_cast %swap3A_2064 : i32 to index
    %swap3A_2067 = arith.index_cast %swap3A_2065 : i32 to index
    %swap3A_2068 = arith.constant 80 : index
    %swap3A_2069 = tpu.vector_load %arg6[%swap3A_2066, %swap3A_2067, %swap3A_2068] {strides = array<i32>} : memref<4x6x128xi32, #tpu.memory_space<vmem>>, vector<16xi32>,
    tpu.vector_store %arg6[%swap3A_2066, %swap3A_2067, %swap3A_2068], %add3A_2063 {strides = array<i32>} : memref<4x6x128xi32, #tpu.memory_space<vmem>>, vector<16xi32>,
    %get3A_2070 = arith.constant 480 : index
    %get3A_2071 = tpu.vector_load %arg5[%get3A_2070] {strides = array<i32>} : memref<512xi32, #tpu.memory_space<vmem>>, vector<16xi32>,
    %add3A_2072 = arith.constant 300000 : i32
    %add3A_2073 = vector.broadcast %add3A_2072 : i32 to vector<16xi32>
    %add3A_2074 = arith.addi %get3A_2071, %add3A_2073 : vector<16xi32>
    %swap3A_2075 = arith.constant 3 : i32
    %swap3A_2076 = arith.constant 3 : i32
    %swap3A_2077 = arith.index_cast %swap3A_2075 : i32 to index
    %swap3A_2078 = arith.index_cast %swap3A_2076 : i32 to index
    %swap3A_2079 = arith.constant 96 : index
    %swap3A_2080 = tpu.vector_load %arg6[%swap3A_2077, %swap3A_2078, %swap3A_2079] {strides = array<i32>} : memref<4x6x128xi32, #tpu.memory_space<vmem>>, vector<16xi32>,
    tpu.vector_store %arg6[%swap3A_2077, %swap3A_2078, %swap3A_2079], %add3A_2074 {strides = array<i32>} : memref<4x6x128xi32, #tpu.memory_space<vmem>>, vector<16xi32>,
    %get3A_2081 = arith.constant 496 : index
    %get3A_2082 = tpu.vector_load %arg5[%get3A_2081] {strides = array<i32>} : memref<512xi32, #tpu.memory_space<vmem>>, vector<16xi32>,
    %add3A_2083 = arith.constant 300000 : i32
    %add3A_2084 = vector.broadcast %add3A_2083 : i32 to vector<16xi32>
    %add3A_2085 = arith.addi %get3A_2082, %add3A_2084 : vector<16xi32>
    %swap3A_2086 = arith.constant 3 : i32
    %swap3A_2087 = arith.constant 3 : i32
    %swap3A_2088 = arith.index_cast %swap3A_2086 : i32 to index
    %swap3A_2089 = arith.index_cast %swap3A_2087 : i32 to index
    %swap3A_2090 = arith.constant 112 : index
    %swap3A_2091 = tpu.vector_load %arg6[%swap3A_2088, %swap3A_2089, %swap3A_2090] {strides = array<i32>} : memref<4x6x128xi32, #tpu.memory_space<vmem>>, vector<16xi32>,
    tpu.vector_store %arg6[%swap3A_2088, %swap3A_2089, %swap3A_2090], %add3A_2085 {strides = array<i32>} : memref<4x6x128xi32, #tpu.memory_space<vmem>>, vector<16xi32>,
    %dma_start3A_2092 = arith.constant 3 : i32
    %dma_start3A_2093 = arith.constant 3 : i32
    %dma_start3A_2094 = arith.constant 3 : i32
    %dma_start3A_2095 = arith.constant 3 : i32
    %dma_start3A_2096 = arith.constant 0 : i32
    %dma_start3A_2097 = tpu.memref_slice %arg7[%dma_start3A_2094, %dma_start3A_2095, %dma_start3A_2096] : memref<4x8x128xf32, #tpu.memory_space<vmem>> -> memref<1x1x128xf32, #tpu.memory_space<vmem>>
    %dma_start3A_2098 = tpu.memref_squeeze %dma_start3A_2097 : memref<1x1x128xf32, #tpu.memory_space<vmem>> -> memref<128xf32, #tpu.memory_space<vmem>>
    %dma_start3A_2099 = arith.constant 0 : i32
    %dma_start3A_2100 = tpu.memref_slice %arg6[%dma_start3A_2092, %dma_start3A_2093, %dma_start3A_2099] : memref<4x6x128xi32, #tpu.memory_space<vmem>> -> memref<1x1x128xi32, #tpu.memory_space<vmem>>
    %dma_start3A_2101 = tpu.memref_squeeze %dma_start3A_2100 : memref<1x1x128xi32, #tpu.memory_space<vmem>> -> memref<128xi32, #tpu.memory_space<vmem>>
    %dma_start3A_2102 = arith.constant 0 : i32
    %dma_start3A_2103 = tpu.memref_slice %arg3[%dma_start3A_2102] : memref<600000xf32, #tpu.memory_space<hbm>> -> memref<600000xf32, #tpu.memory_space<hbm>>
    tpu.enqueue_indirect_dma source(%dma_start3A_2103 : memref<600000xf32, #tpu.memory_space<hbm>>) target(%dma_start3A_2098 : memref<128xf32, #tpu.memory_space<vmem>>) offsets(%dma_start3A_2101 : memref<128xi32, #tpu.memory_space<vmem>>) semaphore(%arg11 : memref<!tpu.dma_semaphore, #tpu.memory_space<semaphore_mem>>)
    %get3A_2104 = arith.constant 384 : index
    %get3A_2105 = tpu.vector_load %arg5[%get3A_2104] {strides = array<i32>} : memref<512xi32, #tpu.memory_space<vmem>>, vector<16xi32>,
    %add3A_2106 = arith.constant 400000 : i32
    %add3A_2107 = vector.broadcast %add3A_2106 : i32 to vector<16xi32>
    %add3A_2108 = arith.addi %get3A_2105, %add3A_2107 : vector<16xi32>
    %swap3A_2109 = arith.constant 3 : i32
    %swap3A_2110 = arith.constant 4 : i32
    %swap3A_2111 = arith.index_cast %swap3A_2109 : i32 to index
    %swap3A_2112 = arith.index_cast %swap3A_2110 : i32 to index
    %swap3A_2113 = arith.constant 0 : index
    %swap3A_2114 = tpu.vector_load %arg6[%swap3A_2111, %swap3A_2112, %swap3A_2113] {strides = array<i32>} : memref<4x6x128xi32, #tpu.memory_space<vmem>>, vector<16xi32>,
    tpu.vector_store %arg6[%swap3A_2111, %swap3A_2112, %swap3A_2113], %add3A_2108 {strides = array<i32>} : memref<4x6x128xi32, #tpu.memory_space<vmem>>, vector<16xi32>,
    %get3A_2115 = arith.constant 400 : index
    %get3A_2116 = tpu.vector_load %arg5[%get3A_2115] {strides = array<i32>} : memref<512xi32, #tpu.memory_space<vmem>>, vector<16xi32>,
    %add3A_2117 = arith.constant 400000 : i32
    %add3A_2118 = vector.broadcast %add3A_2117 : i32 to vector<16xi32>
    %add3A_2119 = arith.addi %get3A_2116, %add3A_2118 : vector<16xi32>
    %swap3A_2120 = arith.constant 3 : i32
    %swap3A_2121 = arith.constant 4 : i32
    %swap3A_2122 = arith.index_cast %swap3A_2120 : i32 to index
    %swap3A_2123 = arith.index_cast %swap3A_2121 : i32 to index
    %swap3A_2124 = arith.constant 16 : index
    %swap3A_2125 = tpu.vector_load %arg6[%swap3A_2122, %swap3A_2123, %swap3A_2124] {strides = array<i32>} : memref<4x6x128xi32, #tpu.memory_space<vmem>>, vector<16xi32>,
    tpu.vector_store %arg6[%swap3A_2122, %swap3A_2123, %swap3A_2124], %add3A_2119 {strides = array<i32>} : memref<4x6x128xi32, #tpu.memory_space<vmem>>, vector<16xi32>,
    %get3A_2126 = arith.constant 416 : index
    %get3A_2127 = tpu.vector_load %arg5[%get3A_2126] {strides = array<i32>} : memref<512xi32, #tpu.memory_space<vmem>>, vector<16xi32>,
    %add3A_2128 = arith.constant 400000 : i32
    %add3A_2129 = vector.broadcast %add3A_2128 : i32 to vector<16xi32>
    %add3A_2130 = arith.addi %get3A_2127, %add3A_2129 : vector<16xi32>
    %swap3A_2131 = arith.constant 3 : i32
    %swap3A_2132 = arith.constant 4 : i32
    %swap3A_2133 = arith.index_cast %swap3A_2131 : i32 to index
    %swap3A_2134 = arith.index_cast %swap3A_2132 : i32 to index
    %swap3A_2135 = arith.constant 32 : index
    %swap3A_2136 = tpu.vector_load %arg6[%swap3A_2133, %swap3A_2134, %swap3A_2135] {strides = array<i32>} : memref<4x6x128xi32, #tpu.memory_space<vmem>>, vector<16xi32>,
    tpu.vector_store %arg6[%swap3A_2133, %swap3A_2134, %swap3A_2135], %add3A_2130 {strides = array<i32>} : memref<4x6x128xi32, #tpu.memory_space<vmem>>, vector<16xi32>,
    %get3A_2137 = arith.constant 432 : index
    %get3A_2138 = tpu.vector_load %arg5[%get3A_2137] {strides = array<i32>} : memref<512xi32, #tpu.memory_space<vmem>>, vector<16xi32>,
    %add3A_2139 = arith.constant 400000 : i32
    %add3A_2140 = vector.broadcast %add3A_2139 : i32 to vector<16xi32>
    %add3A_2141 = arith.addi %get3A_2138, %add3A_2140 : vector<16xi32>
    %swap3A_2142 = arith.constant 3 : i32
    %swap3A_2143 = arith.constant 4 : i32
    %swap3A_2144 = arith.index_cast %swap3A_2142 : i32 to index
    %swap3A_2145 = arith.index_cast %swap3A_2143 : i32 to index
    %swap3A_2146 = arith.constant 48 : index
    %swap3A_2147 = tpu.vector_load %arg6[%swap3A_2144, %swap3A_2145, %swap3A_2146] {strides = array<i32>} : memref<4x6x128xi32, #tpu.memory_space<vmem>>, vector<16xi32>,
    tpu.vector_store %arg6[%swap3A_2144, %swap3A_2145, %swap3A_2146], %add3A_2141 {strides = array<i32>} : memref<4x6x128xi32, #tpu.memory_space<vmem>>, vector<16xi32>,
    %get3A_2148 = arith.constant 448 : index
    %get3A_2149 = tpu.vector_load %arg5[%get3A_2148] {strides = array<i32>} : memref<512xi32, #tpu.memory_space<vmem>>, vector<16xi32>,
    %add3A_2150 = arith.constant 400000 : i32
    %add3A_2151 = vector.broadcast %add3A_2150 : i32 to vector<16xi32>
    %add3A_2152 = arith.addi %get3A_2149, %add3A_2151 : vector<16xi32>
    %swap3A_2153 = arith.constant 3 : i32
    %swap3A_2154 = arith.constant 4 : i32
    %swap3A_2155 = arith.index_cast %swap3A_2153 : i32 to index
    %swap3A_2156 = arith.index_cast %swap3A_2154 : i32 to index
    %swap3A_2157 = arith.constant 64 : index
    %swap3A_2158 = tpu.vector_load %arg6[%swap3A_2155, %swap3A_2156, %swap3A_2157] {strides = array<i32>} : memref<4x6x128xi32, #tpu.memory_space<vmem>>, vector<16xi32>,
    tpu.vector_store %arg6[%swap3A_2155, %swap3A_2156, %swap3A_2157], %add3A_2152 {strides = array<i32>} : memref<4x6x128xi32, #tpu.memory_space<vmem>>, vector<16xi32>,
    %get3A_2159 = arith.constant 464 : index
    %get3A_2160 = tpu.vector_load %arg5[%get3A_2159] {strides = array<i32>} : memref<512xi32, #tpu.memory_space<vmem>>, vector<16xi32>,
    %add3A_2161 = arith.constant 400000 : i32
    %add3A_2162 = vector.broadcast %add3A_2161 : i32 to vector<16xi32>
    %add3A_2163 = arith.addi %get3A_2160, %add3A_2162 : vector<16xi32>
    %swap3A_2164 = arith.constant 3 : i32
    %swap3A_2165 = arith.constant 4 : i32
    %swap3A_2166 = arith.index_cast %swap3A_2164 : i32 to index
    %swap3A_2167 = arith.index_cast %swap3A_2165 : i32 to index
    %swap3A_2168 = arith.constant 80 : index
    %swap3A_2169 = tpu.vector_load %arg6[%swap3A_2166, %swap3A_2167, %swap3A_2168] {strides = array<i32>} : memref<4x6x128xi32, #tpu.memory_space<vmem>>, vector<16xi32>,
    tpu.vector_store %arg6[%swap3A_2166, %swap3A_2167, %swap3A_2168], %add3A_2163 {strides = array<i32>} : memref<4x6x128xi32, #tpu.memory_space<vmem>>, vector<16xi32>,
    %get3A_2170 = arith.constant 480 : index
    %get3A_2171 = tpu.vector_load %arg5[%get3A_2170] {strides = array<i32>} : memref<512xi32, #tpu.memory_space<vmem>>, vector<16xi32>,
    %add3A_2172 = arith.constant 400000 : i32
    %add3A_2173 = vector.broadcast %add3A_2172 : i32 to vector<16xi32>
    %add3A_2174 = arith.addi %get3A_2171, %add3A_2173 : vector<16xi32>
    %swap3A_2175 = arith.constant 3 : i32
    %swap3A_2176 = arith.constant 4 : i32
    %swap3A_2177 = arith.index_cast %swap3A_2175 : i32 to index
    %swap3A_2178 = arith.index_cast %swap3A_2176 : i32 to index
    %swap3A_2179 = arith.constant 96 : index
    %swap3A_2180 = tpu.vector_load %arg6[%swap3A_2177, %swap3A_2178, %swap3A_2179] {strides = array<i32>} : memref<4x6x128xi32, #tpu.memory_space<vmem>>, vector<16xi32>,
    tpu.vector_store %arg6[%swap3A_2177, %swap3A_2178, %swap3A_2179], %add3A_2174 {strides = array<i32>} : memref<4x6x128xi32, #tpu.memory_space<vmem>>, vector<16xi32>,
    %get3A_2181 = arith.constant 496 : index
    %get3A_2182 = tpu.vector_load %arg5[%get3A_2181] {strides = array<i32>} : memref<512xi32, #tpu.memory_space<vmem>>, vector<16xi32>,
    %add3A_2183 = arith.constant 400000 : i32
    %add3A_2184 = vector.broadcast %add3A_2183 : i32 to vector<16xi32>
    %add3A_2185 = arith.addi %get3A_2182, %add3A_2184 : vector<16xi32>
    %swap3A_2186 = arith.constant 3 : i32
    %swap3A_2187 = arith.constant 4 : i32
    %swap3A_2188 = arith.index_cast %swap3A_2186 : i32 to index
    %swap3A_2189 = arith.index_cast %swap3A_2187 : i32 to index
    %swap3A_2190 = arith.constant 112 : index
    %swap3A_2191 = tpu.vector_load %arg6[%swap3A_2188, %swap3A_2189, %swap3A_2190] {strides = array<i32>} : memref<4x6x128xi32, #tpu.memory_space<vmem>>, vector<16xi32>,
    tpu.vector_store %arg6[%swap3A_2188, %swap3A_2189, %swap3A_2190], %add3A_2185 {strides = array<i32>} : memref<4x6x128xi32, #tpu.memory_space<vmem>>, vector<16xi32>,
    %dma_start3A_2192 = arith.constant 3 : i32
    %dma_start3A_2193 = arith.constant 4 : i32
    %dma_start3A_2194 = arith.constant 3 : i32
    %dma_start3A_2195 = arith.constant 4 : i32
    %dma_start3A_2196 = arith.constant 0 : i32
    %dma_start3A_2197 = tpu.memref_slice %arg7[%dma_start3A_2194, %dma_start3A_2195, %dma_start3A_2196] : memref<4x8x128xf32, #tpu.memory_space<vmem>> -> memref<1x1x128xf32, #tpu.memory_space<vmem>>
    %dma_start3A_2198 = tpu.memref_squeeze %dma_start3A_2197 : memref<1x1x128xf32, #tpu.memory_space<vmem>> -> memref<128xf32, #tpu.memory_space<vmem>>
    %dma_start3A_2199 = arith.constant 0 : i32
    %dma_start3A_2200 = tpu.memref_slice %arg6[%dma_start3A_2192, %dma_start3A_2193, %dma_start3A_2199] : memref<4x6x128xi32, #tpu.memory_space<vmem>> -> memref<1x1x128xi32, #tpu.memory_space<vmem>>
    %dma_start3A_2201 = tpu.memref_squeeze %dma_start3A_2200 : memref<1x1x128xi32, #tpu.memory_space<vmem>> -> memref<128xi32, #tpu.memory_space<vmem>>
    %dma_start3A_2202 = arith.constant 0 : i32
    %dma_start3A_2203 = tpu.memref_slice %arg3[%dma_start3A_2202] : memref<600000xf32, #tpu.memory_space<hbm>> -> memref<600000xf32, #tpu.memory_space<hbm>>
    tpu.enqueue_indirect_dma source(%dma_start3A_2203 : memref<600000xf32, #tpu.memory_space<hbm>>) target(%dma_start3A_2198 : memref<128xf32, #tpu.memory_space<vmem>>) offsets(%dma_start3A_2201 : memref<128xi32, #tpu.memory_space<vmem>>) semaphore(%arg11 : memref<!tpu.dma_semaphore, #tpu.memory_space<semaphore_mem>>)
    %get3A_2204 = arith.constant 384 : index
    %get3A_2205 = tpu.vector_load %arg5[%get3A_2204] {strides = array<i32>} : memref<512xi32, #tpu.memory_space<vmem>>, vector<16xi32>,
    %add3A_2206 = arith.constant 500000 : i32
    %add3A_2207 = vector.broadcast %add3A_2206 : i32 to vector<16xi32>
    %add3A_2208 = arith.addi %get3A_2205, %add3A_2207 : vector<16xi32>
    %swap3A_2209 = arith.constant 3 : i32
    %swap3A_2210 = arith.constant 5 : i32
    %swap3A_2211 = arith.index_cast %swap3A_2209 : i32 to index
    %swap3A_2212 = arith.index_cast %swap3A_2210 : i32 to index
    %swap3A_2213 = arith.constant 0 : index
    %swap3A_2214 = tpu.vector_load %arg6[%swap3A_2211, %swap3A_2212, %swap3A_2213] {strides = array<i32>} : memref<4x6x128xi32, #tpu.memory_space<vmem>>, vector<16xi32>,
    tpu.vector_store %arg6[%swap3A_2211, %swap3A_2212, %swap3A_2213], %add3A_2208 {strides = array<i32>} : memref<4x6x128xi32, #tpu.memory_space<vmem>>, vector<16xi32>,
    %get3A_2215 = arith.constant 400 : index
    %get3A_2216 = tpu.vector_load %arg5[%get3A_2215] {strides = array<i32>} : memref<512xi32, #tpu.memory_space<vmem>>, vector<16xi32>,
    %add3A_2217 = arith.constant 500000 : i32
    %add3A_2218 = vector.broadcast %add3A_2217 : i32 to vector<16xi32>
    %add3A_2219 = arith.addi %get3A_2216, %add3A_2218 : vector<16xi32>
    %swap3A_2220 = arith.constant 3 : i32
    %swap3A_2221 = arith.constant 5 : i32
    %swap3A_2222 = arith.index_cast %swap3A_2220 : i32 to index
    %swap3A_2223 = arith.index_cast %swap3A_2221 : i32 to index
    %swap3A_2224 = arith.constant 16 : index
    %swap3A_2225 = tpu.vector_load %arg6[%swap3A_2222, %swap3A_2223, %swap3A_2224] {strides = array<i32>} : memref<4x6x128xi32, #tpu.memory_space<vmem>>, vector<16xi32>,
    tpu.vector_store %arg6[%swap3A_2222, %swap3A_2223, %swap3A_2224], %add3A_2219 {strides = array<i32>} : memref<4x6x128xi32, #tpu.memory_space<vmem>>, vector<16xi32>,
    %get3A_2226 = arith.constant 416 : index
    %get3A_2227 = tpu.vector_load %arg5[%get3A_2226] {strides = array<i32>} : memref<512xi32, #tpu.memory_space<vmem>>, vector<16xi32>,
    %add3A_2228 = arith.constant 500000 : i32
    %add3A_2229 = vector.broadcast %add3A_2228 : i32 to vector<16xi32>
    %add3A_2230 = arith.addi %get3A_2227, %add3A_2229 : vector<16xi32>
    %swap3A_2231 = arith.constant 3 : i32
    %swap3A_2232 = arith.constant 5 : i32
    %swap3A_2233 = arith.index_cast %swap3A_2231 : i32 to index
    %swap3A_2234 = arith.index_cast %swap3A_2232 : i32 to index
    %swap3A_2235 = arith.constant 32 : index
    %swap3A_2236 = tpu.vector_load %arg6[%swap3A_2233, %swap3A_2234, %swap3A_2235] {strides = array<i32>} : memref<4x6x128xi32, #tpu.memory_space<vmem>>, vector<16xi32>,
    tpu.vector_store %arg6[%swap3A_2233, %swap3A_2234, %swap3A_2235], %add3A_2230 {strides = array<i32>} : memref<4x6x128xi32, #tpu.memory_space<vmem>>, vector<16xi32>,
    %get3A_2237 = arith.constant 432 : index
    %get3A_2238 = tpu.vector_load %arg5[%get3A_2237] {strides = array<i32>} : memref<512xi32, #tpu.memory_space<vmem>>, vector<16xi32>,
    %add3A_2239 = arith.constant 500000 : i32
    %add3A_2240 = vector.broadcast %add3A_2239 : i32 to vector<16xi32>
    %add3A_2241 = arith.addi %get3A_2238, %add3A_2240 : vector<16xi32>
    %swap3A_2242 = arith.constant 3 : i32
    %swap3A_2243 = arith.constant 5 : i32
    %swap3A_2244 = arith.index_cast %swap3A_2242 : i32 to index
    %swap3A_2245 = arith.index_cast %swap3A_2243 : i32 to index
    %swap3A_2246 = arith.constant 48 : index
    %swap3A_2247 = tpu.vector_load %arg6[%swap3A_2244, %swap3A_2245, %swap3A_2246] {strides = array<i32>} : memref<4x6x128xi32, #tpu.memory_space<vmem>>, vector<16xi32>,
    tpu.vector_store %arg6[%swap3A_2244, %swap3A_2245, %swap3A_2246], %add3A_2241 {strides = array<i32>} : memref<4x6x128xi32, #tpu.memory_space<vmem>>, vector<16xi32>,
    %get3A_2248 = arith.constant 448 : index
    %get3A_2249 = tpu.vector_load %arg5[%get3A_2248] {strides = array<i32>} : memref<512xi32, #tpu.memory_space<vmem>>, vector<16xi32>,
    %add3A_2250 = arith.constant 500000 : i32
    %add3A_2251 = vector.broadcast %add3A_2250 : i32 to vector<16xi32>
    %add3A_2252 = arith.addi %get3A_2249, %add3A_2251 : vector<16xi32>
    %swap3A_2253 = arith.constant 3 : i32
    %swap3A_2254 = arith.constant 5 : i32
    %swap3A_2255 = arith.index_cast %swap3A_2253 : i32 to index
    %swap3A_2256 = arith.index_cast %swap3A_2254 : i32 to index
    %swap3A_2257 = arith.constant 64 : index
    %swap3A_2258 = tpu.vector_load %arg6[%swap3A_2255, %swap3A_2256, %swap3A_2257] {strides = array<i32>} : memref<4x6x128xi32, #tpu.memory_space<vmem>>, vector<16xi32>,
    tpu.vector_store %arg6[%swap3A_2255, %swap3A_2256, %swap3A_2257], %add3A_2252 {strides = array<i32>} : memref<4x6x128xi32, #tpu.memory_space<vmem>>, vector<16xi32>,
    %get3A_2259 = arith.constant 464 : index
    %get3A_2260 = tpu.vector_load %arg5[%get3A_2259] {strides = array<i32>} : memref<512xi32, #tpu.memory_space<vmem>>, vector<16xi32>,
    %add3A_2261 = arith.constant 500000 : i32
    %add3A_2262 = vector.broadcast %add3A_2261 : i32 to vector<16xi32>
    %add3A_2263 = arith.addi %get3A_2260, %add3A_2262 : vector<16xi32>
    %swap3A_2264 = arith.constant 3 : i32
    %swap3A_2265 = arith.constant 5 : i32
    %swap3A_2266 = arith.index_cast %swap3A_2264 : i32 to index
    %swap3A_2267 = arith.index_cast %swap3A_2265 : i32 to index
    %swap3A_2268 = arith.constant 80 : index
    %swap3A_2269 = tpu.vector_load %arg6[%swap3A_2266, %swap3A_2267, %swap3A_2268] {strides = array<i32>} : memref<4x6x128xi32, #tpu.memory_space<vmem>>, vector<16xi32>,
    tpu.vector_store %arg6[%swap3A_2266, %swap3A_2267, %swap3A_2268], %add3A_2263 {strides = array<i32>} : memref<4x6x128xi32, #tpu.memory_space<vmem>>, vector<16xi32>,
    %get3A_2270 = arith.constant 480 : index
    %get3A_2271 = tpu.vector_load %arg5[%get3A_2270] {strides = array<i32>} : memref<512xi32, #tpu.memory_space<vmem>>, vector<16xi32>,
    %add3A_2272 = arith.constant 500000 : i32
    %add3A_2273 = vector.broadcast %add3A_2272 : i32 to vector<16xi32>
    %add3A_2274 = arith.addi %get3A_2271, %add3A_2273 : vector<16xi32>
    %swap3A_2275 = arith.constant 3 : i32
    %swap3A_2276 = arith.constant 5 : i32
    %swap3A_2277 = arith.index_cast %swap3A_2275 : i32 to index
    %swap3A_2278 = arith.index_cast %swap3A_2276 : i32 to index
    %swap3A_2279 = arith.constant 96 : index
    %swap3A_2280 = tpu.vector_load %arg6[%swap3A_2277, %swap3A_2278, %swap3A_2279] {strides = array<i32>} : memref<4x6x128xi32, #tpu.memory_space<vmem>>, vector<16xi32>,
    tpu.vector_store %arg6[%swap3A_2277, %swap3A_2278, %swap3A_2279], %add3A_2274 {strides = array<i32>} : memref<4x6x128xi32, #tpu.memory_space<vmem>>, vector<16xi32>,
    %get3A_2281 = arith.constant 496 : index
    %get3A_2282 = tpu.vector_load %arg5[%get3A_2281] {strides = array<i32>} : memref<512xi32, #tpu.memory_space<vmem>>, vector<16xi32>,
    %add3A_2283 = arith.constant 500000 : i32
    %add3A_2284 = vector.broadcast %add3A_2283 : i32 to vector<16xi32>
    %add3A_2285 = arith.addi %get3A_2282, %add3A_2284 : vector<16xi32>
    %swap3A_2286 = arith.constant 3 : i32
    %swap3A_2287 = arith.constant 5 : i32
    %swap3A_2288 = arith.index_cast %swap3A_2286 : i32 to index
    %swap3A_2289 = arith.index_cast %swap3A_2287 : i32 to index
    %swap3A_2290 = arith.constant 112 : index
    %swap3A_2291 = tpu.vector_load %arg6[%swap3A_2288, %swap3A_2289, %swap3A_2290] {strides = array<i32>} : memref<4x6x128xi32, #tpu.memory_space<vmem>>, vector<16xi32>,
    tpu.vector_store %arg6[%swap3A_2288, %swap3A_2289, %swap3A_2290], %add3A_2285 {strides = array<i32>} : memref<4x6x128xi32, #tpu.memory_space<vmem>>, vector<16xi32>,
    %dma_start3A_2292 = arith.constant 3 : i32
    %dma_start3A_2293 = arith.constant 5 : i32
    %dma_start3A_2294 = arith.constant 3 : i32
    %dma_start3A_2295 = arith.constant 5 : i32
    %dma_start3A_2296 = arith.constant 0 : i32
    %dma_start3A_2297 = tpu.memref_slice %arg7[%dma_start3A_2294, %dma_start3A_2295, %dma_start3A_2296] : memref<4x8x128xf32, #tpu.memory_space<vmem>> -> memref<1x1x128xf32, #tpu.memory_space<vmem>>
    %dma_start3A_2298 = tpu.memref_squeeze %dma_start3A_2297 : memref<1x1x128xf32, #tpu.memory_space<vmem>> -> memref<128xf32, #tpu.memory_space<vmem>>
    %dma_start3A_2299 = arith.constant 0 : i32
    %dma_start3A_2300 = tpu.memref_slice %arg6[%dma_start3A_2292, %dma_start3A_2293, %dma_start3A_2299] : memref<4x6x128xi32, #tpu.memory_space<vmem>> -> memref<1x1x128xi32, #tpu.memory_space<vmem>>
    %dma_start3A_2301 = tpu.memref_squeeze %dma_start3A_2300 : memref<1x1x128xi32, #tpu.memory_space<vmem>> -> memref<128xi32, #tpu.memory_space<vmem>>
    %dma_start3A_2302 = arith.constant 0 : i32
    %dma_start3A_2303 = tpu.memref_slice %arg3[%dma_start3A_2302] : memref<600000xf32, #tpu.memory_space<hbm>> -> memref<600000xf32, #tpu.memory_space<hbm>>
    tpu.enqueue_indirect_dma source(%dma_start3A_2303 : memref<600000xf32, #tpu.memory_space<hbm>>) target(%dma_start3A_2298 : memref<128xf32, #tpu.memory_space<vmem>>) offsets(%dma_start3A_2301 : memref<128xi32, #tpu.memory_space<vmem>>) semaphore(%arg11 : memref<!tpu.dma_semaphore, #tpu.memory_space<semaphore_mem>>)
    %dma_wait3A = arith.constant 0 : i32
    %dma_wait3A_2304 = arith.constant 0 : i32
    %dma_wait3A_2305 = arith.constant 0 : i32
    %dma_wait3A_2306 = arith.constant 0 : i32
    %dma_wait3A_2307 = arith.constant 0 : i32
    %dma_wait3A_2308 = tpu.memref_slice %arg7[%dma_wait3A_2305, %dma_wait3A_2306, %dma_wait3A_2307] : memref<4x8x128xf32, #tpu.memory_space<vmem>> -> memref<1x1x128xf32, #tpu.memory_space<vmem>>
    %dma_wait3A_2309 = tpu.memref_squeeze %dma_wait3A_2308 : memref<1x1x128xf32, #tpu.memory_space<vmem>> -> memref<128xf32, #tpu.memory_space<vmem>>
    %dma_wait3A_2310 = arith.constant 0 : i32
    %dma_wait3A_2311 = tpu.memref_slice %arg6[%dma_wait3A, %dma_wait3A_2304, %dma_wait3A_2310] : memref<4x6x128xi32, #tpu.memory_space<vmem>> -> memref<1x1x128xi32, #tpu.memory_space<vmem>>
    %dma_wait3A_2312 = tpu.memref_squeeze %dma_wait3A_2311 : memref<1x1x128xi32, #tpu.memory_space<vmem>> -> memref<128xi32, #tpu.memory_space<vmem>>
    %dma_wait3A_2313 = arith.constant 0 : i32
    %dma_wait3A_2314 = tpu.memref_slice %arg3[%dma_wait3A_2313] : memref<600000xf32, #tpu.memory_space<hbm>> -> memref<600000xf32, #tpu.memory_space<hbm>>
    tpu.wait_indirect_dma semaphore(%arg8 : memref<!tpu.dma_semaphore, #tpu.memory_space<semaphore_mem>>) src(%dma_wait3A_2314 : memref<600000xf32, #tpu.memory_space<hbm>>) dst(%dma_wait3A_2309 : memref<128xf32, #tpu.memory_space<vmem>>)
    %dma_wait3A_2315 = arith.constant 0 : i32
    %dma_wait3A_2316 = arith.constant 1 : i32
    %dma_wait3A_2317 = arith.constant 0 : i32
    %dma_wait3A_2318 = arith.constant 1 : i32
    %dma_wait3A_2319 = arith.constant 0 : i32
    %dma_wait3A_2320 = tpu.memref_slice %arg7[%dma_wait3A_2317, %dma_wait3A_2318, %dma_wait3A_2319] : memref<4x8x128xf32, #tpu.memory_space<vmem>> -> memref<1x1x128xf32, #tpu.memory_space<vmem>>
    %dma_wait3A_2321 = tpu.memref_squeeze %dma_wait3A_2320 : memref<1x1x128xf32, #tpu.memory_space<vmem>> -> memref<128xf32, #tpu.memory_space<vmem>>
    %dma_wait3A_2322 = arith.constant 0 : i32
    %dma_wait3A_2323 = tpu.memref_slice %arg6[%dma_wait3A_2315, %dma_wait3A_2316, %dma_wait3A_2322] : memref<4x6x128xi32, #tpu.memory_space<vmem>> -> memref<1x1x128xi32, #tpu.memory_space<vmem>>
    %dma_wait3A_2324 = tpu.memref_squeeze %dma_wait3A_2323 : memref<1x1x128xi32, #tpu.memory_space<vmem>> -> memref<128xi32, #tpu.memory_space<vmem>>
    %dma_wait3A_2325 = arith.constant 0 : i32
    %dma_wait3A_2326 = tpu.memref_slice %arg3[%dma_wait3A_2325] : memref<600000xf32, #tpu.memory_space<hbm>> -> memref<600000xf32, #tpu.memory_space<hbm>>
    tpu.wait_indirect_dma semaphore(%arg8 : memref<!tpu.dma_semaphore, #tpu.memory_space<semaphore_mem>>) src(%dma_wait3A_2326 : memref<600000xf32, #tpu.memory_space<hbm>>) dst(%dma_wait3A_2321 : memref<128xf32, #tpu.memory_space<vmem>>)
    %dma_wait3A_2327 = arith.constant 0 : i32
    %dma_wait3A_2328 = arith.constant 2 : i32
    %dma_wait3A_2329 = arith.constant 0 : i32
    %dma_wait3A_2330 = arith.constant 2 : i32
    %dma_wait3A_2331 = arith.constant 0 : i32
    %dma_wait3A_2332 = tpu.memref_slice %arg7[%dma_wait3A_2329, %dma_wait3A_2330, %dma_wait3A_2331] : memref<4x8x128xf32, #tpu.memory_space<vmem>> -> memref<1x1x128xf32, #tpu.memory_space<vmem>>
    %dma_wait3A_2333 = tpu.memref_squeeze %dma_wait3A_2332 : memref<1x1x128xf32, #tpu.memory_space<vmem>> -> memref<128xf32, #tpu.memory_space<vmem>>
    %dma_wait3A_2334 = arith.constant 0 : i32
    %dma_wait3A_2335 = tpu.memref_slice %arg6[%dma_wait3A_2327, %dma_wait3A_2328, %dma_wait3A_2334] : memref<4x6x128xi32, #tpu.memory_space<vmem>> -> memref<1x1x128xi32, #tpu.memory_space<vmem>>
    %dma_wait3A_2336 = tpu.memref_squeeze %dma_wait3A_2335 : memref<1x1x128xi32, #tpu.memory_space<vmem>> -> memref<128xi32, #tpu.memory_space<vmem>>
    %dma_wait3A_2337 = arith.constant 0 : i32
    %dma_wait3A_2338 = tpu.memref_slice %arg3[%dma_wait3A_2337] : memref<600000xf32, #tpu.memory_space<hbm>> -> memref<600000xf32, #tpu.memory_space<hbm>>
    tpu.wait_indirect_dma semaphore(%arg8 : memref<!tpu.dma_semaphore, #tpu.memory_space<semaphore_mem>>) src(%dma_wait3A_2338 : memref<600000xf32, #tpu.memory_space<hbm>>) dst(%dma_wait3A_2333 : memref<128xf32, #tpu.memory_space<vmem>>)
    %dma_wait3A_2339 = arith.constant 0 : i32
    %dma_wait3A_2340 = arith.constant 3 : i32
    %dma_wait3A_2341 = arith.constant 0 : i32
    %dma_wait3A_2342 = arith.constant 3 : i32
    %dma_wait3A_2343 = arith.constant 0 : i32
    %dma_wait3A_2344 = tpu.memref_slice %arg7[%dma_wait3A_2341, %dma_wait3A_2342, %dma_wait3A_2343] : memref<4x8x128xf32, #tpu.memory_space<vmem>> -> memref<1x1x128xf32, #tpu.memory_space<vmem>>
    %dma_wait3A_2345 = tpu.memref_squeeze %dma_wait3A_2344 : memref<1x1x128xf32, #tpu.memory_space<vmem>> -> memref<128xf32, #tpu.memory_space<vmem>>
    %dma_wait3A_2346 = arith.constant 0 : i32
    %dma_wait3A_2347 = tpu.memref_slice %arg6[%dma_wait3A_2339, %dma_wait3A_2340, %dma_wait3A_2346] : memref<4x6x128xi32, #tpu.memory_space<vmem>> -> memref<1x1x128xi32, #tpu.memory_space<vmem>>
    %dma_wait3A_2348 = tpu.memref_squeeze %dma_wait3A_2347 : memref<1x1x128xi32, #tpu.memory_space<vmem>> -> memref<128xi32, #tpu.memory_space<vmem>>
    %dma_wait3A_2349 = arith.constant 0 : i32
    %dma_wait3A_2350 = tpu.memref_slice %arg3[%dma_wait3A_2349] : memref<600000xf32, #tpu.memory_space<hbm>> -> memref<600000xf32, #tpu.memory_space<hbm>>
    tpu.wait_indirect_dma semaphore(%arg8 : memref<!tpu.dma_semaphore, #tpu.memory_space<semaphore_mem>>) src(%dma_wait3A_2350 : memref<600000xf32, #tpu.memory_space<hbm>>) dst(%dma_wait3A_2345 : memref<128xf32, #tpu.memory_space<vmem>>)
    %dma_wait3A_2351 = arith.constant 0 : i32
    %dma_wait3A_2352 = arith.constant 4 : i32
    %dma_wait3A_2353 = arith.constant 0 : i32
    %dma_wait3A_2354 = arith.constant 4 : i32
    %dma_wait3A_2355 = arith.constant 0 : i32
    %dma_wait3A_2356 = tpu.memref_slice %arg7[%dma_wait3A_2353, %dma_wait3A_2354, %dma_wait3A_2355] : memref<4x8x128xf32, #tpu.memory_space<vmem>> -> memref<1x1x128xf32, #tpu.memory_space<vmem>>
    %dma_wait3A_2357 = tpu.memref_squeeze %dma_wait3A_2356 : memref<1x1x128xf32, #tpu.memory_space<vmem>> -> memref<128xf32, #tpu.memory_space<vmem>>
    %dma_wait3A_2358 = arith.constant 0 : i32
    %dma_wait3A_2359 = tpu.memref_slice %arg6[%dma_wait3A_2351, %dma_wait3A_2352, %dma_wait3A_2358] : memref<4x6x128xi32, #tpu.memory_space<vmem>> -> memref<1x1x128xi32, #tpu.memory_space<vmem>>
    %dma_wait3A_2360 = tpu.memref_squeeze %dma_wait3A_2359 : memref<1x1x128xi32, #tpu.memory_space<vmem>> -> memref<128xi32, #tpu.memory_space<vmem>>
    %dma_wait3A_2361 = arith.constant 0 : i32
    %dma_wait3A_2362 = tpu.memref_slice %arg3[%dma_wait3A_2361] : memref<600000xf32, #tpu.memory_space<hbm>> -> memref<600000xf32, #tpu.memory_space<hbm>>
    tpu.wait_indirect_dma semaphore(%arg8 : memref<!tpu.dma_semaphore, #tpu.memory_space<semaphore_mem>>) src(%dma_wait3A_2362 : memref<600000xf32, #tpu.memory_space<hbm>>) dst(%dma_wait3A_2357 : memref<128xf32, #tpu.memory_space<vmem>>)
    %dma_wait3A_2363 = arith.constant 0 : i32
    %dma_wait3A_2364 = arith.constant 5 : i32
    %dma_wait3A_2365 = arith.constant 0 : i32
    %dma_wait3A_2366 = arith.constant 5 : i32
    %dma_wait3A_2367 = arith.constant 0 : i32
    %dma_wait3A_2368 = tpu.memref_slice %arg7[%dma_wait3A_2365, %dma_wait3A_2366, %dma_wait3A_2367] : memref<4x8x128xf32, #tpu.memory_space<vmem>> -> memref<1x1x128xf32, #tpu.memory_space<vmem>>
    %dma_wait3A_2369 = tpu.memref_squeeze %dma_wait3A_2368 : memref<1x1x128xf32, #tpu.memory_space<vmem>> -> memref<128xf32, #tpu.memory_space<vmem>>
    %dma_wait3A_2370 = arith.constant 0 : i32
    %dma_wait3A_2371 = tpu.memref_slice %arg6[%dma_wait3A_2363, %dma_wait3A_2364, %dma_wait3A_2370] : memref<4x6x128xi32, #tpu.memory_space<vmem>> -> memref<1x1x128xi32, #tpu.memory_space<vmem>>
    %dma_wait3A_2372 = tpu.memref_squeeze %dma_wait3A_2371 : memref<1x1x128xi32, #tpu.memory_space<vmem>> -> memref<128xi32, #tpu.memory_space<vmem>>
    %dma_wait3A_2373 = arith.constant 0 : i32
    %dma_wait3A_2374 = tpu.memref_slice %arg3[%dma_wait3A_2373] : memref<600000xf32, #tpu.memory_space<hbm>> -> memref<600000xf32, #tpu.memory_space<hbm>>
    tpu.wait_indirect_dma semaphore(%arg8 : memref<!tpu.dma_semaphore, #tpu.memory_space<semaphore_mem>>) src(%dma_wait3A_2374 : memref<600000xf32, #tpu.memory_space<hbm>>) dst(%dma_wait3A_2369 : memref<128xf32, #tpu.memory_space<vmem>>)
    %mul3A_2375 = arith.constant 4 : i32
    %mul3A_2376 = arith.muli %add3A, %mul3A_2375 : i32
    %add3A_2377 = arith.constant 0 : i32
    %add3A_2378 = arith.addi %mul3A_2376, %add3A_2377 : i32
    %dma_start3A_2379 = arith.constant 0 : i32
    %dma_start3A_2380 = arith.constant 0 : i32
    %dma_start3A_2381 = arith.constant 0 : i32
    %dma_start3A_2382 = tpu.memref_slice %arg7[%dma_start3A_2379, %dma_start3A_2380, %dma_start3A_2381] : memref<4x8x128xf32, #tpu.memory_space<vmem>> -> memref<1x8x128xf32, #tpu.memory_space<vmem>>
    %dma_start3A_2383 = tpu.memref_squeeze %dma_start3A_2382 : memref<1x8x128xf32, #tpu.memory_space<vmem>> -> memref<8x128xf32, #tpu.memory_space<vmem>>
    %dma_start3A_2384 = arith.constant 0 : i32
    %dma_start3A_2385 = arith.constant 0 : i32
    %dma_start3A_2386 = tpu.memref_slice %arg4[%add3A_2378, %dma_start3A_2384, %dma_start3A_2385] : memref<128x8x128xf32, #tpu.memory_space<hbm>> -> memref<1x8x128xf32, #tpu.memory_space<hbm>>
    %dma_start3A_2387 = tpu.memref_squeeze %dma_start3A_2386 : memref<1x8x128xf32, #tpu.memory_space<hbm>> -> memref<8x128xf32, #tpu.memory_space<hbm>>
    %dma_start3A_2388 = arith.constant 0 : i32
    %dma_start3A_2389 = arith.constant 0 : i32
    %dma_start3A_2390 = tpu.memref_slice %arg4[%add3A_2378, %dma_start3A_2388, %dma_start3A_2389] : memref<128x8x128xf32, #tpu.memory_space<hbm>> -> memref<1x8x128xf32, #tpu.memory_space<hbm>>
    %dma_start3A_2391 = tpu.memref_squeeze %dma_start3A_2390 : memref<1x8x128xf32, #tpu.memory_space<hbm>> -> memref<8x128xf32, #tpu.memory_space<hbm>>
    %dma_start3A_2392 = arith.constant 0 : i32
    %dma_start3A_2393 = arith.constant 0 : i32
    %dma_start3A_2394 = tpu.memref_slice %arg7[%dma_start3A_2379, %dma_start3A_2392, %dma_start3A_2393] : memref<4x8x128xf32, #tpu.memory_space<vmem>> -> memref<1x8x128xf32, #tpu.memory_space<vmem>>
    %dma_start3A_2395 = tpu.memref_squeeze %dma_start3A_2394 : memref<1x8x128xf32, #tpu.memory_space<vmem>> -> memref<8x128xf32, #tpu.memory_space<vmem>>
    tpu.enqueue_dma source(%dma_start3A_2395 : memref<8x128xf32, #tpu.memory_space<vmem>>) target(%dma_start3A_2391 : memref<8x128xf32, #tpu.memory_space<hbm>>) target_semaphore(%arg12 : memref<!tpu.dma_semaphore, #tpu.memory_space<semaphore_mem>>)
    %dma_wait3A_2396 = arith.constant 1 : i32
    %dma_wait3A_2397 = arith.constant 0 : i32
    %dma_wait3A_2398 = arith.constant 1 : i32
    %dma_wait3A_2399 = arith.constant 0 : i32
    %dma_wait3A_2400 = arith.constant 0 : i32
    %dma_wait3A_2401 = tpu.memref_slice %arg7[%dma_wait3A_2398, %dma_wait3A_2399, %dma_wait3A_2400] : memref<4x8x128xf32, #tpu.memory_space<vmem>> -> memref<1x1x128xf32, #tpu.memory_space<vmem>>
    %dma_wait3A_2402 = tpu.memref_squeeze %dma_wait3A_2401 : memref<1x1x128xf32, #tpu.memory_space<vmem>> -> memref<128xf32, #tpu.memory_space<vmem>>
    %dma_wait3A_2403 = arith.constant 0 : i32
    %dma_wait3A_2404 = tpu.memref_slice %arg6[%dma_wait3A_2396, %dma_wait3A_2397, %dma_wait3A_2403] : memref<4x6x128xi32, #tpu.memory_space<vmem>> -> memref<1x1x128xi32, #tpu.memory_space<vmem>>
    %dma_wait3A_2405 = tpu.memref_squeeze %dma_wait3A_2404 : memref<1x1x128xi32, #tpu.memory_space<vmem>> -> memref<128xi32, #tpu.memory_space<vmem>>
    %dma_wait3A_2406 = arith.constant 0 : i32
    %dma_wait3A_2407 = tpu.memref_slice %arg3[%dma_wait3A_2406] : memref<600000xf32, #tpu.memory_space<hbm>> -> memref<600000xf32, #tpu.memory_space<hbm>>
    tpu.wait_indirect_dma semaphore(%arg9 : memref<!tpu.dma_semaphore, #tpu.memory_space<semaphore_mem>>) src(%dma_wait3A_2407 : memref<600000xf32, #tpu.memory_space<hbm>>) dst(%dma_wait3A_2402 : memref<128xf32, #tpu.memory_space<vmem>>)
    %dma_wait3A_2408 = arith.constant 1 : i32
    %dma_wait3A_2409 = arith.constant 1 : i32
    %dma_wait3A_2410 = arith.constant 1 : i32
    %dma_wait3A_2411 = arith.constant 1 : i32
    %dma_wait3A_2412 = arith.constant 0 : i32
    %dma_wait3A_2413 = tpu.memref_slice %arg7[%dma_wait3A_2410, %dma_wait3A_2411, %dma_wait3A_2412] : memref<4x8x128xf32, #tpu.memory_space<vmem>> -> memref<1x1x128xf32, #tpu.memory_space<vmem>>
    %dma_wait3A_2414 = tpu.memref_squeeze %dma_wait3A_2413 : memref<1x1x128xf32, #tpu.memory_space<vmem>> -> memref<128xf32, #tpu.memory_space<vmem>>
    %dma_wait3A_2415 = arith.constant 0 : i32
    %dma_wait3A_2416 = tpu.memref_slice %arg6[%dma_wait3A_2408, %dma_wait3A_2409, %dma_wait3A_2415] : memref<4x6x128xi32, #tpu.memory_space<vmem>> -> memref<1x1x128xi32, #tpu.memory_space<vmem>>
    %dma_wait3A_2417 = tpu.memref_squeeze %dma_wait3A_2416 : memref<1x1x128xi32, #tpu.memory_space<vmem>> -> memref<128xi32, #tpu.memory_space<vmem>>
    %dma_wait3A_2418 = arith.constant 0 : i32
    %dma_wait3A_2419 = tpu.memref_slice %arg3[%dma_wait3A_2418] : memref<600000xf32, #tpu.memory_space<hbm>> -> memref<600000xf32, #tpu.memory_space<hbm>>
    tpu.wait_indirect_dma semaphore(%arg9 : memref<!tpu.dma_semaphore, #tpu.memory_space<semaphore_mem>>) src(%dma_wait3A_2419 : memref<600000xf32, #tpu.memory_space<hbm>>) dst(%dma_wait3A_2414 : memref<128xf32, #tpu.memory_space<vmem>>)
    %dma_wait3A_2420 = arith.constant 1 : i32
    %dma_wait3A_2421 = arith.constant 2 : i32
    %dma_wait3A_2422 = arith.constant 1 : i32
    %dma_wait3A_2423 = arith.constant 2 : i32
    %dma_wait3A_2424 = arith.constant 0 : i32
    %dma_wait3A_2425 = tpu.memref_slice %arg7[%dma_wait3A_2422, %dma_wait3A_2423, %dma_wait3A_2424] : memref<4x8x128xf32, #tpu.memory_space<vmem>> -> memref<1x1x128xf32, #tpu.memory_space<vmem>>
    %dma_wait3A_2426 = tpu.memref_squeeze %dma_wait3A_2425 : memref<1x1x128xf32, #tpu.memory_space<vmem>> -> memref<128xf32, #tpu.memory_space<vmem>>
    %dma_wait3A_2427 = arith.constant 0 : i32
    %dma_wait3A_2428 = tpu.memref_slice %arg6[%dma_wait3A_2420, %dma_wait3A_2421, %dma_wait3A_2427] : memref<4x6x128xi32, #tpu.memory_space<vmem>> -> memref<1x1x128xi32, #tpu.memory_space<vmem>>
    %dma_wait3A_2429 = tpu.memref_squeeze %dma_wait3A_2428 : memref<1x1x128xi32, #tpu.memory_space<vmem>> -> memref<128xi32, #tpu.memory_space<vmem>>
    %dma_wait3A_2430 = arith.constant 0 : i32
    %dma_wait3A_2431 = tpu.memref_slice %arg3[%dma_wait3A_2430] : memref<600000xf32, #tpu.memory_space<hbm>> -> memref<600000xf32, #tpu.memory_space<hbm>>
    tpu.wait_indirect_dma semaphore(%arg9 : memref<!tpu.dma_semaphore, #tpu.memory_space<semaphore_mem>>) src(%dma_wait3A_2431 : memref<600000xf32, #tpu.memory_space<hbm>>) dst(%dma_wait3A_2426 : memref<128xf32, #tpu.memory_space<vmem>>)
    %dma_wait3A_2432 = arith.constant 1 : i32
    %dma_wait3A_2433 = arith.constant 3 : i32
    %dma_wait3A_2434 = arith.constant 1 : i32
    %dma_wait3A_2435 = arith.constant 3 : i32
    %dma_wait3A_2436 = arith.constant 0 : i32
    %dma_wait3A_2437 = tpu.memref_slice %arg7[%dma_wait3A_2434, %dma_wait3A_2435, %dma_wait3A_2436] : memref<4x8x128xf32, #tpu.memory_space<vmem>> -> memref<1x1x128xf32, #tpu.memory_space<vmem>>
    %dma_wait3A_2438 = tpu.memref_squeeze %dma_wait3A_2437 : memref<1x1x128xf32, #tpu.memory_space<vmem>> -> memref<128xf32, #tpu.memory_space<vmem>>
    %dma_wait3A_2439 = arith.constant 0 : i32
    %dma_wait3A_2440 = tpu.memref_slice %arg6[%dma_wait3A_2432, %dma_wait3A_2433, %dma_wait3A_2439] : memref<4x6x128xi32, #tpu.memory_space<vmem>> -> memref<1x1x128xi32, #tpu.memory_space<vmem>>
    %dma_wait3A_2441 = tpu.memref_squeeze %dma_wait3A_2440 : memref<1x1x128xi32, #tpu.memory_space<vmem>> -> memref<128xi32, #tpu.memory_space<vmem>>
    %dma_wait3A_2442 = arith.constant 0 : i32
    %dma_wait3A_2443 = tpu.memref_slice %arg3[%dma_wait3A_2442] : memref<600000xf32, #tpu.memory_space<hbm>> -> memref<600000xf32, #tpu.memory_space<hbm>>
    tpu.wait_indirect_dma semaphore(%arg9 : memref<!tpu.dma_semaphore, #tpu.memory_space<semaphore_mem>>) src(%dma_wait3A_2443 : memref<600000xf32, #tpu.memory_space<hbm>>) dst(%dma_wait3A_2438 : memref<128xf32, #tpu.memory_space<vmem>>)
    %dma_wait3A_2444 = arith.constant 1 : i32
    %dma_wait3A_2445 = arith.constant 4 : i32
    %dma_wait3A_2446 = arith.constant 1 : i32
    %dma_wait3A_2447 = arith.constant 4 : i32
    %dma_wait3A_2448 = arith.constant 0 : i32
    %dma_wait3A_2449 = tpu.memref_slice %arg7[%dma_wait3A_2446, %dma_wait3A_2447, %dma_wait3A_2448] : memref<4x8x128xf32, #tpu.memory_space<vmem>> -> memref<1x1x128xf32, #tpu.memory_space<vmem>>
    %dma_wait3A_2450 = tpu.memref_squeeze %dma_wait3A_2449 : memref<1x1x128xf32, #tpu.memory_space<vmem>> -> memref<128xf32, #tpu.memory_space<vmem>>
    %dma_wait3A_2451 = arith.constant 0 : i32
    %dma_wait3A_2452 = tpu.memref_slice %arg6[%dma_wait3A_2444, %dma_wait3A_2445, %dma_wait3A_2451] : memref<4x6x128xi32, #tpu.memory_space<vmem>> -> memref<1x1x128xi32, #tpu.memory_space<vmem>>
    %dma_wait3A_2453 = tpu.memref_squeeze %dma_wait3A_2452 : memref<1x1x128xi32, #tpu.memory_space<vmem>> -> memref<128xi32, #tpu.memory_space<vmem>>
    %dma_wait3A_2454 = arith.constant 0 : i32
    %dma_wait3A_2455 = tpu.memref_slice %arg3[%dma_wait3A_2454] : memref<600000xf32, #tpu.memory_space<hbm>> -> memref<600000xf32, #tpu.memory_space<hbm>>
    tpu.wait_indirect_dma semaphore(%arg9 : memref<!tpu.dma_semaphore, #tpu.memory_space<semaphore_mem>>) src(%dma_wait3A_2455 : memref<600000xf32, #tpu.memory_space<hbm>>) dst(%dma_wait3A_2450 : memref<128xf32, #tpu.memory_space<vmem>>)
    %dma_wait3A_2456 = arith.constant 1 : i32
    %dma_wait3A_2457 = arith.constant 5 : i32
    %dma_wait3A_2458 = arith.constant 1 : i32
    %dma_wait3A_2459 = arith.constant 5 : i32
    %dma_wait3A_2460 = arith.constant 0 : i32
    %dma_wait3A_2461 = tpu.memref_slice %arg7[%dma_wait3A_2458, %dma_wait3A_2459, %dma_wait3A_2460] : memref<4x8x128xf32, #tpu.memory_space<vmem>> -> memref<1x1x128xf32, #tpu.memory_space<vmem>>
    %dma_wait3A_2462 = tpu.memref_squeeze %dma_wait3A_2461 : memref<1x1x128xf32, #tpu.memory_space<vmem>> -> memref<128xf32, #tpu.memory_space<vmem>>
    %dma_wait3A_2463 = arith.constant 0 : i32
    %dma_wait3A_2464 = tpu.memref_slice %arg6[%dma_wait3A_2456, %dma_wait3A_2457, %dma_wait3A_2463] : memref<4x6x128xi32, #tpu.memory_space<vmem>> -> memref<1x1x128xi32, #tpu.memory_space<vmem>>
    %dma_wait3A_2465 = tpu.memref_squeeze %dma_wait3A_2464 : memref<1x1x128xi32, #tpu.memory_space<vmem>> -> memref<128xi32, #tpu.memory_space<vmem>>
    %dma_wait3A_2466 = arith.constant 0 : i32
    %dma_wait3A_2467 = tpu.memref_slice %arg3[%dma_wait3A_2466] : memref<600000xf32, #tpu.memory_space<hbm>> -> memref<600000xf32, #tpu.memory_space<hbm>>
    tpu.wait_indirect_dma semaphore(%arg9 : memref<!tpu.dma_semaphore, #tpu.memory_space<semaphore_mem>>) src(%dma_wait3A_2467 : memref<600000xf32, #tpu.memory_space<hbm>>) dst(%dma_wait3A_2462 : memref<128xf32, #tpu.memory_space<vmem>>)
    %mul3A_2468 = arith.constant 4 : i32
    %mul3A_2469 = arith.muli %add3A, %mul3A_2468 : i32
    %add3A_2470 = arith.constant 1 : i32
    %add3A_2471 = arith.addi %mul3A_2469, %add3A_2470 : i32
    %dma_start3A_2472 = arith.constant 1 : i32
    %dma_start3A_2473 = arith.constant 0 : i32
    %dma_start3A_2474 = arith.constant 0 : i32
    %dma_start3A_2475 = tpu.memref_slice %arg7[%dma_start3A_2472, %dma_start3A_2473, %dma_start3A_2474] : memref<4x8x128xf32, #tpu.memory_space<vmem>> -> memref<1x8x128xf32, #tpu.memory_space<vmem>>
    %dma_start3A_2476 = tpu.memref_squeeze %dma_start3A_2475 : memref<1x8x128xf32, #tpu.memory_space<vmem>> -> memref<8x128xf32, #tpu.memory_space<vmem>>
    %dma_start3A_2477 = arith.constant 0 : i32
    %dma_start3A_2478 = arith.constant 0 : i32
    %dma_start3A_2479 = tpu.memref_slice %arg4[%add3A_2471, %dma_start3A_2477, %dma_start3A_2478] : memref<128x8x128xf32, #tpu.memory_space<hbm>> -> memref<1x8x128xf32, #tpu.memory_space<hbm>>
    %dma_start3A_2480 = tpu.memref_squeeze %dma_start3A_2479 : memref<1x8x128xf32, #tpu.memory_space<hbm>> -> memref<8x128xf32, #tpu.memory_space<hbm>>
    %dma_start3A_2481 = arith.constant 0 : i32
    %dma_start3A_2482 = arith.constant 0 : i32
    %dma_start3A_2483 = tpu.memref_slice %arg4[%add3A_2471, %dma_start3A_2481, %dma_start3A_2482] : memref<128x8x128xf32, #tpu.memory_space<hbm>> -> memref<1x8x128xf32, #tpu.memory_space<hbm>>
    %dma_start3A_2484 = tpu.memref_squeeze %dma_start3A_2483 : memref<1x8x128xf32, #tpu.memory_space<hbm>> -> memref<8x128xf32, #tpu.memory_space<hbm>>
    %dma_start3A_2485 = arith.constant 0 : i32
    %dma_start3A_2486 = arith.constant 0 : i32
    %dma_start3A_2487 = tpu.memref_slice %arg7[%dma_start3A_2472, %dma_start3A_2485, %dma_start3A_2486] : memref<4x8x128xf32, #tpu.memory_space<vmem>> -> memref<1x8x128xf32, #tpu.memory_space<vmem>>
    %dma_start3A_2488 = tpu.memref_squeeze %dma_start3A_2487 : memref<1x8x128xf32, #tpu.memory_space<vmem>> -> memref<8x128xf32, #tpu.memory_space<vmem>>
    tpu.enqueue_dma source(%dma_start3A_2488 : memref<8x128xf32, #tpu.memory_space<vmem>>) target(%dma_start3A_2484 : memref<8x128xf32, #tpu.memory_space<hbm>>) target_semaphore(%arg12 : memref<!tpu.dma_semaphore, #tpu.memory_space<semaphore_mem>>)
    %dma_wait3A_2489 = arith.constant 2 : i32
    %dma_wait3A_2490 = arith.constant 0 : i32
    %dma_wait3A_2491 = arith.constant 2 : i32
    %dma_wait3A_2492 = arith.constant 0 : i32
    %dma_wait3A_2493 = arith.constant 0 : i32
    %dma_wait3A_2494 = tpu.memref_slice %arg7[%dma_wait3A_2491, %dma_wait3A_2492, %dma_wait3A_2493] : memref<4x8x128xf32, #tpu.memory_space<vmem>> -> memref<1x1x128xf32, #tpu.memory_space<vmem>>
    %dma_wait3A_2495 = tpu.memref_squeeze %dma_wait3A_2494 : memref<1x1x128xf32, #tpu.memory_space<vmem>> -> memref<128xf32, #tpu.memory_space<vmem>>
    %dma_wait3A_2496 = arith.constant 0 : i32
    %dma_wait3A_2497 = tpu.memref_slice %arg6[%dma_wait3A_2489, %dma_wait3A_2490, %dma_wait3A_2496] : memref<4x6x128xi32, #tpu.memory_space<vmem>> -> memref<1x1x128xi32, #tpu.memory_space<vmem>>
    %dma_wait3A_2498 = tpu.memref_squeeze %dma_wait3A_2497 : memref<1x1x128xi32, #tpu.memory_space<vmem>> -> memref<128xi32, #tpu.memory_space<vmem>>
    %dma_wait3A_2499 = arith.constant 0 : i32
    %dma_wait3A_2500 = tpu.memref_slice %arg3[%dma_wait3A_2499] : memref<600000xf32, #tpu.memory_space<hbm>> -> memref<600000xf32, #tpu.memory_space<hbm>>
    tpu.wait_indirect_dma semaphore(%arg10 : memref<!tpu.dma_semaphore, #tpu.memory_space<semaphore_mem>>) src(%dma_wait3A_2500 : memref<600000xf32, #tpu.memory_space<hbm>>) dst(%dma_wait3A_2495 : memref<128xf32, #tpu.memory_space<vmem>>)
    %dma_wait3A_2501 = arith.constant 2 : i32
    %dma_wait3A_2502 = arith.constant 1 : i32
    %dma_wait3A_2503 = arith.constant 2 : i32
    %dma_wait3A_2504 = arith.constant 1 : i32
    %dma_wait3A_2505 = arith.constant 0 : i32
    %dma_wait3A_2506 = tpu.memref_slice %arg7[%dma_wait3A_2503, %dma_wait3A_2504, %dma_wait3A_2505] : memref<4x8x128xf32, #tpu.memory_space<vmem>> -> memref<1x1x128xf32, #tpu.memory_space<vmem>>
    %dma_wait3A_2507 = tpu.memref_squeeze %dma_wait3A_2506 : memref<1x1x128xf32, #tpu.memory_space<vmem>> -> memref<128xf32, #tpu.memory_space<vmem>>
    %dma_wait3A_2508 = arith.constant 0 : i32
    %dma_wait3A_2509 = tpu.memref_slice %arg6[%dma_wait3A_2501, %dma_wait3A_2502, %dma_wait3A_2508] : memref<4x6x128xi32, #tpu.memory_space<vmem>> -> memref<1x1x128xi32, #tpu.memory_space<vmem>>
    %dma_wait3A_2510 = tpu.memref_squeeze %dma_wait3A_2509 : memref<1x1x128xi32, #tpu.memory_space<vmem>> -> memref<128xi32, #tpu.memory_space<vmem>>
    %dma_wait3A_2511 = arith.constant 0 : i32
    %dma_wait3A_2512 = tpu.memref_slice %arg3[%dma_wait3A_2511] : memref<600000xf32, #tpu.memory_space<hbm>> -> memref<600000xf32, #tpu.memory_space<hbm>>
    tpu.wait_indirect_dma semaphore(%arg10 : memref<!tpu.dma_semaphore, #tpu.memory_space<semaphore_mem>>) src(%dma_wait3A_2512 : memref<600000xf32, #tpu.memory_space<hbm>>) dst(%dma_wait3A_2507 : memref<128xf32, #tpu.memory_space<vmem>>)
    %dma_wait3A_2513 = arith.constant 2 : i32
    %dma_wait3A_2514 = arith.constant 2 : i32
    %dma_wait3A_2515 = arith.constant 2 : i32
    %dma_wait3A_2516 = arith.constant 2 : i32
    %dma_wait3A_2517 = arith.constant 0 : i32
    %dma_wait3A_2518 = tpu.memref_slice %arg7[%dma_wait3A_2515, %dma_wait3A_2516, %dma_wait3A_2517] : memref<4x8x128xf32, #tpu.memory_space<vmem>> -> memref<1x1x128xf32, #tpu.memory_space<vmem>>
    %dma_wait3A_2519 = tpu.memref_squeeze %dma_wait3A_2518 : memref<1x1x128xf32, #tpu.memory_space<vmem>> -> memref<128xf32, #tpu.memory_space<vmem>>
    %dma_wait3A_2520 = arith.constant 0 : i32
    %dma_wait3A_2521 = tpu.memref_slice %arg6[%dma_wait3A_2513, %dma_wait3A_2514, %dma_wait3A_2520] : memref<4x6x128xi32, #tpu.memory_space<vmem>> -> memref<1x1x128xi32, #tpu.memory_space<vmem>>
    %dma_wait3A_2522 = tpu.memref_squeeze %dma_wait3A_2521 : memref<1x1x128xi32, #tpu.memory_space<vmem>> -> memref<128xi32, #tpu.memory_space<vmem>>
    %dma_wait3A_2523 = arith.constant 0 : i32
    %dma_wait3A_2524 = tpu.memref_slice %arg3[%dma_wait3A_2523] : memref<600000xf32, #tpu.memory_space<hbm>> -> memref<600000xf32, #tpu.memory_space<hbm>>
    tpu.wait_indirect_dma semaphore(%arg10 : memref<!tpu.dma_semaphore, #tpu.memory_space<semaphore_mem>>) src(%dma_wait3A_2524 : memref<600000xf32, #tpu.memory_space<hbm>>) dst(%dma_wait3A_2519 : memref<128xf32, #tpu.memory_space<vmem>>)
    %dma_wait3A_2525 = arith.constant 2 : i32
    %dma_wait3A_2526 = arith.constant 3 : i32
    %dma_wait3A_2527 = arith.constant 2 : i32
    %dma_wait3A_2528 = arith.constant 3 : i32
    %dma_wait3A_2529 = arith.constant 0 : i32
    %dma_wait3A_2530 = tpu.memref_slice %arg7[%dma_wait3A_2527, %dma_wait3A_2528, %dma_wait3A_2529] : memref<4x8x128xf32, #tpu.memory_space<vmem>> -> memref<1x1x128xf32, #tpu.memory_space<vmem>>
    %dma_wait3A_2531 = tpu.memref_squeeze %dma_wait3A_2530 : memref<1x1x128xf32, #tpu.memory_space<vmem>> -> memref<128xf32, #tpu.memory_space<vmem>>
    %dma_wait3A_2532 = arith.constant 0 : i32
    %dma_wait3A_2533 = tpu.memref_slice %arg6[%dma_wait3A_2525, %dma_wait3A_2526, %dma_wait3A_2532] : memref<4x6x128xi32, #tpu.memory_space<vmem>> -> memref<1x1x128xi32, #tpu.memory_space<vmem>>
    %dma_wait3A_2534 = tpu.memref_squeeze %dma_wait3A_2533 : memref<1x1x128xi32, #tpu.memory_space<vmem>> -> memref<128xi32, #tpu.memory_space<vmem>>
    %dma_wait3A_2535 = arith.constant 0 : i32
    %dma_wait3A_2536 = tpu.memref_slice %arg3[%dma_wait3A_2535] : memref<600000xf32, #tpu.memory_space<hbm>> -> memref<600000xf32, #tpu.memory_space<hbm>>
    tpu.wait_indirect_dma semaphore(%arg10 : memref<!tpu.dma_semaphore, #tpu.memory_space<semaphore_mem>>) src(%dma_wait3A_2536 : memref<600000xf32, #tpu.memory_space<hbm>>) dst(%dma_wait3A_2531 : memref<128xf32, #tpu.memory_space<vmem>>)
    %dma_wait3A_2537 = arith.constant 2 : i32
    %dma_wait3A_2538 = arith.constant 4 : i32
    %dma_wait3A_2539 = arith.constant 2 : i32
    %dma_wait3A_2540 = arith.constant 4 : i32
    %dma_wait3A_2541 = arith.constant 0 : i32
    %dma_wait3A_2542 = tpu.memref_slice %arg7[%dma_wait3A_2539, %dma_wait3A_2540, %dma_wait3A_2541] : memref<4x8x128xf32, #tpu.memory_space<vmem>> -> memref<1x1x128xf32, #tpu.memory_space<vmem>>
    %dma_wait3A_2543 = tpu.memref_squeeze %dma_wait3A_2542 : memref<1x1x128xf32, #tpu.memory_space<vmem>> -> memref<128xf32, #tpu.memory_space<vmem>>
    %dma_wait3A_2544 = arith.constant 0 : i32
    %dma_wait3A_2545 = tpu.memref_slice %arg6[%dma_wait3A_2537, %dma_wait3A_2538, %dma_wait3A_2544] : memref<4x6x128xi32, #tpu.memory_space<vmem>> -> memref<1x1x128xi32, #tpu.memory_space<vmem>>
    %dma_wait3A_2546 = tpu.memref_squeeze %dma_wait3A_2545 : memref<1x1x128xi32, #tpu.memory_space<vmem>> -> memref<128xi32, #tpu.memory_space<vmem>>
    %dma_wait3A_2547 = arith.constant 0 : i32
    %dma_wait3A_2548 = tpu.memref_slice %arg3[%dma_wait3A_2547] : memref<600000xf32, #tpu.memory_space<hbm>> -> memref<600000xf32, #tpu.memory_space<hbm>>
    tpu.wait_indirect_dma semaphore(%arg10 : memref<!tpu.dma_semaphore, #tpu.memory_space<semaphore_mem>>) src(%dma_wait3A_2548 : memref<600000xf32, #tpu.memory_space<hbm>>) dst(%dma_wait3A_2543 : memref<128xf32, #tpu.memory_space<vmem>>)
    %dma_wait3A_2549 = arith.constant 2 : i32
    %dma_wait3A_2550 = arith.constant 5 : i32
    %dma_wait3A_2551 = arith.constant 2 : i32
    %dma_wait3A_2552 = arith.constant 5 : i32
    %dma_wait3A_2553 = arith.constant 0 : i32
    %dma_wait3A_2554 = tpu.memref_slice %arg7[%dma_wait3A_2551, %dma_wait3A_2552, %dma_wait3A_2553] : memref<4x8x128xf32, #tpu.memory_space<vmem>> -> memref<1x1x128xf32, #tpu.memory_space<vmem>>
    %dma_wait3A_2555 = tpu.memref_squeeze %dma_wait3A_2554 : memref<1x1x128xf32, #tpu.memory_space<vmem>> -> memref<128xf32, #tpu.memory_space<vmem>>
    %dma_wait3A_2556 = arith.constant 0 : i32
    %dma_wait3A_2557 = tpu.memref_slice %arg6[%dma_wait3A_2549, %dma_wait3A_2550, %dma_wait3A_2556] : memref<4x6x128xi32, #tpu.memory_space<vmem>> -> memref<1x1x128xi32, #tpu.memory_space<vmem>>
    %dma_wait3A_2558 = tpu.memref_squeeze %dma_wait3A_2557 : memref<1x1x128xi32, #tpu.memory_space<vmem>> -> memref<128xi32, #tpu.memory_space<vmem>>
    %dma_wait3A_2559 = arith.constant 0 : i32
    %dma_wait3A_2560 = tpu.memref_slice %arg3[%dma_wait3A_2559] : memref<600000xf32, #tpu.memory_space<hbm>> -> memref<600000xf32, #tpu.memory_space<hbm>>
    tpu.wait_indirect_dma semaphore(%arg10 : memref<!tpu.dma_semaphore, #tpu.memory_space<semaphore_mem>>) src(%dma_wait3A_2560 : memref<600000xf32, #tpu.memory_space<hbm>>) dst(%dma_wait3A_2555 : memref<128xf32, #tpu.memory_space<vmem>>)
    %mul3A_2561 = arith.constant 4 : i32
    %mul3A_2562 = arith.muli %add3A, %mul3A_2561 : i32
    %add3A_2563 = arith.constant 2 : i32
    %add3A_2564 = arith.addi %mul3A_2562, %add3A_2563 : i32
    %dma_start3A_2565 = arith.constant 2 : i32
    %dma_start3A_2566 = arith.constant 0 : i32
    %dma_start3A_2567 = arith.constant 0 : i32
    %dma_start3A_2568 = tpu.memref_slice %arg7[%dma_start3A_2565, %dma_start3A_2566, %dma_start3A_2567] : memref<4x8x128xf32, #tpu.memory_space<vmem>> -> memref<1x8x128xf32, #tpu.memory_space<vmem>>
    %dma_start3A_2569 = tpu.memref_squeeze %dma_start3A_2568 : memref<1x8x128xf32, #tpu.memory_space<vmem>> -> memref<8x128xf32, #tpu.memory_space<vmem>>
    %dma_start3A_2570 = arith.constant 0 : i32
    %dma_start3A_2571 = arith.constant 0 : i32
    %dma_start3A_2572 = tpu.memref_slice %arg4[%add3A_2564, %dma_start3A_2570, %dma_start3A_2571] : memref<128x8x128xf32, #tpu.memory_space<hbm>> -> memref<1x8x128xf32, #tpu.memory_space<hbm>>
    %dma_start3A_2573 = tpu.memref_squeeze %dma_start3A_2572 : memref<1x8x128xf32, #tpu.memory_space<hbm>> -> memref<8x128xf32, #tpu.memory_space<hbm>>
    %dma_start3A_2574 = arith.constant 0 : i32
    %dma_start3A_2575 = arith.constant 0 : i32
    %dma_start3A_2576 = tpu.memref_slice %arg4[%add3A_2564, %dma_start3A_2574, %dma_start3A_2575] : memref<128x8x128xf32, #tpu.memory_space<hbm>> -> memref<1x8x128xf32, #tpu.memory_space<hbm>>
    %dma_start3A_2577 = tpu.memref_squeeze %dma_start3A_2576 : memref<1x8x128xf32, #tpu.memory_space<hbm>> -> memref<8x128xf32, #tpu.memory_space<hbm>>
    %dma_start3A_2578 = arith.constant 0 : i32
    %dma_start3A_2579 = arith.constant 0 : i32
    %dma_start3A_2580 = tpu.memref_slice %arg7[%dma_start3A_2565, %dma_start3A_2578, %dma_start3A_2579] : memref<4x8x128xf32, #tpu.memory_space<vmem>> -> memref<1x8x128xf32, #tpu.memory_space<vmem>>
    %dma_start3A_2581 = tpu.memref_squeeze %dma_start3A_2580 : memref<1x8x128xf32, #tpu.memory_space<vmem>> -> memref<8x128xf32, #tpu.memory_space<vmem>>
    tpu.enqueue_dma source(%dma_start3A_2581 : memref<8x128xf32, #tpu.memory_space<vmem>>) target(%dma_start3A_2577 : memref<8x128xf32, #tpu.memory_space<hbm>>) target_semaphore(%arg12 : memref<!tpu.dma_semaphore, #tpu.memory_space<semaphore_mem>>)
    %dma_wait3A_2582 = arith.constant 3 : i32
    %dma_wait3A_2583 = arith.constant 0 : i32
    %dma_wait3A_2584 = arith.constant 3 : i32
    %dma_wait3A_2585 = arith.constant 0 : i32
    %dma_wait3A_2586 = arith.constant 0 : i32
    %dma_wait3A_2587 = tpu.memref_slice %arg7[%dma_wait3A_2584, %dma_wait3A_2585, %dma_wait3A_2586] : memref<4x8x128xf32, #tpu.memory_space<vmem>> -> memref<1x1x128xf32, #tpu.memory_space<vmem>>
    %dma_wait3A_2588 = tpu.memref_squeeze %dma_wait3A_2587 : memref<1x1x128xf32, #tpu.memory_space<vmem>> -> memref<128xf32, #tpu.memory_space<vmem>>
    %dma_wait3A_2589 = arith.constant 0 : i32
    %dma_wait3A_2590 = tpu.memref_slice %arg6[%dma_wait3A_2582, %dma_wait3A_2583, %dma_wait3A_2589] : memref<4x6x128xi32, #tpu.memory_space<vmem>> -> memref<1x1x128xi32, #tpu.memory_space<vmem>>
    %dma_wait3A_2591 = tpu.memref_squeeze %dma_wait3A_2590 : memref<1x1x128xi32, #tpu.memory_space<vmem>> -> memref<128xi32, #tpu.memory_space<vmem>>
    %dma_wait3A_2592 = arith.constant 0 : i32
    %dma_wait3A_2593 = tpu.memref_slice %arg3[%dma_wait3A_2592] : memref<600000xf32, #tpu.memory_space<hbm>> -> memref<600000xf32, #tpu.memory_space<hbm>>
    tpu.wait_indirect_dma semaphore(%arg11 : memref<!tpu.dma_semaphore, #tpu.memory_space<semaphore_mem>>) src(%dma_wait3A_2593 : memref<600000xf32, #tpu.memory_space<hbm>>) dst(%dma_wait3A_2588 : memref<128xf32, #tpu.memory_space<vmem>>)
    %dma_wait3A_2594 = arith.constant 3 : i32
    %dma_wait3A_2595 = arith.constant 1 : i32
    %dma_wait3A_2596 = arith.constant 3 : i32
    %dma_wait3A_2597 = arith.constant 1 : i32
    %dma_wait3A_2598 = arith.constant 0 : i32
    %dma_wait3A_2599 = tpu.memref_slice %arg7[%dma_wait3A_2596, %dma_wait3A_2597, %dma_wait3A_2598] : memref<4x8x128xf32, #tpu.memory_space<vmem>> -> memref<1x1x128xf32, #tpu.memory_space<vmem>>
    %dma_wait3A_2600 = tpu.memref_squeeze %dma_wait3A_2599 : memref<1x1x128xf32, #tpu.memory_space<vmem>> -> memref<128xf32, #tpu.memory_space<vmem>>
    %dma_wait3A_2601 = arith.constant 0 : i32
    %dma_wait3A_2602 = tpu.memref_slice %arg6[%dma_wait3A_2594, %dma_wait3A_2595, %dma_wait3A_2601] : memref<4x6x128xi32, #tpu.memory_space<vmem>> -> memref<1x1x128xi32, #tpu.memory_space<vmem>>
    %dma_wait3A_2603 = tpu.memref_squeeze %dma_wait3A_2602 : memref<1x1x128xi32, #tpu.memory_space<vmem>> -> memref<128xi32, #tpu.memory_space<vmem>>
    %dma_wait3A_2604 = arith.constant 0 : i32
    %dma_wait3A_2605 = tpu.memref_slice %arg3[%dma_wait3A_2604] : memref<600000xf32, #tpu.memory_space<hbm>> -> memref<600000xf32, #tpu.memory_space<hbm>>
    tpu.wait_indirect_dma semaphore(%arg11 : memref<!tpu.dma_semaphore, #tpu.memory_space<semaphore_mem>>) src(%dma_wait3A_2605 : memref<600000xf32, #tpu.memory_space<hbm>>) dst(%dma_wait3A_2600 : memref<128xf32, #tpu.memory_space<vmem>>)
    %dma_wait3A_2606 = arith.constant 3 : i32
    %dma_wait3A_2607 = arith.constant 2 : i32
    %dma_wait3A_2608 = arith.constant 3 : i32
    %dma_wait3A_2609 = arith.constant 2 : i32
    %dma_wait3A_2610 = arith.constant 0 : i32
    %dma_wait3A_2611 = tpu.memref_slice %arg7[%dma_wait3A_2608, %dma_wait3A_2609, %dma_wait3A_2610] : memref<4x8x128xf32, #tpu.memory_space<vmem>> -> memref<1x1x128xf32, #tpu.memory_space<vmem>>
    %dma_wait3A_2612 = tpu.memref_squeeze %dma_wait3A_2611 : memref<1x1x128xf32, #tpu.memory_space<vmem>> -> memref<128xf32, #tpu.memory_space<vmem>>
    %dma_wait3A_2613 = arith.constant 0 : i32
    %dma_wait3A_2614 = tpu.memref_slice %arg6[%dma_wait3A_2606, %dma_wait3A_2607, %dma_wait3A_2613] : memref<4x6x128xi32, #tpu.memory_space<vmem>> -> memref<1x1x128xi32, #tpu.memory_space<vmem>>
    %dma_wait3A_2615 = tpu.memref_squeeze %dma_wait3A_2614 : memref<1x1x128xi32, #tpu.memory_space<vmem>> -> memref<128xi32, #tpu.memory_space<vmem>>
    %dma_wait3A_2616 = arith.constant 0 : i32
    %dma_wait3A_2617 = tpu.memref_slice %arg3[%dma_wait3A_2616] : memref<600000xf32, #tpu.memory_space<hbm>> -> memref<600000xf32, #tpu.memory_space<hbm>>
    tpu.wait_indirect_dma semaphore(%arg11 : memref<!tpu.dma_semaphore, #tpu.memory_space<semaphore_mem>>) src(%dma_wait3A_2617 : memref<600000xf32, #tpu.memory_space<hbm>>) dst(%dma_wait3A_2612 : memref<128xf32, #tpu.memory_space<vmem>>)
    %dma_wait3A_2618 = arith.constant 3 : i32
    %dma_wait3A_2619 = arith.constant 3 : i32
    %dma_wait3A_2620 = arith.constant 3 : i32
    %dma_wait3A_2621 = arith.constant 3 : i32
    %dma_wait3A_2622 = arith.constant 0 : i32
    %dma_wait3A_2623 = tpu.memref_slice %arg7[%dma_wait3A_2620, %dma_wait3A_2621, %dma_wait3A_2622] : memref<4x8x128xf32, #tpu.memory_space<vmem>> -> memref<1x1x128xf32, #tpu.memory_space<vmem>>
    %dma_wait3A_2624 = tpu.memref_squeeze %dma_wait3A_2623 : memref<1x1x128xf32, #tpu.memory_space<vmem>> -> memref<128xf32, #tpu.memory_space<vmem>>
    %dma_wait3A_2625 = arith.constant 0 : i32
    %dma_wait3A_2626 = tpu.memref_slice %arg6[%dma_wait3A_2618, %dma_wait3A_2619, %dma_wait3A_2625] : memref<4x6x128xi32, #tpu.memory_space<vmem>> -> memref<1x1x128xi32, #tpu.memory_space<vmem>>
    %dma_wait3A_2627 = tpu.memref_squeeze %dma_wait3A_2626 : memref<1x1x128xi32, #tpu.memory_space<vmem>> -> memref<128xi32, #tpu.memory_space<vmem>>
    %dma_wait3A_2628 = arith.constant 0 : i32
    %dma_wait3A_2629 = tpu.memref_slice %arg3[%dma_wait3A_2628] : memref<600000xf32, #tpu.memory_space<hbm>> -> memref<600000xf32, #tpu.memory_space<hbm>>
    tpu.wait_indirect_dma semaphore(%arg11 : memref<!tpu.dma_semaphore, #tpu.memory_space<semaphore_mem>>) src(%dma_wait3A_2629 : memref<600000xf32, #tpu.memory_space<hbm>>) dst(%dma_wait3A_2624 : memref<128xf32, #tpu.memory_space<vmem>>)
    %dma_wait3A_2630 = arith.constant 3 : i32
    %dma_wait3A_2631 = arith.constant 4 : i32
    %dma_wait3A_2632 = arith.constant 3 : i32
    %dma_wait3A_2633 = arith.constant 4 : i32
    %dma_wait3A_2634 = arith.constant 0 : i32
    %dma_wait3A_2635 = tpu.memref_slice %arg7[%dma_wait3A_2632, %dma_wait3A_2633, %dma_wait3A_2634] : memref<4x8x128xf32, #tpu.memory_space<vmem>> -> memref<1x1x128xf32, #tpu.memory_space<vmem>>
    %dma_wait3A_2636 = tpu.memref_squeeze %dma_wait3A_2635 : memref<1x1x128xf32, #tpu.memory_space<vmem>> -> memref<128xf32, #tpu.memory_space<vmem>>
    %dma_wait3A_2637 = arith.constant 0 : i32
    %dma_wait3A_2638 = tpu.memref_slice %arg6[%dma_wait3A_2630, %dma_wait3A_2631, %dma_wait3A_2637] : memref<4x6x128xi32, #tpu.memory_space<vmem>> -> memref<1x1x128xi32, #tpu.memory_space<vmem>>
    %dma_wait3A_2639 = tpu.memref_squeeze %dma_wait3A_2638 : memref<1x1x128xi32, #tpu.memory_space<vmem>> -> memref<128xi32, #tpu.memory_space<vmem>>
    %dma_wait3A_2640 = arith.constant 0 : i32
    %dma_wait3A_2641 = tpu.memref_slice %arg3[%dma_wait3A_2640] : memref<600000xf32, #tpu.memory_space<hbm>> -> memref<600000xf32, #tpu.memory_space<hbm>>
    tpu.wait_indirect_dma semaphore(%arg11 : memref<!tpu.dma_semaphore, #tpu.memory_space<semaphore_mem>>) src(%dma_wait3A_2641 : memref<600000xf32, #tpu.memory_space<hbm>>) dst(%dma_wait3A_2636 : memref<128xf32, #tpu.memory_space<vmem>>)
    %dma_wait3A_2642 = arith.constant 3 : i32
    %dma_wait3A_2643 = arith.constant 5 : i32
    %dma_wait3A_2644 = arith.constant 3 : i32
    %dma_wait3A_2645 = arith.constant 5 : i32
    %dma_wait3A_2646 = arith.constant 0 : i32
    %dma_wait3A_2647 = tpu.memref_slice %arg7[%dma_wait3A_2644, %dma_wait3A_2645, %dma_wait3A_2646] : memref<4x8x128xf32, #tpu.memory_space<vmem>> -> memref<1x1x128xf32, #tpu.memory_space<vmem>>
    %dma_wait3A_2648 = tpu.memref_squeeze %dma_wait3A_2647 : memref<1x1x128xf32, #tpu.memory_space<vmem>> -> memref<128xf32, #tpu.memory_space<vmem>>
    %dma_wait3A_2649 = arith.constant 0 : i32
    %dma_wait3A_2650 = tpu.memref_slice %arg6[%dma_wait3A_2642, %dma_wait3A_2643, %dma_wait3A_2649] : memref<4x6x128xi32, #tpu.memory_space<vmem>> -> memref<1x1x128xi32, #tpu.memory_space<vmem>>
    %dma_wait3A_2651 = tpu.memref_squeeze %dma_wait3A_2650 : memref<1x1x128xi32, #tpu.memory_space<vmem>> -> memref<128xi32, #tpu.memory_space<vmem>>
    %dma_wait3A_2652 = arith.constant 0 : i32
    %dma_wait3A_2653 = tpu.memref_slice %arg3[%dma_wait3A_2652] : memref<600000xf32, #tpu.memory_space<hbm>> -> memref<600000xf32, #tpu.memory_space<hbm>>
    tpu.wait_indirect_dma semaphore(%arg11 : memref<!tpu.dma_semaphore, #tpu.memory_space<semaphore_mem>>) src(%dma_wait3A_2653 : memref<600000xf32, #tpu.memory_space<hbm>>) dst(%dma_wait3A_2648 : memref<128xf32, #tpu.memory_space<vmem>>)
    %mul3A_2654 = arith.constant 4 : i32
    %mul3A_2655 = arith.muli %add3A, %mul3A_2654 : i32
    %add3A_2656 = arith.constant 3 : i32
    %add3A_2657 = arith.addi %mul3A_2655, %add3A_2656 : i32
    %dma_start3A_2658 = arith.constant 3 : i32
    %dma_start3A_2659 = arith.constant 0 : i32
    %dma_start3A_2660 = arith.constant 0 : i32
    %dma_start3A_2661 = tpu.memref_slice %arg7[%dma_start3A_2658, %dma_start3A_2659, %dma_start3A_2660] : memref<4x8x128xf32, #tpu.memory_space<vmem>> -> memref<1x8x128xf32, #tpu.memory_space<vmem>>
    %dma_start3A_2662 = tpu.memref_squeeze %dma_start3A_2661 : memref<1x8x128xf32, #tpu.memory_space<vmem>> -> memref<8x128xf32, #tpu.memory_space<vmem>>
    %dma_start3A_2663 = arith.constant 0 : i32
    %dma_start3A_2664 = arith.constant 0 : i32
    %dma_start3A_2665 = tpu.memref_slice %arg4[%add3A_2657, %dma_start3A_2663, %dma_start3A_2664] : memref<128x8x128xf32, #tpu.memory_space<hbm>> -> memref<1x8x128xf32, #tpu.memory_space<hbm>>
    %dma_start3A_2666 = tpu.memref_squeeze %dma_start3A_2665 : memref<1x8x128xf32, #tpu.memory_space<hbm>> -> memref<8x128xf32, #tpu.memory_space<hbm>>
    %dma_start3A_2667 = arith.constant 0 : i32
    %dma_start3A_2668 = arith.constant 0 : i32
    %dma_start3A_2669 = tpu.memref_slice %arg4[%add3A_2657, %dma_start3A_2667, %dma_start3A_2668] : memref<128x8x128xf32, #tpu.memory_space<hbm>> -> memref<1x8x128xf32, #tpu.memory_space<hbm>>
    %dma_start3A_2670 = tpu.memref_squeeze %dma_start3A_2669 : memref<1x8x128xf32, #tpu.memory_space<hbm>> -> memref<8x128xf32, #tpu.memory_space<hbm>>
    %dma_start3A_2671 = arith.constant 0 : i32
    %dma_start3A_2672 = arith.constant 0 : i32
    %dma_start3A_2673 = tpu.memref_slice %arg7[%dma_start3A_2658, %dma_start3A_2671, %dma_start3A_2672] : memref<4x8x128xf32, #tpu.memory_space<vmem>> -> memref<1x8x128xf32, #tpu.memory_space<vmem>>
    %dma_start3A_2674 = tpu.memref_squeeze %dma_start3A_2673 : memref<1x8x128xf32, #tpu.memory_space<vmem>> -> memref<8x128xf32, #tpu.memory_space<vmem>>
    tpu.enqueue_dma source(%dma_start3A_2674 : memref<8x128xf32, #tpu.memory_space<vmem>>) target(%dma_start3A_2670 : memref<8x128xf32, #tpu.memory_space<hbm>>) target_semaphore(%arg12 : memref<!tpu.dma_semaphore, #tpu.memory_space<semaphore_mem>>)
    %dma_wait3A_2675 = arith.constant 0 : i32
    %dma_wait3A_2676 = arith.constant 0 : i32
    %dma_wait3A_2677 = arith.constant 0 : i32
    %dma_wait3A_2678 = tpu.memref_slice %arg7[%dma_wait3A_2675, %dma_wait3A_2676, %dma_wait3A_2677] : memref<4x8x128xf32, #tpu.memory_space<vmem>> -> memref<1x8x128xf32, #tpu.memory_space<vmem>>
    %dma_wait3A_2679 = tpu.memref_squeeze %dma_wait3A_2678 : memref<1x8x128xf32, #tpu.memory_space<vmem>> -> memref<8x128xf32, #tpu.memory_space<vmem>>
    %dma_wait3A_2680 = arith.constant 0 : i32
    %dma_wait3A_2681 = arith.constant 0 : i32
    %dma_wait3A_2682 = tpu.memref_slice %arg4[%add3A_2378, %dma_wait3A_2680, %dma_wait3A_2681] : memref<128x8x128xf32, #tpu.memory_space<hbm>> -> memref<1x8x128xf32, #tpu.memory_space<hbm>>
    %dma_wait3A_2683 = tpu.memref_squeeze %dma_wait3A_2682 : memref<1x8x128xf32, #tpu.memory_space<hbm>> -> memref<8x128xf32, #tpu.memory_space<hbm>>
    %dma_wait3A_2684 = arith.constant 0 : i32
    %dma_wait3A_2685 = arith.constant 0 : i32
    %dma_wait3A_2686 = tpu.memref_slice %arg4[%add3A_2378, %dma_wait3A_2684, %dma_wait3A_2685] : memref<128x8x128xf32, #tpu.memory_space<hbm>> -> memref<1x8x128xf32, #tpu.memory_space<hbm>>
    %dma_wait3A_2687 = tpu.memref_squeeze %dma_wait3A_2686 : memref<1x8x128xf32, #tpu.memory_space<hbm>> -> memref<8x128xf32, #tpu.memory_space<hbm>>
    %dma_wait3A_2688 = arith.constant 0 : i32
    %dma_wait3A_2689 = arith.constant 0 : i32
    %dma_wait3A_2690 = tpu.memref_slice %arg7[%dma_wait3A_2675, %dma_wait3A_2688, %dma_wait3A_2689] : memref<4x8x128xf32, #tpu.memory_space<vmem>> -> memref<1x8x128xf32, #tpu.memory_space<vmem>>
    %dma_wait3A_2691 = tpu.memref_squeeze %dma_wait3A_2690 : memref<1x8x128xf32, #tpu.memory_space<vmem>> -> memref<8x128xf32, #tpu.memory_space<vmem>>
    tpu.wait_dma2 semaphore(%arg12 : memref<!tpu.dma_semaphore, #tpu.memory_space<semaphore_mem>>) src(%dma_wait3A_2691 : memref<8x128xf32, #tpu.memory_space<vmem>>) dst(%dma_wait3A_2687 : memref<8x128xf32, #tpu.memory_space<hbm>>)
    %dma_wait3A_2692 = arith.constant 1 : i32
    %dma_wait3A_2693 = arith.constant 0 : i32
    %dma_wait3A_2694 = arith.constant 0 : i32
    %dma_wait3A_2695 = tpu.memref_slice %arg7[%dma_wait3A_2692, %dma_wait3A_2693, %dma_wait3A_2694] : memref<4x8x128xf32, #tpu.memory_space<vmem>> -> memref<1x8x128xf32, #tpu.memory_space<vmem>>
    %dma_wait3A_2696 = tpu.memref_squeeze %dma_wait3A_2695 : memref<1x8x128xf32, #tpu.memory_space<vmem>> -> memref<8x128xf32, #tpu.memory_space<vmem>>
    %dma_wait3A_2697 = arith.constant 0 : i32
    %dma_wait3A_2698 = arith.constant 0 : i32
    %dma_wait3A_2699 = tpu.memref_slice %arg4[%add3A_2471, %dma_wait3A_2697, %dma_wait3A_2698] : memref<128x8x128xf32, #tpu.memory_space<hbm>> -> memref<1x8x128xf32, #tpu.memory_space<hbm>>
    %dma_wait3A_2700 = tpu.memref_squeeze %dma_wait3A_2699 : memref<1x8x128xf32, #tpu.memory_space<hbm>> -> memref<8x128xf32, #tpu.memory_space<hbm>>
    %dma_wait3A_2701 = arith.constant 0 : i32
    %dma_wait3A_2702 = arith.constant 0 : i32
    %dma_wait3A_2703 = tpu.memref_slice %arg4[%add3A_2471, %dma_wait3A_2701, %dma_wait3A_2702] : memref<128x8x128xf32, #tpu.memory_space<hbm>> -> memref<1x8x128xf32, #tpu.memory_space<hbm>>
    %dma_wait3A_2704 = tpu.memref_squeeze %dma_wait3A_2703 : memref<1x8x128xf32, #tpu.memory_space<hbm>> -> memref<8x128xf32, #tpu.memory_space<hbm>>
    %dma_wait3A_2705 = arith.constant 0 : i32
    %dma_wait3A_2706 = arith.constant 0 : i32
    %dma_wait3A_2707 = tpu.memref_slice %arg7[%dma_wait3A_2692, %dma_wait3A_2705, %dma_wait3A_2706] : memref<4x8x128xf32, #tpu.memory_space<vmem>> -> memref<1x8x128xf32, #tpu.memory_space<vmem>>
    %dma_wait3A_2708 = tpu.memref_squeeze %dma_wait3A_2707 : memref<1x8x128xf32, #tpu.memory_space<vmem>> -> memref<8x128xf32, #tpu.memory_space<vmem>>
    tpu.wait_dma2 semaphore(%arg12 : memref<!tpu.dma_semaphore, #tpu.memory_space<semaphore_mem>>) src(%dma_wait3A_2708 : memref<8x128xf32, #tpu.memory_space<vmem>>) dst(%dma_wait3A_2704 : memref<8x128xf32, #tpu.memory_space<hbm>>)
    %dma_wait3A_2709 = arith.constant 2 : i32
    %dma_wait3A_2710 = arith.constant 0 : i32
    %dma_wait3A_2711 = arith.constant 0 : i32
    %dma_wait3A_2712 = tpu.memref_slice %arg7[%dma_wait3A_2709, %dma_wait3A_2710, %dma_wait3A_2711] : memref<4x8x128xf32, #tpu.memory_space<vmem>> -> memref<1x8x128xf32, #tpu.memory_space<vmem>>
    %dma_wait3A_2713 = tpu.memref_squeeze %dma_wait3A_2712 : memref<1x8x128xf32, #tpu.memory_space<vmem>> -> memref<8x128xf32, #tpu.memory_space<vmem>>
    %dma_wait3A_2714 = arith.constant 0 : i32
    %dma_wait3A_2715 = arith.constant 0 : i32
    %dma_wait3A_2716 = tpu.memref_slice %arg4[%add3A_2564, %dma_wait3A_2714, %dma_wait3A_2715] : memref<128x8x128xf32, #tpu.memory_space<hbm>> -> memref<1x8x128xf32, #tpu.memory_space<hbm>>
    %dma_wait3A_2717 = tpu.memref_squeeze %dma_wait3A_2716 : memref<1x8x128xf32, #tpu.memory_space<hbm>> -> memref<8x128xf32, #tpu.memory_space<hbm>>
    %dma_wait3A_2718 = arith.constant 0 : i32
    %dma_wait3A_2719 = arith.constant 0 : i32
    %dma_wait3A_2720 = tpu.memref_slice %arg4[%add3A_2564, %dma_wait3A_2718, %dma_wait3A_2719] : memref<128x8x128xf32, #tpu.memory_space<hbm>> -> memref<1x8x128xf32, #tpu.memory_space<hbm>>
    %dma_wait3A_2721 = tpu.memref_squeeze %dma_wait3A_2720 : memref<1x8x128xf32, #tpu.memory_space<hbm>> -> memref<8x128xf32, #tpu.memory_space<hbm>>
    %dma_wait3A_2722 = arith.constant 0 : i32
    %dma_wait3A_2723 = arith.constant 0 : i32
    %dma_wait3A_2724 = tpu.memref_slice %arg7[%dma_wait3A_2709, %dma_wait3A_2722, %dma_wait3A_2723] : memref<4x8x128xf32, #tpu.memory_space<vmem>> -> memref<1x8x128xf32, #tpu.memory_space<vmem>>
    %dma_wait3A_2725 = tpu.memref_squeeze %dma_wait3A_2724 : memref<1x8x128xf32, #tpu.memory_space<vmem>> -> memref<8x128xf32, #tpu.memory_space<vmem>>
    tpu.wait_dma2 semaphore(%arg12 : memref<!tpu.dma_semaphore, #tpu.memory_space<semaphore_mem>>) src(%dma_wait3A_2725 : memref<8x128xf32, #tpu.memory_space<vmem>>) dst(%dma_wait3A_2721 : memref<8x128xf32, #tpu.memory_space<hbm>>)
    %dma_wait3A_2726 = arith.constant 3 : i32
    %dma_wait3A_2727 = arith.constant 0 : i32
    %dma_wait3A_2728 = arith.constant 0 : i32
    %dma_wait3A_2729 = tpu.memref_slice %arg7[%dma_wait3A_2726, %dma_wait3A_2727, %dma_wait3A_2728] : memref<4x8x128xf32, #tpu.memory_space<vmem>> -> memref<1x8x128xf32, #tpu.memory_space<vmem>>
    %dma_wait3A_2730 = tpu.memref_squeeze %dma_wait3A_2729 : memref<1x8x128xf32, #tpu.memory_space<vmem>> -> memref<8x128xf32, #tpu.memory_space<vmem>>
    %dma_wait3A_2731 = arith.constant 0 : i32
    %dma_wait3A_2732 = arith.constant 0 : i32
    %dma_wait3A_2733 = tpu.memref_slice %arg4[%add3A_2657, %dma_wait3A_2731, %dma_wait3A_2732] : memref<128x8x128xf32, #tpu.memory_space<hbm>> -> memref<1x8x128xf32, #tpu.memory_space<hbm>>
    %dma_wait3A_2734 = tpu.memref_squeeze %dma_wait3A_2733 : memref<1x8x128xf32, #tpu.memory_space<hbm>> -> memref<8x128xf32, #tpu.memory_space<hbm>>
    %dma_wait3A_2735 = arith.constant 0 : i32
    %dma_wait3A_2736 = arith.constant 0 : i32
    %dma_wait3A_2737 = tpu.memref_slice %arg4[%add3A_2657, %dma_wait3A_2735, %dma_wait3A_2736] : memref<128x8x128xf32, #tpu.memory_space<hbm>> -> memref<1x8x128xf32, #tpu.memory_space<hbm>>
    %dma_wait3A_2738 = tpu.memref_squeeze %dma_wait3A_2737 : memref<1x8x128xf32, #tpu.memory_space<hbm>> -> memref<8x128xf32, #tpu.memory_space<hbm>>
    %dma_wait3A_2739 = arith.constant 0 : i32
    %dma_wait3A_2740 = arith.constant 0 : i32
    %dma_wait3A_2741 = tpu.memref_slice %arg7[%dma_wait3A_2726, %dma_wait3A_2739, %dma_wait3A_2740] : memref<4x8x128xf32, #tpu.memory_space<vmem>> -> memref<1x8x128xf32, #tpu.memory_space<vmem>>
    %dma_wait3A_2742 = tpu.memref_squeeze %dma_wait3A_2741 : memref<1x8x128xf32, #tpu.memory_space<vmem>> -> memref<8x128xf32, #tpu.memory_space<vmem>>
    tpu.wait_dma2 semaphore(%arg12 : memref<!tpu.dma_semaphore, #tpu.memory_space<semaphore_mem>>) src(%dma_wait3A_2742 : memref<8x128xf32, #tpu.memory_space<vmem>>) dst(%dma_wait3A_2738 : memref<8x128xf32, #tpu.memory_space<hbm>>)
    return
  }
}

</mosaic_0001>

<sc_bundles>
// kernel: kernel.3.cloned.1.call-start
scs
__scs_entry_jumppad:
0x0: {  	(pc) =	sbr.rel $0x88, $3  }
0x1: {  	(tag) =	ssettag $0x0;
	lr =	simm.s32 $0x1  }
0x2: {  	[smem:$0x3F9F] =	sst lr;
	_ =	strace $0xD0000000  }
0x3: {  	_ = 	snop  }
0x4: {  	_ = 	snop  }
0x5: {  	_ = 	snop  }
0x6: {  	_ = 	snop  }
0x7: {  	_ = 	snop  }
__scs_overlays_trampoline_lowered:
0x8: {  	[smem:$0x3FAE] =	sst s0  }
0x9: {  	[smem:$0x3FAF] =	sst s1  }
0xa: {  	[smem:$0x3FB0] =	sst s2  }
0xb: {  	[smem:$0x3FB1] =	sst s3  }
0xc: {  	[smem:$0x3FB2] =	sst s4  }
0xd: {  	[smem:$0x3FB3] =	sst s5  }
0xe: {  	[smem:$0x3FB4] =	sst s6  }
0xf: {  	[smem:$0x3FB5] =	sst s7  }
0x10: {  	[smem:$0x3FB6] =	sst s8  }
0x11: {  	[smem:$0x3FB7] =	sst s9;
	s0 =	simm.s32 @!p0 $0x0  }
0x12: {  	s1 =	sld [smem:$0x3F9D];
	s0 =	simm.s32 @p0 $0x1  }
0x13: {  	[smem:$0x3FB8] =	sst s0;
	s0 =	simm.s32 @!p1 $0x0  }
0x14: {  	s2 =	sld [smem:$0x3F9C];
	s0 =	simm.s32 @p1 $0x1  }
0x15: {  	[smem:$0x3FB9] =	sst s0;
	s0 =	simm.s32 @!p2 $0x0  }
0x16: {  	s3 =	sld [smem:$0x3FDB];
	s0 =	simm.s32 @p2 $0x1  }
0x17: {  	s4 =	simm.s32 $0x1BF5;
	[smem:$0x3FBB] =	sst s0  }
0x18: {  	s0 =	sld [smem:$0x3F9E];
	_ =	swait.ge [sflag:s4], $0x0  }
0x19: {  	s7 =	sld [smem:$0x3F9F]  }
0x1a: {  	s8 =	sadd.s32 $0xFFFFE003, lr  }
0x1b: {  	s9 =	sadd.s32 $0xFFFFFEF7, lr;
	s5 =	simm.s32 $0xFFFFFFFF;
	p2 =	slt.u32 s8, $0xFFFFF086  }
0x1c: {  	p1 =	slt.u32 s9, $0xF7A;
	s5 =	simm.s32 @!p2 $0x0  }
0x1d: {  	s5 =	simm.s32 @p1 $0x1;
	p0 =	seq.s32 s7, s2  }
0x1e: {  	s7 =	smul.u32 @!p0 $0xF7A, s2;
	p2 =	seq.s32 @!p0 s5, $0x0  }
0x1f: {  	s9 =	smul.u32 $0xF7A, s1;
	s8 =	simm.s32 @!p0 $0x1BF5;
	p2 =	por !p2, p0  }
0x20: {  	[sflag:s8] =	ssyncset.s32 @!p0 $0xFFFFF086;
	s6 =	sadd.s32 @!p0 s3, s7;
	s7 =	simm.s32 @!p0 $0x108  }
0x21: {  	s3 =	sadd.s32 s3, s9;
	s6 =	sadd.s32 @!p0 $0x88, s6;
	s7 =	simm.s32 @p2 $0x1082  }
0x22: {  	[simem:s7], [sflag:s8] =	dma.local @!p0 [hbm:s6], $0xF7A  }
0x23: {  	s9 =	sor.u32 $0xD0000000, s2;
	s6 =	simm.s32 $0x108;
	_ =	swait.ge @!p0 [sflag:s8], $0x0  }
0x24: {  	s3 =	sadd.s32 $0x88, s3;
	s6 =	simm.s32 @!p1 $0x1082;
	[sflag:s4] =	ssyncset.s32 $0xFFFFF086  }
0x25: {  	[simem:s6], [sflag:s4] =	dma.local [hbm:s3], $0xF7A  }
0x26: {  	[smem:$0x3F9F] =	sst s1;
	(tag) =	ssettag s2;
	_ =	strace s9  }
0x27: {  	s1 =	sld [smem:$0x3FAF]  }
0x28: {  	s2 =	sld [smem:$0x3FB0]  }
0x29: {  	s4 =	sld [smem:$0x3FB2]  }
0x2a: {  	p0 =	seq.s32 s5, $0x0;
	s5 =	sld [smem:$0x3FB3]  }
0x2b: {  	s6 =	sld [smem:$0x3FB4]  }
0x2c: {  	s7 =	sld [smem:$0x3FB5]  }
0x2d: {  	s3 =	simm.s32 $0x108;
	s8 =	sld [smem:$0x3FB6]  }
0x2e: {  	s3 =	simm.s32 @!p0 $0x1082;
	s9 =	sld [smem:$0x3FB7]  }
0x2f: {  	lr =	sadd.s32 s0, s3;
	s0 =	sld [smem:$0x3FAE]  }
0x30: {  	s3 =	sld [smem:$0x3FB1]  }
0x31: {  	[smem:$0x3FBA] =	sst s10  }
0x32: {  	s10 =	sld [smem:$0x3FB8];
	_ =	sdelay $0x3  }
0x33: {  	p0 =	seq.s32 s10, $0x1;
	s10 =	sld [smem:$0x3FBA];
	_ =	sdelay $0x3  }
0x34: {  	[smem:$0x3FBA] =	sst s10  }
0x35: {  	s10 =	sld [smem:$0x3FB9];
	_ =	sdelay $0x3  }
0x36: {  	p1 =	seq.s32 s10, $0x1;
	s10 =	sld [smem:$0x3FBA];
	_ =	sdelay $0x3  }
0x37: {  	[smem:$0x3FBA] =	sst s10  }
0x38: {  	s10 =	sld [smem:$0x3FBB]  }
0x39: {  	_ = 	snop;
	(pc) =	sbr.ind lr, $3  }
0x3a: {  	_ = 	snop  }
0x3b: {  	_ = 	snop  }
0x3c: {  	p2 =	seq.s32 s10, $0x1;
	s10 =	sld [smem:$0x3FBA]  }
0x3d: {  	_ =	shalt  }
0x3e: {  	_ =	shalt  }
0x3f: {  	_ =	shalt  }
0x40: {  	_ =	shalt  }
0x41: {  	_ =	shalt  }
0x42: {  	_ =	shalt  }
0x43: {  	_ =	shalt  }
0x44: {  	_ =	shalt  }
0x45: {  	_ =	shalt  }
0x46: {  	_ =	shalt  }
0x47: {  	_ =	shalt  }
0x48: {  	_ =	shalt  }
0x49: {  	_ =	shalt  }
0x4a: {  	_ =	shalt  }
0x4b: {  	_ =	shalt  }
0x4c: {  	_ =	shalt  }
0x4d: {  	_ =	shalt  }
0x4e: {  	_ =	shalt  }
0x4f: {  	_ =	shalt  }
0x50: {  	_ =	shalt  }
0x51: {  	_ =	shalt  }
0x52: {  	_ =	shalt  }
0x53: {  	_ =	shalt  }
0x54: {  	_ =	shalt  }
0x55: {  	_ =	shalt  }
0x56: {  	_ =	shalt  }
0x57: {  	_ =	shalt  }
0x58: {  	_ =	shalt  }
0x59: {  	_ =	shalt  }
0x5a: {  	_ =	shalt  }
0x5b: {  	_ =	shalt  }
0x5c: {  	_ =	shalt  }
0x5d: {  	_ =	shalt  }
0x5e: {  	_ =	shalt  }
0x5f: {  	_ =	shalt  }
0x60: {  	_ =	shalt  }
0x61: {  	_ =	shalt  }
0x62: {  	_ =	shalt  }
0x63: {  	_ =	shalt  }
0x64: {  	_ =	shalt  }
0x65: {  	_ =	shalt  }
0x66: {  	_ =	shalt  }
0x67: {  	_ =	shalt  }
0x68: {  	_ =	shalt  }
0x69: {  	_ =	shalt  }
0x6a: {  	_ =	shalt  }
0x6b: {  	_ =	shalt  }
0x6c: {  	_ =	shalt  }
0x6d: {  	_ =	shalt  }
0x6e: {  	_ =	shalt  }
0x6f: {  	_ =	shalt  }
0x70: {  	_ =	shalt  }
0x71: {  	_ =	shalt  }
0x72: {  	_ =	shalt  }
0x73: {  	_ =	shalt  }
0x74: {  	_ =	shalt  }
0x75: {  	_ =	shalt  }
0x76: {  	_ =	shalt  }
0x77: {  	_ =	shalt  }
0x78: {  	_ =	shalt  }
0x79: {  	_ =	shalt  }
0x7a: {  	_ =	shalt  }
0x7b: {  	_ =	shalt  }
0x7c: {  	_ =	shalt  }
0x7d: {  	_ =	shalt  }
0x7e: {  	_ =	shalt  }
0x7f: {  	_ =	shalt  }
0x80: {  	_ =	shalt  }
0x81: {  	_ =	shalt  }
0x82: {  	_ =	shalt  }
0x83: {  	_ =	shalt  }
0x84: {  	_ =	shalt  }
0x85: {  	_ =	shalt  }
0x86: {  	_ =	shalt  }
0x87: {  	_ =	shalt  }
.Lfunc_end0:
.L_simem_size_0:
called_computation_lowered:
.L_overlay_start_0:
0x88: {  	s2 =	sld [smem:$0x3FD9]  }
0x89: {  	s3 =	sld [smem:$0x3FFE];
	_ =	sdelay $0x1  }
0x8a: {  	s1 =	srdreg.scid  }
0x8b: {  	s0 =	sand.u32 $0x1, s1  }
0x8c: {  	s17 =	sshll.u32 s0, $0xA;
	s2 =	sadd.s32 s3, s2  }
0x8d: {  	s2 =	sadd.s32 s2, s17  }
0x8e: {  	[smem:$0x3FC6] =	sst s2  }
0x8f: {  	_ = 	snop  }
0x90: {  	s2 =	sld [smem:$0x3FC9]  }
0x91: {  	s18 =	sld [smem:$0x3FD0];
	(tm) =	ssettm $0x1  }
0x92: {  	s4 =	sld [smem:$0x3FFB];
	_ =	sdelay $0x3  }
0x93: {  	_ =	strace s4  }
0x94: {  	s4 =	sld [smem:$0x3FFC];
	_ =	sdelay $0x3  }
0x95: {  	_ =	strace s4  }
0x96: {  	s4 =	sld [smem:$0x3FFD];
	_ =	sdelay $0x3  }
0x97: {  	_ =	strace s4  }
0x98: {  	_ =	strace $0x8FFFFFFF  }
0x99: {  	s19 =	sld [smem:$0x3FDB];
	_ =	sdelay $0x1  }
0x9a: {  	s5 =	simm.s32 $_scs_section_size  }
0x9b: {  	s6 =	simm.s32 $_size__tile_overlayer_lowered;
	s7 =	simm.s32 $_tile_overlayer_lowered  }
0x9c: {  	s22 =	simm.s32 $0x1BFF;
	s21 =	sshll.u32 s7, $0x1;
	s4 =	sadd.s32 s5, s19  }
0x9d: {  	s8 =	simm.s32 $0x0;
	s20 =	sshll.u32 s6, $0x1;
	s6 =	sadd.s32 s21, s4  }
0x9e: {  	[timem:s8], [sflag:s22] =	dma.local [hbm:s6], s20  }
0x9f: {  	_ =	swait.ge [sflag:s22], s20  }
0xa0: {  	s5 =	ssub.s32 $0x0, s20;
	[sflag:s22] =	ssyncset.done $0x0  }
0xa1: {  	[sflag:s22] =	ssyncadd.s32 s5;
	_ =	sdelay $0x1  }
0xa2: {  	s23 =	simm.s32 $0x1B8B  }
0xa3: {  	_ =	swait.ge [sflag:s23], $0x1  }
0xa4: {  	[sflag:s23] =	ssyncset.done $0x0  }
0xa5: {  	s25 =	simm.s32 $0x1B8E;
	s24 =	sld [smem:$0x3FFE];
	[sflag:s23] =	ssyncadd.s32 $0xFFFFFFFF  }
0xa6: {  	s26 =	simm.s32 $execute0_lowered;
	[smem:$0x3FD2] =	sst s25  }
0xa7: {  	s6 =	sshll.u32 s26, $0x1;
	_ =	strace $0x80000046;
	[dreg:$0x1] =	wrdreg $0xFFFFFFFF  }
0xa8: {  	s28 =	simm.s32 $_size_execute0_lowered;
	s4 =	sadd.s32 s4, s6;
	[dreg:$0x0] =	wrdreg $0x0  }
0xa9: {  	s6 =	sshll.u32 s28, $0x1;
	[dreg:$0x2] =	wrdreg s4  }
0xaa: {  	[dreg:$0x3] =	wrdreg s6  }
0xab: {  	[dreg:$0x4] =	wrdreg $0xC0  }
0xac: {  	_ =	task [dreg:s8], $0x5FFFF  }
0xad: {  	[dreg:$0x1] =	wrdreg $0xFFFFFFFF  }
0xae: {  	[dreg:$0x0] =	wrdreg $0x60  }
0xaf: {  	[dreg:$0x2] =	wrdreg s2  }
0xb0: {  	[dreg:$0x3] =	wrdreg s24  }
0xb1: {  	[dreg:$0x4] =	wrdreg s18  }
0xb2: {  	[dreg:$0x5] =	wrdreg $0x9  }
0xb3: {  	_ =	task.clear_ibuf [dreg:s8], $0x6FFFF;
	_ =	strace $0x90000046  }
0xb4: {  	s29 =	simm.s32 $0x9;
	_ =	strace $0x80000048  }
0xb5: {  	_ =	swait.ge [sflag:s29], $0x1  }
0xb6: {  	[sflag:s29] =	ssyncadd.s32 $0xFFFFFFFF  }
0xb7: {  	_ =	strace $0x90000048  }
0xb8: {  	_ =	sfence  }
0xb9: {  	s30 =	sld [smem:$0x0];
	_ =	sdelay $0x2  }
0xba: {  	s31 =	sshll.u32 s1, $0xD;
	s1 =	sshrl.u32 s1, $0x2  }
0xbb: {  	s3 =	sand.u32 $0x4000, s31;
	s1 =	sadd.s32 s1, s30  }
0xbc: {  	s0 =	sor.u32 s3, s0;
	s1 =	sshll.u32 s1, $0x11  }
0xbd: {  	s0 =	sor.u32 s1, s0  }
0xbe: {  	s0 =	sadd.s32 $0x8F2B, s0  }
0xbf: {  	[sflag:s0] =	ssyncadd.remote.s32 $0x1  }
0xc0: {  	_ =	sfence.sel $0xFFFF  }
0xc1: {  	[dreg:$0x0] =	wrdreg $0xFFFFFFFF;
	(pc) =	sbr.abs _section_cstart, $3  }
0xc2: {  	[dreg:$0x1] =	wrdreg $0xFFFFFFFF  }
0xc3: {  	_ =	task.clear_ibuf [dreg:s8], $0x2FFFF;
	_ =	strace $0x9FFFFFFF  }
0xc4: {  	(tm) =	ssettm $0x7FFFFFFF  }
0xc5: {  	_ =	shalt  }
tec
execute0_lowered:
.L_overlay_start_1:
0x0: {  	(tag) =	ssettag $0x1  }
0x1: {  	s3 =	rddreg [dreg:$0x0]  }
0x2: {  	s1 =	rddreg [dreg:$0x1];
	s2 =	srdreg.scid  }
0x3: {  	s4 =	rddreg [dreg:$0x2];
	s5 =	sand.u32 $0x1, s2;
	s2 =	simm.s32 $0x0  }
0x4: {  	s19 =	simm.s32 $0x200;
	[smem:$0x7FF] =	sst s2  }
0x5: {  	s20 =	simm.s32 $0x280;
	_ =	strace $0x80000047;
	[dreg:$0x8] =	wrdreg s19  }
0x6: {  	s21 =	simm.s32 $0xE80;
	[dreg:$0x9] =	wrdreg s20  }
0x7: {  	s22 =	simm.s32 $0x300;
	[dreg:$0xa] =	wrdreg s21  }
0x8: {  	s23 =	simm.s32 $0xF00;
	[dreg:$0xb] =	wrdreg s22  }
0x9: {  	s24 =	simm.s32 $0x380;
	[dreg:$0xc] =	wrdreg s23  }
0xa: {  	s25 =	simm.s32 $0xF80;
	[dreg:$0xd] =	wrdreg s24  }
0xb: {  	s0 =	stileid.u32;
	s26 =	simm.s32 $0x400;
	[dreg:$0xe] =	wrdreg s25  }
0xc: {  	s6 =	sshll.u32 s0, $0x1;
	s0 =	simm.s32 $0x1000;
	[dreg:$0xf] =	wrdreg s26  }
0xd: {  	s8 =	simm.s32 $0x500;
	[dreg:$0x10] =	wrdreg s0  }
0xe: {  	s9 =	simm.s32 $0x580;
	s10 =	simm.s32 $0x1280;
	[dreg:$0x13] =	wrdreg s8  }
0xf: {  	s11 =	simm.s32 $0x600;
	s12 =	simm.s32 $0x1300;
	[dreg:$0x14] =	wrdreg s9  }
0x10: {  	s13 =	simm.s32 $0x680;
	s14 =	simm.s32 $0x1380;
	[dreg:$0x15] =	wrdreg s10  }
0x11: {  	s15 =	simm.s32 $0x700;
	s16 =	simm.s32 $0x1400;
	[dreg:$0x16] =	wrdreg s11  }
0x12: {  	s28 =	simm.s32 $0x1;
	s29 =	simm.s32 $0x2;
	[dreg:$0x17] =	wrdreg s12  }
0x13: {  	s30 =	simm.s32 $0x3;
	s31 =	simm.s32 $0x4;
	[dreg:$0x18] =	wrdreg s13  }
0x14: {  	s6 =	sor.u32 s5, s6;
	s5 =	ssub.s32 $0x2, s5;
	[dreg:$0x19] =	wrdreg s14  }
0x15: {  	s7 =	sshll.u32 s6, $0x6;
	s6 =	sshll.u32 s6, $0x9;
	[dreg:$0x1a] =	wrdreg s15  }
0x16: {  	[dreg:$0x1b] =	wrdreg s16;
	s19 =	simm.s32 $0x800;
	s20 =	sshrl.u32 s5, $0x1  }
0x17: {  	s21 =	simm.s32 $0x880;
	s22 =	simm.s32 $0x1680;
	s23 =	simm.s32 $0x900  }
0x18: {  	s24 =	simm.s32 $0x1700;
	s25 =	simm.s32 $0x980;
	s8 =	simm.s32 $0xE00  }
0x19: {  	s26 =	simm.s32 $0x1780;
	s9 =	simm.s32 $0x1200;
	[dreg:$0x1e] =	wrdreg s19  }
0x1a: {  	s10 =	simm.s32 $0x1600;
	s12 =	simm.s32 $0x1800;
	[dreg:$0x1f] =	wrdreg s21  }
0x1b: {  	s13 =	simm.s32 $0xA80;
	s14 =	simm.s32 $0x1880;
	[smem:$0x7F9] =	sst s22  }
0x1c: {  	s15 =	simm.s32 $0xB00;
	s16 =	simm.s32 $0x1A00;
	[smem:$0x7FA] =	sst s23  }
0x1d: {  	s7 =	sadd.s32 s3, s7;
	s3 =	sadd.s32 s4, s6;
	[smem:$0x7FB] =	sst s24  }
0x1e: {  	s6 =	simm.s32 $0x480;
	s5 =	ssub.s32 s5, s20;
	[smem:$0x7FC] =	sst s25  }
0x1f: {  	[smem:$0x7FD] =	sst s26;
	s19 =	simm.s32 $0xC00;
	s20 =	simm.s32 $0x1B00  }
0x20: {  	s21 =	simm.s32 $0xC80;
	s22 =	simm.s32 $0x1B80;
	[dreg:$0x4] =	wrdreg s7  }
0x21: {  	s23 =	simm.s32 $0xD00;
	s4 =	sadd.s32 $0x80, s3;
	[dreg:$0x11] =	wrdreg s6  }
0x22: {  	s24 =	simm.s32 $0x1C00;
	s17 =	sadd.s32 $0x100, s3;
	[dreg:$0x5] =	wrdreg s4  }
0x23: {  	s25 =	simm.s32 $0xD80;
	s18 =	sadd.s32 $0x180, s3;
	[dreg:$0x6] =	wrdreg s17  }
0x24: {  	s26 =	simm.s32 $0x1C80;
	s7 =	simm.s32 $0x1080;
	[dreg:$0x7] =	wrdreg s18  }
0x25: {  	s5 =	smax.u32 s5, $0x1;
	s6 =	simm.s32 $0x6;
	[dreg:$0x12] =	wrdreg s7  }
0x26: {  	s17 =	simm.s32 $0x780;
	s4 =	sadd.s32 $0x400, s1;
	s18 =	simm.s32 $0x1480  }
0x27: {  	s7 =	simm.s32 $0x80;
	s1 =	simm.s32 $0x5;
	[dreg:$0x1c] =	wrdreg s17  }
0x28: {  	[dreg:$0x1d] =	wrdreg s18;
	s17 =	simm.s32 $0xB80;
	s18 =	simm.s32 $0x1A80  }
.LBB2_1:
0x29: {  	s0 =	rddreg [dreg:$0x4]  }
0x2a: {  	[tilespmem:s2], [sflag:$0x6] =	stream.linear.gather [hbm4b:s0+s2], $0x200, $0x38;
	[tilespmem:$0x1E00] =	vst v63  }
0x2b: {  	_ =	swait.ge [sflag:s6], $0x200  }
0x2c: {  	[sflag:s6] =	ssyncset.done $0x0  }
0x2d: {  	[sflag:s6] =	ssyncadd.s32 $0xFFFFFE00  }
0x2e: {  	v0 =	vld [tilespmem:$0x0]  }
0x2f: {  	v1 =	vld [tilespmem:$0x10]  }
0x30: {  	v2 =	vld [tilespmem:$0x20]  }
0x31: {  	v3 =	vld [tilespmem:$0x30]  }
0x32: {  	v4 =	vld [tilespmem:$0x40]  }
0x33: {  	v26 =	vld [tilespmem:$0x50];
	[tilespmem:$0x200] =	vst v0  }
0x34: {  	v27 =	vld [tilespmem:$0x60];
	[tilespmem:$0x210] =	vst v1  }
0x35: {  	v28 =	vld [tilespmem:$0x70];
	[tilespmem:$0x220] =	vst v2  }
0x36: {  	[tilespmem:$0x230] =	vst v3  }
0x37: {  	[tilespmem:$0x240] =	vst v4  }
0x38: {  	[tilespmem:$0x250] =	vst v26  }
0x39: {  	[tilespmem:$0x260] =	vst v27  }
0x3a: {  	s11 =	rddreg [dreg:$0x8];
	[tilespmem:$0x270] =	vst v28  }
0x3b: {  	[tilespmem:s8], [sflag:$0x1] =	stream.indirect.gather [hbm4b:s4+s7], $0x1, s11, s7, $0xb8;
	[tilespmem:$0x1E00] =	vst v63  }
0x3c: {  	v29 =	vld [tilespmem:$0x0]  }
0x3d: {  	v30 =	vld [tilespmem:$0x10]  }
0x3e: {  	v31 =	vld [tilespmem:$0x20]  }
0x3f: {  	v32 =	vld [tilespmem:$0x30]  }
0x40: {  	v33 =	vld [tilespmem:$0x40]  }
0x41: {  	v5 =	vld [tilespmem:$0x50];
	v0 =	vadd.s32 $0x186A0, v29  }
0x42: {  	v35 =	vld [tilespmem:$0x60];
	v34 =	vadd.s32 $0x186A0, v30;
	[tilespmem:$0x280] =	vst v0  }
0x43: {  	v37 =	vld [tilespmem:$0x70];
	v36 =	vadd.s32 $0x186A0, v31;
	[tilespmem:$0x290] =	vst v34  }
0x44: {  	v38 =	vadd.s32 $0x186A0, v32;
	[tilespmem:$0x2A0] =	vst v36  }
0x45: {  	v39 =	vadd.s32 $0x186A0, v33;
	[tilespmem:$0x2B0] =	vst v38  }
0x46: {  	v40 =	vadd.s32 $0x186A0, v5;
	[tilespmem:$0x2C0] =	vst v39  }
0x47: {  	v41 =	vadd.s32 $0x186A0, v35;
	[tilespmem:$0x2D0] =	vst v40  }
0x48: {  	s0 =	rddreg [dreg:$0x9];
	v42 =	vadd.s32 $0x186A0, v37;
	[tilespmem:$0x2E0] =	vst v41  }
0x49: {  	s11 =	rddreg [dreg:$0xa];
	[tilespmem:$0x2F0] =	vst v42  }
0x4a: {  	[tilespmem:s11], [sflag:$0x1] =	stream.indirect.gather [hbm4b:s4+s7], $0x1, s0, s7, $0xb8;
	[tilespmem:$0x1E00] =	vst v63  }
0x4b: {  	v43 =	vld [tilespmem:$0x0]  }
0x4c: {  	v44 =	vld [tilespmem:$0x10]  }
0x4d: {  	v45 =	vld [tilespmem:$0x20]  }
0x4e: {  	v46 =	vld [tilespmem:$0x30]  }
0x4f: {  	v47 =	vld [tilespmem:$0x40]  }
0x50: {  	v48 =	vld [tilespmem:$0x50];
	v0 =	vadd.s32 $0x30D40, v43  }
0x51: {  	v50 =	vld [tilespmem:$0x60];
	v49 =	vadd.s32 $0x30D40, v44;
	[tilespmem:$0x300] =	vst v0  }
0x52: {  	v52 =	vld [tilespmem:$0x70];
	v51 =	vadd.s32 $0x30D40, v45;
	[tilespmem:$0x310] =	vst v49  }
0x53: {  	v53 =	vadd.s32 $0x30D40, v46;
	[tilespmem:$0x320] =	vst v51  }
0x54: {  	v54 =	vadd.s32 $0x30D40, v47;
	[tilespmem:$0x330] =	vst v53  }
0x55: {  	v55 =	vadd.s32 $0x30D40, v48;
	[tilespmem:$0x340] =	vst v54  }
0x56: {  	v56 =	vadd.s32 $0x30D40, v50;
	[tilespmem:$0x350] =	vst v55  }
0x57: {  	s0 =	rddreg [dreg:$0xb];
	v57 =	vadd.s32 $0x30D40, v52;
	[tilespmem:$0x360] =	vst v56  }
0x58: {  	s11 =	rddreg [dreg:$0xc];
	[tilespmem:$0x370] =	vst v57  }
0x59: {  	[tilespmem:s11], [sflag:$0x1] =	stream.indirect.gather [hbm4b:s4+s7], $0x1, s0, s7, $0xb8;
	[tilespmem:$0x1E00] =	vst v63  }
0x5a: {  	v58 =	vld [tilespmem:$0x0]  }
0x5b: {  	v59 =	vld [tilespmem:$0x10]  }
0x5c: {  	v60 =	vld [tilespmem:$0x20]  }
0x5d: {  	v61 =	vld [tilespmem:$0x30]  }
0x5e: {  	v62 =	vld [tilespmem:$0x40]  }
0x5f: {  	v63 =	vld [tilespmem:$0x50];
	v0 =	vadd.s32 $0x493E0, v58  }
0x60: {  	v7 =	vld [tilespmem:$0x60];
	v6 =	vadd.s32 $0x493E0, v59;
	[tilespmem:$0x380] =	vst v0  }
0x61: {  	v9 =	vld [tilespmem:$0x70];
	v8 =	vadd.s32 $0x493E0, v60;
	[tilespmem:$0x390] =	vst v6  }
0x62: {  	v10 =	vadd.s32 $0x493E0, v61;
	[tilespmem:$0x3A0] =	vst v8  }
0x63: {  	v11 =	vadd.s32 $0x493E0, v62;
	[tilespmem:$0x3B0] =	vst v10  }
0x64: {  	v12 =	vadd.s32 $0x493E0, v63;
	[tilespmem:$0x3C0] =	vst v11  }
0x65: {  	v13 =	vadd.s32 $0x493E0, v7;
	[tilespmem:$0x3D0] =	vst v12  }
0x66: {  	s0 =	rddreg [dreg:$0xd];
	v14 =	vadd.s32 $0x493E0, v9;
	[tilespmem:$0x3E0] =	vst v13  }
0x67: {  	s11 =	rddreg [dreg:$0xe];
	[tilespmem:$0x3F0] =	vst v14  }
0x68: {  	[tilespmem:s11], [sflag:$0x1] =	stream.indirect.gather [hbm4b:s4+s7], $0x1, s0, s7, $0xb8;
	[tilespmem:$0x1E00] =	vst v63  }
0x69: {  	v15 =	vld [tilespmem:$0x0]  }
0x6a: {  	v16 =	vld [tilespmem:$0x10]  }
0x6b: {  	v17 =	vld [tilespmem:$0x20]  }
0x6c: {  	v18 =	vld [tilespmem:$0x30]  }
0x6d: {  	v19 =	vld [tilespmem:$0x40]  }
0x6e: {  	v20 =	vld [tilespmem:$0x50];
	v0 =	vadd.s32 $0x61A80, v15  }
0x6f: {  	v22 =	vld [tilespmem:$0x60];
	v21 =	vadd.s32 $0x61A80, v16;
	[tilespmem:$0x400] =	vst v0  }
0x70: {  	v24 =	vld [tilespmem:$0x70];
	v23 =	vadd.s32 $0x61A80, v17;
	[tilespmem:$0x410] =	vst v21  }
0x71: {  	v25 =	vadd.s32 $0x61A80, v18;
	[tilespmem:$0x420] =	vst v23  }
0x72: {  	v26 =	vadd.s32 $0x61A80, v19;
	[tilespmem:$0x430] =	vst v25  }
0x73: {  	v27 =	vadd.s32 $0x61A80, v20;
	[tilespmem:$0x440] =	vst v26  }
0x74: {  	v28 =	vadd.s32 $0x61A80, v22;
	[tilespmem:$0x450] =	vst v27  }
0x75: {  	s0 =	rddreg [dreg:$0xf];
	v29 =	vadd.s32 $0x61A80, v24;
	[tilespmem:$0x460] =	vst v28  }
0x76: {  	s11 =	rddreg [dreg:$0x10];
	[tilespmem:$0x470] =	vst v29  }
0x77: {  	[tilespmem:s11], [sflag:$0x1] =	stream.indirect.gather [hbm4b:s4+s7], $0x1, s0, s7, $0xb8;
	[tilespmem:$0x1E00] =	vst v63  }
0x78: {  	v30 =	vld [tilespmem:$0x0]  }
0x79: {  	v31 =	vld [tilespmem:$0x10]  }
0x7a: {  	v32 =	vld [tilespmem:$0x20]  }
0x7b: {  	v33 =	vld [tilespmem:$0x30]  }
0x7c: {  	v34 =	vld [tilespmem:$0x40]  }
0x7d: {  	v35 =	vld [tilespmem:$0x50];
	v0 =	vadd.s32 $0x7A120, v30  }
0x7e: {  	v37 =	vld [tilespmem:$0x60];
	v36 =	vadd.s32 $0x7A120, v31;
	[tilespmem:$0x480] =	vst v0  }
0x7f: {  	v39 =	vld [tilespmem:$0x70];
	v38 =	vadd.s32 $0x7A120, v32;
	[tilespmem:$0x490] =	vst v36  }
0x80: {  	v40 =	vadd.s32 $0x7A120, v33;
	[tilespmem:$0x4A0] =	vst v38  }
0x81: {  	v41 =	vadd.s32 $0x7A120, v34;
	[tilespmem:$0x4B0] =	vst v40  }
0x82: {  	v42 =	vadd.s32 $0x7A120, v35;
	[tilespmem:$0x4C0] =	vst v41  }
0x83: {  	v43 =	vadd.s32 $0x7A120, v37;
	[tilespmem:$0x4D0] =	vst v42  }
0x84: {  	s0 =	rddreg [dreg:$0x11];
	v44 =	vadd.s32 $0x7A120, v39;
	[tilespmem:$0x4E0] =	vst v43  }
0x85: {  	s11 =	rddreg [dreg:$0x12];
	[tilespmem:$0x4F0] =	vst v44  }
0x86: {  	[tilespmem:s11], [sflag:$0x1] =	stream.indirect.gather [hbm4b:s4+s7], $0x1, s0, s7, $0xb8;
	[tilespmem:$0x1E00] =	vst v63  }
0x87: {  	v45 =	vld [tilespmem:$0x80]  }
0x88: {  	v46 =	vld [tilespmem:$0x90]  }
0x89: {  	v47 =	vld [tilespmem:$0xA0]  }
0x8a: {  	v48 =	vld [tilespmem:$0xB0]  }
0x8b: {  	v49 =	vld [tilespmem:$0xC0]  }
0x8c: {  	v50 =	vld [tilespmem:$0xD0];
	[tilespmem:$0x500] =	vst v45  }
0x8d: {  	v51 =	vld [tilespmem:$0xE0];
	[tilespmem:$0x510] =	vst v46  }
0x8e: {  	v52 =	vld [tilespmem:$0xF0];
	[tilespmem:$0x520] =	vst v47  }
0x8f: {  	[tilespmem:$0x530] =	vst v48  }
0x90: {  	[tilespmem:$0x540] =	vst v49  }
0x91: {  	[tilespmem:$0x550] =	vst v50  }
0x92: {  	[tilespmem:$0x560] =	vst v51  }
0x93: {  	s11 =	rddreg [dreg:$0x13];
	[tilespmem:$0x570] =	vst v52  }
0x94: {  	[tilespmem:s9], [sflag:$0x2] =	stream.indirect.gather [hbm4b:s4+s7], $0x1, s11, s7, $0xb8;
	[tilespmem:$0x1E00] =	vst v63  }
0x95: {  	v53 =	vld [tilespmem:$0x80]  }
0x96: {  	v54 =	vld [tilespmem:$0x90]  }
0x97: {  	v55 =	vld [tilespmem:$0xA0]  }
0x98: {  	v56 =	vld [tilespmem:$0xB0]  }
0x99: {  	v57 =	vld [tilespmem:$0xC0]  }
0x9a: {  	v58 =	vld [tilespmem:$0xD0];
	v0 =	vadd.s32 $0x186A0, v53  }
0x9b: {  	v60 =	vld [tilespmem:$0xE0];
	v59 =	vadd.s32 $0x186A0, v54;
	[tilespmem:$0x580] =	vst v0  }
0x9c: {  	v62 =	vld [tilespmem:$0xF0];
	v61 =	vadd.s32 $0x186A0, v55;
	[tilespmem:$0x590] =	vst v59  }
0x9d: {  	v63 =	vadd.s32 $0x186A0, v56;
	[tilespmem:$0x5A0] =	vst v61  }
0x9e: {  	v4 =	vadd.s32 $0x186A0, v57;
	[tilespmem:$0x5B0] =	vst v63  }
0x9f: {  	v5 =	vadd.s32 $0x186A0, v58;
	[tilespmem:$0x5C0] =	vst v4  }
0xa0: {  	v6 =	vadd.s32 $0x186A0, v60;
	[tilespmem:$0x5D0] =	vst v5  }
0xa1: {  	s0 =	rddreg [dreg:$0x14];
	v7 =	vadd.s32 $0x186A0, v62;
	[tilespmem:$0x5E0] =	vst v6  }
0xa2: {  	s11 =	rddreg [dreg:$0x15];
	[tilespmem:$0x5F0] =	vst v7  }
0xa3: {  	[tilespmem:s11], [sflag:$0x2] =	stream.indirect.gather [hbm4b:s4+s7], $0x1, s0, s7, $0xb8;
	[tilespmem:$0x1E00] =	vst v63  }
0xa4: {  	v8 =	vld [tilespmem:$0x80]  }
0xa5: {  	v9 =	vld [tilespmem:$0x90]  }
0xa6: {  	v10 =	vld [tilespmem:$0xA0]  }
0xa7: {  	v11 =	vld [tilespmem:$0xB0]  }
0xa8: {  	v12 =	vld [tilespmem:$0xC0]  }
0xa9: {  	v13 =	vld [tilespmem:$0xD0];
	v0 =	vadd.s32 $0x30D40, v8  }
0xaa: {  	v15 =	vld [tilespmem:$0xE0];
	v14 =	vadd.s32 $0x30D40, v9;
	[tilespmem:$0x600] =	vst v0  }
0xab: {  	v17 =	vld [tilespmem:$0xF0];
	v16 =	vadd.s32 $0x30D40, v10;
	[tilespmem:$0x610] =	vst v14  }
0xac: {  	v18 =	vadd.s32 $0x30D40, v11;
	[tilespmem:$0x620] =	vst v16  }
0xad: {  	v19 =	vadd.s32 $0x30D40, v12;
	[tilespmem:$0x630] =	vst v18  }
0xae: {  	v20 =	vadd.s32 $0x30D40, v13;
	[tilespmem:$0x640] =	vst v19  }
0xaf: {  	v21 =	vadd.s32 $0x30D40, v15;
	[tilespmem:$0x650] =	vst v20  }
0xb0: {  	s0 =	rddreg [dreg:$0x16];
	v22 =	vadd.s32 $0x30D40, v17;
	[tilespmem:$0x660] =	vst v21  }
0xb1: {  	s11 =	rddreg [dreg:$0x17];
	[tilespmem:$0x670] =	vst v22  }
0xb2: {  	[tilespmem:s11], [sflag:$0x2] =	stream.indirect.gather [hbm4b:s4+s7], $0x1, s0, s7, $0xb8;
	[tilespmem:$0x1E00] =	vst v63  }
0xb3: {  	v23 =	vld [tilespmem:$0x80]  }
0xb4: {  	v24 =	vld [tilespmem:$0x90]  }
0xb5: {  	v25 =	vld [tilespmem:$0xA0]  }
0xb6: {  	v26 =	vld [tilespmem:$0xB0]  }
0xb7: {  	v27 =	vld [tilespmem:$0xC0]  }
0xb8: {  	v28 =	vld [tilespmem:$0xD0];
	v0 =	vadd.s32 $0x493E0, v23  }
0xb9: {  	v30 =	vld [tilespmem:$0xE0];
	v29 =	vadd.s32 $0x493E0, v24;
	[tilespmem:$0x680] =	vst v0  }
0xba: {  	v32 =	vld [tilespmem:$0xF0];
	v31 =	vadd.s32 $0x493E0, v25;
	[tilespmem:$0x690] =	vst v29  }
0xbb: {  	v33 =	vadd.s32 $0x493E0, v26;
	[tilespmem:$0x6A0] =	vst v31  }
0xbc: {  	v34 =	vadd.s32 $0x493E0, v27;
	[tilespmem:$0x6B0] =	vst v33  }
0xbd: {  	v35 =	vadd.s32 $0x493E0, v28;
	[tilespmem:$0x6C0] =	vst v34  }
0xbe: {  	v36 =	vadd.s32 $0x493E0, v30;
	[tilespmem:$0x6D0] =	vst v35  }
0xbf: {  	s0 =	rddreg [dreg:$0x18];
	v37 =	vadd.s32 $0x493E0, v32;
	[tilespmem:$0x6E0] =	vst v36  }
0xc0: {  	s11 =	rddreg [dreg:$0x19];
	[tilespmem:$0x6F0] =	vst v37  }
0xc1: {  	[tilespmem:s11], [sflag:$0x2] =	stream.indirect.gather [hbm4b:s4+s7], $0x1, s0, s7, $0xb8;
	[tilespmem:$0x1E00] =	vst v63  }
0xc2: {  	v38 =	vld [tilespmem:$0x80]  }
0xc3: {  	v39 =	vld [tilespmem:$0x90]  }
0xc4: {  	v40 =	vld [tilespmem:$0xA0]  }
0xc5: {  	v41 =	vld [tilespmem:$0xB0]  }
0xc6: {  	v42 =	vld [tilespmem:$0xC0]  }
0xc7: {  	v43 =	vld [tilespmem:$0xD0];
	v0 =	vadd.s32 $0x61A80, v38  }
0xc8: {  	v45 =	vld [tilespmem:$0xE0];
	v44 =	vadd.s32 $0x61A80, v39;
	[tilespmem:$0x700] =	vst v0  }
0xc9: {  	v47 =	vld [tilespmem:$0xF0];
	v46 =	vadd.s32 $0x61A80, v40;
	[tilespmem:$0x710] =	vst v44  }
0xca: {  	v48 =	vadd.s32 $0x61A80, v41;
	[tilespmem:$0x720] =	vst v46  }
0xcb: {  	v49 =	vadd.s32 $0x61A80, v42;
	[tilespmem:$0x730] =	vst v48  }
0xcc: {  	v50 =	vadd.s32 $0x61A80, v43;
	[tilespmem:$0x740] =	vst v49  }
0xcd: {  	v51 =	vadd.s32 $0x61A80, v45;
	[tilespmem:$0x750] =	vst v50  }
0xce: {  	s0 =	rddreg [dreg:$0x1a];
	v52 =	vadd.s32 $0x61A80, v47;
	[tilespmem:$0x760] =	vst v51  }
0xcf: {  	s11 =	rddreg [dreg:$0x1b];
	[tilespmem:$0x770] =	vst v52  }
0xd0: {  	[tilespmem:s11], [sflag:$0x2] =	stream.indirect.gather [hbm4b:s4+s7], $0x1, s0, s7, $0xb8;
	[tilespmem:$0x1E00] =	vst v63  }
0xd1: {  	v53 =	vld [tilespmem:$0x80]  }
0xd2: {  	v54 =	vld [tilespmem:$0x90]  }
0xd3: {  	v55 =	vld [tilespmem:$0xA0]  }
0xd4: {  	v56 =	vld [tilespmem:$0xB0]  }
0xd5: {  	v57 =	vld [tilespmem:$0xC0]  }
0xd6: {  	v58 =	vld [tilespmem:$0xD0];
	v0 =	vadd.s32 $0x7A120, v53  }
0xd7: {  	v60 =	vld [tilespmem:$0xE0];
	v59 =	vadd.s32 $0x7A120, v54;
	[tilespmem:$0x780] =	vst v0  }
0xd8: {  	v62 =	vld [tilespmem:$0xF0];
	v61 =	vadd.s32 $0x7A120, v55;
	[tilespmem:$0x790] =	vst v59  }
0xd9: {  	v63 =	vadd.s32 $0x7A120, v56;
	[tilespmem:$0x7A0] =	vst v61  }
0xda: {  	v6 =	vadd.s32 $0x7A120, v57;
	[tilespmem:$0x7B0] =	vst v63  }
0xdb: {  	v7 =	vadd.s32 $0x7A120, v58;
	[tilespmem:$0x7C0] =	vst v6  }
0xdc: {  	v8 =	vadd.s32 $0x7A120, v60;
	[tilespmem:$0x7D0] =	vst v7  }
0xdd: {  	s0 =	rddreg [dreg:$0x1c];
	v9 =	vadd.s32 $0x7A120, v62;
	[tilespmem:$0x7E0] =	vst v8  }
0xde: {  	s11 =	rddreg [dreg:$0x1d];
	[tilespmem:$0x7F0] =	vst v9  }
0xdf: {  	[tilespmem:s11], [sflag:$0x2] =	stream.indirect.gather [hbm4b:s4+s7], $0x1, s0, s7, $0xb8;
	[tilespmem:$0x1E00] =	vst v63  }
0xe0: {  	v10 =	vld [tilespmem:$0x100]  }
0xe1: {  	v11 =	vld [tilespmem:$0x110]  }
0xe2: {  	v12 =	vld [tilespmem:$0x120]  }
0xe3: {  	v13 =	vld [tilespmem:$0x130]  }
0xe4: {  	v14 =	vld [tilespmem:$0x140]  }
0xe5: {  	v15 =	vld [tilespmem:$0x150];
	[tilespmem:$0x800] =	vst v10  }
0xe6: {  	v16 =	vld [tilespmem:$0x160];
	[tilespmem:$0x810] =	vst v11  }
0xe7: {  	v17 =	vld [tilespmem:$0x170];
	[tilespmem:$0x820] =	vst v12  }
0xe8: {  	[tilespmem:$0x830] =	vst v13  }
0xe9: {  	[tilespmem:$0x840] =	vst v14  }
0xea: {  	[tilespmem:$0x850] =	vst v15  }
0xeb: {  	[tilespmem:$0x860] =	vst v16  }
0xec: {  	s11 =	rddreg [dreg:$0x1e];
	[tilespmem:$0x870] =	vst v17  }
0xed: {  	[tilespmem:s10], [sflag:$0x3] =	stream.indirect.gather [hbm4b:s4+s7], $0x1, s11, s7, $0xb8;
	[tilespmem:$0x1E00] =	vst v63  }
0xee: {  	v18 =	vld [tilespmem:$0x100]  }
0xef: {  	v19 =	vld [tilespmem:$0x110]  }
0xf0: {  	v20 =	vld [tilespmem:$0x120]  }
0xf1: {  	v21 =	vld [tilespmem:$0x130]  }
0xf2: {  	v22 =	vld [tilespmem:$0x140]  }
0xf3: {  	v23 =	vld [tilespmem:$0x150];
	v0 =	vadd.s32 $0x186A0, v18  }
0xf4: {  	v25 =	vld [tilespmem:$0x160];
	v24 =	vadd.s32 $0x186A0, v19;
	[tilespmem:$0x880] =	vst v0  }
0xf5: {  	v27 =	vld [tilespmem:$0x170];
	v26 =	vadd.s32 $0x186A0, v20;
	[tilespmem:$0x890] =	vst v24  }
0xf6: {  	v28 =	vadd.s32 $0x186A0, v21;
	[tilespmem:$0x8A0] =	vst v26  }
0xf7: {  	v29 =	vadd.s32 $0x186A0, v22;
	[tilespmem:$0x8B0] =	vst v28  }
0xf8: {  	v30 =	vadd.s32 $0x186A0, v23;
	[tilespmem:$0x8C0] =	vst v29  }
0xf9: {  	s11 =	sld [smem:$0x7F9];
	v31 =	vadd.s32 $0x186A0, v25;
	[tilespmem:$0x8D0] =	vst v30  }
0xfa: {  	v32 =	vadd.s32 $0x186A0, v27;
	[tilespmem:$0x8E0] =	vst v31  }
0xfb: {  	s0 =	rddreg [dreg:$0x1f];
	[tilespmem:$0x8F0] =	vst v32  }
0xfc: {  	[tilespmem:s11], [sflag:$0x3] =	stream.indirect.gather [hbm4b:s4+s7], $0x1, s0, s7, $0xb8;
	[tilespmem:$0x1E00] =	vst v63  }
0xfd: {  	v33 =	vld [tilespmem:$0x100]  }
0xfe: {  	v34 =	vld [tilespmem:$0x110]  }
0xff: {  	v35 =	vld [tilespmem:$0x120]  }
0x100: {  	v36 =	vld [tilespmem:$0x130]  }
0x101: {  	v37 =	vld [tilespmem:$0x140]  }
0x102: {  	v38 =	vld [tilespmem:$0x150];
	v0 =	vadd.s32 $0x30D40, v33  }
0x103: {  	v40 =	vld [tilespmem:$0x160];
	v39 =	vadd.s32 $0x30D40, v34;
	[tilespmem:$0x900] =	vst v0  }
0x104: {  	v42 =	vld [tilespmem:$0x170];
	v41 =	vadd.s32 $0x30D40, v35;
	[tilespmem:$0x910] =	vst v39  }
0x105: {  	v43 =	vadd.s32 $0x30D40, v36;
	[tilespmem:$0x920] =	vst v41  }
0x106: {  	v44 =	vadd.s32 $0x30D40, v37;
	[tilespmem:$0x930] =	vst v43  }
0x107: {  	s0 =	sld [smem:$0x7FA];
	v45 =	vadd.s32 $0x30D40, v38;
	[tilespmem:$0x940] =	vst v44  }
0x108: {  	s11 =	sld [smem:$0x7FB];
	v46 =	vadd.s32 $0x30D40, v40;
	[tilespmem:$0x950] =	vst v45  }
0x109: {  	v47 =	vadd.s32 $0x30D40, v42;
	[tilespmem:$0x960] =	vst v46  }
0x10a: {  	[tilespmem:$0x970] =	vst v47  }
0x10b: {  	[tilespmem:s11], [sflag:$0x3] =	stream.indirect.gather [hbm4b:s4+s7], $0x1, s0, s7, $0xb8;
	[tilespmem:$0x1E00] =	vst v63  }
0x10c: {  	v48 =	vld [tilespmem:$0x100]  }
0x10d: {  	v49 =	vld [tilespmem:$0x110]  }
0x10e: {  	v50 =	vld [tilespmem:$0x120]  }
0x10f: {  	v51 =	vld [tilespmem:$0x130]  }
0x110: {  	v52 =	vld [tilespmem:$0x140]  }
0x111: {  	v53 =	vld [tilespmem:$0x150];
	v0 =	vadd.s32 $0x493E0, v48  }
0x112: {  	v55 =	vld [tilespmem:$0x160];
	v54 =	vadd.s32 $0x493E0, v49;
	[tilespmem:$0x980] =	vst v0  }
0x113: {  	v57 =	vld [tilespmem:$0x170];
	v56 =	vadd.s32 $0x493E0, v50;
	[tilespmem:$0x990] =	vst v54  }
0x114: {  	v58 =	vadd.s32 $0x493E0, v51;
	[tilespmem:$0x9A0] =	vst v56  }
0x115: {  	v59 =	vadd.s32 $0x493E0, v52;
	[tilespmem:$0x9B0] =	vst v58  }
0x116: {  	s0 =	sld [smem:$0x7FC];
	v60 =	vadd.s32 $0x493E0, v53;
	[tilespmem:$0x9C0] =	vst v59  }
0x117: {  	s11 =	sld [smem:$0x7FD];
	v61 =	vadd.s32 $0x493E0, v55;
	[tilespmem:$0x9D0] =	vst v60  }
0x118: {  	v62 =	vadd.s32 $0x493E0, v57;
	[tilespmem:$0x9E0] =	vst v61  }
0x119: {  	[tilespmem:$0x9F0] =	vst v62  }
0x11a: {  	[tilespmem:s11], [sflag:$0x3] =	stream.indirect.gather [hbm4b:s4+s7], $0x1, s0, s7, $0xb8;
	[tilespmem:$0x1E00] =	vst v63  }
0x11b: {  	v63 =	vld [tilespmem:$0x100]  }
0x11c: {  	v8 =	vld [tilespmem:$0x110]  }
0x11d: {  	v9 =	vld [tilespmem:$0x120]  }
0x11e: {  	v10 =	vld [tilespmem:$0x130]  }
0x11f: {  	v11 =	vld [tilespmem:$0x140]  }
0x120: {  	v12 =	vld [tilespmem:$0x150];
	v0 =	vadd.s32 $0x61A80, v63  }
0x121: {  	v14 =	vld [tilespmem:$0x160];
	v13 =	vadd.s32 $0x61A80, v8;
	[tilespmem:$0xA00] =	vst v0  }
0x122: {  	v16 =	vld [tilespmem:$0x170];
	v15 =	vadd.s32 $0x61A80, v9;
	[tilespmem:$0xA10] =	vst v13  }
0x123: {  	v17 =	vadd.s32 $0x61A80, v10;
	[tilespmem:$0xA20] =	vst v15  }
0x124: {  	v18 =	vadd.s32 $0x61A80, v11;
	[tilespmem:$0xA30] =	vst v17  }
0x125: {  	v19 =	vadd.s32 $0x61A80, v12;
	[tilespmem:$0xA40] =	vst v18  }
0x126: {  	v20 =	vadd.s32 $0x61A80, v14;
	[tilespmem:$0xA50] =	vst v19  }
0x127: {  	v21 =	vadd.s32 $0x61A80, v16;
	[tilespmem:$0xA60] =	vst v20  }
0x128: {  	s11 =	simm.s32 $0xA00;
	[tilespmem:$0xA70] =	vst v21  }
0x129: {  	[tilespmem:s12], [sflag:$0x3] =	stream.indirect.gather [hbm4b:s4+s7], $0x1, s11, s7, $0xb8;
	[tilespmem:$0x1E00] =	vst v63  }
0x12a: {  	v22 =	vld [tilespmem:$0x100]  }
0x12b: {  	v23 =	vld [tilespmem:$0x110]  }
0x12c: {  	v24 =	vld [tilespmem:$0x120]  }
0x12d: {  	v25 =	vld [tilespmem:$0x130]  }
0x12e: {  	v26 =	vld [tilespmem:$0x140]  }
0x12f: {  	v27 =	vld [tilespmem:$0x150];
	v0 =	vadd.s32 $0x7A120, v22  }
0x130: {  	v29 =	vld [tilespmem:$0x160];
	v28 =	vadd.s32 $0x7A120, v23;
	[tilespmem:$0xA80] =	vst v0  }
0x131: {  	v31 =	vld [tilespmem:$0x170];
	v30 =	vadd.s32 $0x7A120, v24;
	[tilespmem:$0xA90] =	vst v28  }
0x132: {  	v32 =	vadd.s32 $0x7A120, v25;
	[tilespmem:$0xAA0] =	vst v30  }
0x133: {  	v33 =	vadd.s32 $0x7A120, v26;
	[tilespmem:$0xAB0] =	vst v32  }
0x134: {  	v34 =	vadd.s32 $0x7A120, v27;
	[tilespmem:$0xAC0] =	vst v33  }
0x135: {  	v35 =	vadd.s32 $0x7A120, v29;
	[tilespmem:$0xAD0] =	vst v34  }
0x136: {  	v36 =	vadd.s32 $0x7A120, v31;
	[tilespmem:$0xAE0] =	vst v35  }
0x137: {  	[tilespmem:$0xAF0] =	vst v36  }
0x138: {  	[tilespmem:s14], [sflag:$0x3] =	stream.indirect.gather [hbm4b:s4+s7], $0x1, s13, s7, $0xb8;
	[tilespmem:$0x1E00] =	vst v63  }
0x139: {  	v37 =	vld [tilespmem:$0x180]  }
0x13a: {  	v38 =	vld [tilespmem:$0x190]  }
0x13b: {  	v39 =	vld [tilespmem:$0x1A0]  }
0x13c: {  	v40 =	vld [tilespmem:$0x1B0]  }
0x13d: {  	v41 =	vld [tilespmem:$0x1C0]  }
0x13e: {  	v42 =	vld [tilespmem:$0x1D0];
	[tilespmem:$0xB00] =	vst v37  }
0x13f: {  	v43 =	vld [tilespmem:$0x1E0];
	[tilespmem:$0xB10] =	vst v38  }
0x140: {  	v44 =	vld [tilespmem:$0x1F0];
	[tilespmem:$0xB20] =	vst v39  }
0x141: {  	[tilespmem:$0xB30] =	vst v40  }
0x142: {  	[tilespmem:$0xB40] =	vst v41  }
0x143: {  	[tilespmem:$0xB50] =	vst v42  }
0x144: {  	[tilespmem:$0xB60] =	vst v43  }
0x145: {  	[tilespmem:$0xB70] =	vst v44  }
0x146: {  	[tilespmem:s16], [sflag:$0x4] =	stream.indirect.gather [hbm4b:s4+s7], $0x1, s15, s7, $0xb8;
	[tilespmem:$0x1E00] =	vst v63  }
0x147: {  	v45 =	vld [tilespmem:$0x180]  }
0x148: {  	v46 =	vld [tilespmem:$0x190]  }
0x149: {  	v47 =	vld [tilespmem:$0x1A0]  }
0x14a: {  	v48 =	vld [tilespmem:$0x1B0]  }
0x14b: {  	v49 =	vld [tilespmem:$0x1C0]  }
0x14c: {  	v50 =	vld [tilespmem:$0x1D0];
	v0 =	vadd.s32 $0x186A0, v45  }
0x14d: {  	v52 =	vld [tilespmem:$0x1E0];
	v51 =	vadd.s32 $0x186A0, v46;
	[tilespmem:$0xB80] =	vst v0  }
0x14e: {  	v54 =	vld [tilespmem:$0x1F0];
	v53 =	vadd.s32 $0x186A0, v47;
	[tilespmem:$0xB90] =	vst v51  }
0x14f: {  	v55 =	vadd.s32 $0x186A0, v48;
	[tilespmem:$0xBA0] =	vst v53  }
0x150: {  	v56 =	vadd.s32 $0x186A0, v49;
	[tilespmem:$0xBB0] =	vst v55  }
0x151: {  	v57 =	vadd.s32 $0x186A0, v50;
	[tilespmem:$0xBC0] =	vst v56  }
0x152: {  	v58 =	vadd.s32 $0x186A0, v52;
	[tilespmem:$0xBD0] =	vst v57  }
0x153: {  	v59 =	vadd.s32 $0x186A0, v54;
	[tilespmem:$0xBE0] =	vst v58  }
0x154: {  	[tilespmem:$0xBF0] =	vst v59  }
0x155: {  	[tilespmem:s18], [sflag:$0x4] =	stream.indirect.gather [hbm4b:s4+s7], $0x1, s17, s7, $0xb8;
	[tilespmem:$0x1E00] =	vst v63  }
0x156: {  	v60 =	vld [tilespmem:$0x180]  }
0x157: {  	v61 =	vld [tilespmem:$0x190]  }
0x158: {  	v62 =	vld [tilespmem:$0x1A0]  }
0x159: {  	v63 =	vld [tilespmem:$0x1B0]  }
0x15a: {  	v8 =	vld [tilespmem:$0x1C0]  }
0x15b: {  	v9 =	vld [tilespmem:$0x1D0];
	v0 =	vadd.s32 $0x30D40, v60  }
0x15c: {  	v11 =	vld [tilespmem:$0x1E0];
	v10 =	vadd.s32 $0x30D40, v61;
	[tilespmem:$0xC00] =	vst v0  }
0x15d: {  	v13 =	vld [tilespmem:$0x1F0];
	v12 =	vadd.s32 $0x30D40, v62;
	[tilespmem:$0xC10] =	vst v10  }
0x15e: {  	v14 =	vadd.s32 $0x30D40, v63;
	[tilespmem:$0xC20] =	vst v12  }
0x15f: {  	v15 =	vadd.s32 $0x30D40, v8;
	[tilespmem:$0xC30] =	vst v14  }
0x160: {  	v16 =	vadd.s32 $0x30D40, v9;
	[tilespmem:$0xC40] =	vst v15  }
0x161: {  	v17 =	vadd.s32 $0x30D40, v11;
	[tilespmem:$0xC50] =	vst v16  }
0x162: {  	v18 =	vadd.s32 $0x30D40, v13;
	[tilespmem:$0xC60] =	vst v17  }
0x163: {  	[tilespmem:$0xC70] =	vst v18  }
0x164: {  	[tilespmem:s20], [sflag:$0x4] =	stream.indirect.gather [hbm4b:s4+s7], $0x1, s19, s7, $0xb8;
	[tilespmem:$0x1E00] =	vst v63  }
0x165: {  	v19 =	vld [tilespmem:$0x180]  }
0x166: {  	v20 =	vld [tilespmem:$0x190]  }
0x167: {  	v21 =	vld [tilespmem:$0x1A0]  }
0x168: {  	v22 =	vld [tilespmem:$0x1B0]  }
0x169: {  	v23 =	vld [tilespmem:$0x1C0]  }
0x16a: {  	v24 =	vld [tilespmem:$0x1D0];
	v0 =	vadd.s32 $0x493E0, v19  }
0x16b: {  	v26 =	vld [tilespmem:$0x1E0];
	v25 =	vadd.s32 $0x493E0, v20;
	[tilespmem:$0xC80] =	vst v0  }
0x16c: {  	v28 =	vld [tilespmem:$0x1F0];
	v27 =	vadd.s32 $0x493E0, v21;
	[tilespmem:$0xC90] =	vst v25  }
0x16d: {  	v29 =	vadd.s32 $0x493E0, v22;
	[tilespmem:$0xCA0] =	vst v27  }
0x16e: {  	v30 =	vadd.s32 $0x493E0, v23;
	[tilespmem:$0xCB0] =	vst v29  }
0x16f: {  	v31 =	vadd.s32 $0x493E0, v24;
	[tilespmem:$0xCC0] =	vst v30  }
0x170: {  	v32 =	vadd.s32 $0x493E0, v26;
	[tilespmem:$0xCD0] =	vst v31  }
0x171: {  	v33 =	vadd.s32 $0x493E0, v28;
	[tilespmem:$0xCE0] =	vst v32  }
0x172: {  	[tilespmem:$0xCF0] =	vst v33  }
0x173: {  	[tilespmem:s22], [sflag:$0x4] =	stream.indirect.gather [hbm4b:s4+s7], $0x1, s21, s7, $0xb8;
	[tilespmem:$0x1E00] =	vst v63  }
0x174: {  	v34 =	vld [tilespmem:$0x180]  }
0x175: {  	v35 =	vld [tilespmem:$0x190]  }
0x176: {  	v36 =	vld [tilespmem:$0x1A0]  }
0x177: {  	v37 =	vld [tilespmem:$0x1B0]  }
0x178: {  	v38 =	vld [tilespmem:$0x1C0]  }
0x179: {  	v39 =	vld [tilespmem:$0x1D0];
	v0 =	vadd.s32 $0x61A80, v34  }
0x17a: {  	v41 =	vld [tilespmem:$0x1E0];
	v40 =	vadd.s32 $0x61A80, v35;
	[tilespmem:$0xD00] =	vst v0  }
0x17b: {  	v43 =	vld [tilespmem:$0x1F0];
	v42 =	vadd.s32 $0x61A80, v36;
	[tilespmem:$0xD10] =	vst v40  }
0x17c: {  	v44 =	vadd.s32 $0x61A80, v37;
	[tilespmem:$0xD20] =	vst v42  }
0x17d: {  	v45 =	vadd.s32 $0x61A80, v38;
	[tilespmem:$0xD30] =	vst v44  }
0x17e: {  	v46 =	vadd.s32 $0x61A80, v39;
	[tilespmem:$0xD40] =	vst v45  }
0x17f: {  	v47 =	vadd.s32 $0x61A80, v41;
	[tilespmem:$0xD50] =	vst v46  }
0x180: {  	v48 =	vadd.s32 $0x61A80, v43;
	[tilespmem:$0xD60] =	vst v47  }
0x181: {  	[tilespmem:$0xD70] =	vst v48  }
0x182: {  	[tilespmem:s24], [sflag:$0x4] =	stream.indirect.gather [hbm4b:s4+s7], $0x1, s23, s7, $0xb8;
	[tilespmem:$0x1E00] =	vst v63  }
0x183: {  	v49 =	vld [tilespmem:$0x180]  }
0x184: {  	v50 =	vld [tilespmem:$0x190]  }
0x185: {  	v51 =	vld [tilespmem:$0x1A0]  }
0x186: {  	v52 =	vld [tilespmem:$0x1B0]  }
0x187: {  	v53 =	vld [tilespmem:$0x1C0]  }
0x188: {  	v54 =	vld [tilespmem:$0x1D0];
	v0 =	vadd.s32 $0x7A120, v49  }
0x189: {  	v56 =	vld [tilespmem:$0x1E0];
	v55 =	vadd.s32 $0x7A120, v50;
	[tilespmem:$0xD80] =	vst v0  }
0x18a: {  	v58 =	vld [tilespmem:$0x1F0];
	v57 =	vadd.s32 $0x7A120, v51;
	[tilespmem:$0xD90] =	vst v55  }
0x18b: {  	v59 =	vadd.s32 $0x7A120, v52;
	[tilespmem:$0xDA0] =	vst v57  }
0x18c: {  	v60 =	vadd.s32 $0x7A120, v53;
	[tilespmem:$0xDB0] =	vst v59  }
0x18d: {  	v61 =	vadd.s32 $0x7A120, v54;
	[tilespmem:$0xDC0] =	vst v60  }
0x18e: {  	v62 =	vadd.s32 $0x7A120, v56;
	[tilespmem:$0xDD0] =	vst v61  }
0x18f: {  	v63 =	vadd.s32 $0x7A120, v58;
	[tilespmem:$0xDE0] =	vst v62  }
0x190: {  	[tilespmem:$0xDF0] =	vst v63  }
0x191: {  	[tilespmem:s26], [sflag:$0x4] =	stream.indirect.gather [hbm4b:s4+s7], $0x1, s25, s7, $0xb8;
	[tilespmem:$0x1E00] =	vst v63  }
0x192: {  	_ =	swait.ge [sflag:s28], $0x80  }
0x193: {  	[sflag:s28] =	ssyncset.done $0x0  }
0x194: {  	[sflag:s28] =	ssyncadd.s32 $0xFFFFFF80  }
0x195: {  	_ =	swait.ge [sflag:s28], $0x80  }
0x196: {  	[sflag:s28] =	ssyncset.done $0x0  }
0x197: {  	[sflag:s28] =	ssyncadd.s32 $0xFFFFFF80  }
0x198: {  	_ =	swait.ge [sflag:s28], $0x80  }
0x199: {  	[sflag:s28] =	ssyncset.done $0x0  }
0x19a: {  	[sflag:s28] =	ssyncadd.s32 $0xFFFFFF80  }
0x19b: {  	_ =	swait.ge [sflag:s28], $0x80  }
0x19c: {  	[sflag:s28] =	ssyncset.done $0x0  }
0x19d: {  	[sflag:s28] =	ssyncadd.s32 $0xFFFFFF80  }
0x19e: {  	_ =	swait.ge [sflag:s28], $0x80  }
0x19f: {  	[sflag:s28] =	ssyncset.done $0x0  }
0x1a0: {  	[sflag:s28] =	ssyncadd.s32 $0xFFFFFF80  }
0x1a1: {  	_ =	swait.ge [sflag:s28], $0x80  }
0x1a2: {  	[sflag:s28] =	ssyncset.done $0x0  }
0x1a3: {  	[sflag:s28] =	ssyncadd.s32 $0xFFFFFF80  }
0x1a4: {  	[hbm4b:s3+s2] =	stream.linear.scatter [tilespmem:s8], [sflag:$0x5], $0x400, $0x38;
	[tilespmem:$0x1E00] =	vst v63  }
0x1a5: {  	_ =	swait.ge [sflag:s29], $0x80  }
0x1a6: {  	[sflag:s29] =	ssyncset.done $0x0  }
0x1a7: {  	[sflag:s29] =	ssyncadd.s32 $0xFFFFFF80  }
0x1a8: {  	_ =	swait.ge [sflag:s29], $0x80  }
0x1a9: {  	[sflag:s29] =	ssyncset.done $0x0  }
0x1aa: {  	[sflag:s29] =	ssyncadd.s32 $0xFFFFFF80  }
0x1ab: {  	_ =	swait.ge [sflag:s29], $0x80  }
0x1ac: {  	[sflag:s29] =	ssyncset.done $0x0  }
0x1ad: {  	[sflag:s29] =	ssyncadd.s32 $0xFFFFFF80  }
0x1ae: {  	_ =	swait.ge [sflag:s29], $0x80  }
0x1af: {  	[sflag:s29] =	ssyncset.done $0x0  }
0x1b0: {  	[sflag:s29] =	ssyncadd.s32 $0xFFFFFF80  }
0x1b1: {  	_ =	swait.ge [sflag:s29], $0x80  }
0x1b2: {  	[sflag:s29] =	ssyncset.done $0x0  }
0x1b3: {  	[sflag:s29] =	ssyncadd.s32 $0xFFFFFF80  }
0x1b4: {  	_ =	swait.ge [sflag:s29], $0x80  }
0x1b5: {  	[sflag:s29] =	ssyncset.done $0x0  }
0x1b6: {  	s11 =	rddreg [dreg:$0x5];
	[sflag:s29] =	ssyncadd.s32 $0xFFFFFF80  }
0x1b7: {  	[hbm4b:s11+s2] =	stream.linear.scatter [tilespmem:s9], [sflag:$0x5], $0x400, $0x38;
	[tilespmem:$0x1E00] =	vst v63  }
0x1b8: {  	_ =	swait.ge [sflag:s30], $0x80  }
0x1b9: {  	[sflag:s30] =	ssyncset.done $0x0  }
0x1ba: {  	[sflag:s30] =	ssyncadd.s32 $0xFFFFFF80  }
0x1bb: {  	_ =	swait.ge [sflag:s30], $0x80  }
0x1bc: {  	[sflag:s30] =	ssyncset.done $0x0  }
0x1bd: {  	[sflag:s30] =	ssyncadd.s32 $0xFFFFFF80  }
0x1be: {  	_ =	swait.ge [sflag:s30], $0x80  }
0x1bf: {  	[sflag:s30] =	ssyncset.done $0x0  }
0x1c0: {  	[sflag:s30] =	ssyncadd.s32 $0xFFFFFF80  }
0x1c1: {  	_ =	swait.ge [sflag:s30], $0x80  }
0x1c2: {  	[sflag:s30] =	ssyncset.done $0x0  }
0x1c3: {  	[sflag:s30] =	ssyncadd.s32 $0xFFFFFF80  }
0x1c4: {  	_ =	swait.ge [sflag:s30], $0x80  }
0x1c5: {  	[sflag:s30] =	ssyncset.done $0x0  }
0x1c6: {  	[sflag:s30] =	ssyncadd.s32 $0xFFFFFF80  }
0x1c7: {  	_ =	swait.ge [sflag:s30], $0x80  }
0x1c8: {  	[sflag:s30] =	ssyncset.done $0x0  }
0x1c9: {  	s11 =	rddreg [dreg:$0x6];
	[sflag:s30] =	ssyncadd.s32 $0xFFFFFF80  }
0x1ca: {  	[hbm4b:s11+s2] =	stream.linear.scatter [tilespmem:s10], [sflag:$0x5], $0x400, $0x38;
	[tilespmem:$0x1E00] =	vst v63  }
0x1cb: {  	_ =	swait.ge [sflag:s31], $0x80  }
0x1cc: {  	[sflag:s31] =	ssyncset.done $0x0  }
0x1cd: {  	[sflag:s31] =	ssyncadd.s32 $0xFFFFFF80  }
0x1ce: {  	_ =	swait.ge [sflag:s31], $0x80  }
0x1cf: {  	[sflag:s31] =	ssyncset.done $0x0  }
0x1d0: {  	[sflag:s31] =	ssyncadd.s32 $0xFFFFFF80  }
0x1d1: {  	_ =	swait.ge [sflag:s31], $0x80  }
0x1d2: {  	[sflag:s31] =	ssyncset.done $0x0  }
0x1d3: {  	[sflag:s31] =	ssyncadd.s32 $0xFFFFFF80  }
0x1d4: {  	_ =	swait.ge [sflag:s31], $0x80  }
0x1d5: {  	[sflag:s31] =	ssyncset.done $0x0  }
0x1d6: {  	[sflag:s31] =	ssyncadd.s32 $0xFFFFFF80  }
0x1d7: {  	_ =	swait.ge [sflag:s31], $0x80  }
0x1d8: {  	[sflag:s31] =	ssyncset.done $0x0  }
0x1d9: {  	[sflag:s31] =	ssyncadd.s32 $0xFFFFFF80  }
0x1da: {  	_ =	swait.ge [sflag:s31], $0x80  }
0x1db: {  	[sflag:s31] =	ssyncset.done $0x0  }
0x1dc: {  	s11 =	rddreg [dreg:$0x7];
	[sflag:s31] =	ssyncadd.s32 $0xFFFFFF80  }
0x1dd: {  	[hbm4b:s11+s2] =	stream.linear.scatter [tilespmem:s16], [sflag:$0x5], $0x400, $0x38;
	[tilespmem:$0x1E00] =	vst v63  }
0x1de: {  	_ =	swait.ge [sflag:s1], $0x400  }
0x1df: {  	[sflag:s1] =	ssyncset.done $0x0  }
0x1e0: {  	[sflag:s1] =	ssyncadd.s32 $0xFFFFFC00  }
0x1e1: {  	_ =	swait.ge [sflag:s1], $0x400  }
0x1e2: {  	[sflag:s1] =	ssyncset.done $0x0  }
0x1e3: {  	[sflag:s1] =	ssyncadd.s32 $0xFFFFFC00  }
0x1e4: {  	p0 =	sne.s32 s5, $0x1;
	_ =	swait.ge [sflag:s1], $0x400  }
.Ltmp0:
0x1e5: {  	[sflag:s1] =	ssyncset.done $0x0;
	(pc) =	sbr.rel @p0 .LBB2_1-.Ltmp0, $4  }
0x1e6: {  	[sflag:s1] =	ssyncadd.s32 $0xFFFFFC00  }
0x1e7: {  	_ =	swait.ge [sflag:s1], $0x400  }
0x1e8: {  	[sflag:s1] =	ssyncset.done $0x0  }
0x1e9: {  	s5 =	sadd.s32 $0xFFFFFFFF, s5;
	[sflag:s1] =	ssyncadd.s32 $0xFFFFFC00  }
0x1ea: {  	_ =	sfence.sel $0x180000  }
0x1eb: {  	[bflag:$0x0] =	sbarrier.arrive $0xFFFF  }
0x1ec: {  	_ =	strace $0x90000047  }
0x1ed: {  	s0 =	stileid.u32;
	[bflag:$0x2] =	sbarrier.arrive $0xFFFF  }
0x1ee: {  	p0 =	sne.s32 s0, $0x0;
	s0 =	rddreg [dreg:$0x3]  }
0x1ef: {  	s0 =	sadd.s32 @!p0 $0x100000, s0  }
0x1f0: {  	[sflag:s0] =	ssyncadd.tile.s32 @!p0 $0x1;
	_ =	shalt  }
.Lfunc_end2:
_tile_overlayer_lowered:
.L_overlay_start_2:
0x1f1: {  	(tag) =	ssettag $0x2  }
0x1f2: {  	s0 =	rddreg [dreg:$0x0];
	s2 =	stileid.u32  }
0x1f3: {  	s1 =	rddreg [dreg:$0x1];
	p0 =	sne.s32 s2, $0x0  }
0x1f4: {  	s3 =	rddreg [dreg:$0x2];
	[bflag:$0x3] =	sbarrier.arrive $0xFFFF;
	s2 =	simm.s32 @!p0 $0x1C06  }
0x1f5: {  	[timem:s3], [sflag:s2] =	dma.local @!p0 [hbm:s0], s1  }
0x1f6: {  	s0 =	simm.s32 @!p0 $0x6  }
0x1f7: {  	_ =	swait.ge @!p0 [sflag:s0], s1  }
0x1f8: {  	s1 =	ssub.s32 @!p0 $0x0, s1;
	[sflag:s0] =	ssyncset.done @!p0 $0x0  }
0x1f9: {  	[sflag:s0] =	ssyncadd.s32 @!p0 s1  }
0x1fa: {  	[bflag:$0x3] =	sbarrier.arrive $0xFFFF  }
0x1fb: {  	_ =	shalt  }

</sc_bundles>
